<compile_context>
chip_gen: v7x
topology: tpu7x:2x2x1
jax: 0.10.2.dev20260603
libtpu: 0.0.44.dev20260713+nightly
codegen_flags: <defaults>
</compile_context>

<pallas_src>
import functools

import jax
import jax.numpy as jnp
from jax import lax
from jax.experimental import pallas as pl
from jax.experimental.pallas import tpu as pltpu
from jax.experimental.pallas import tpu_sc as plsc

N = 10000
E = 320000
C = 128

NC = 2
NS = 16
NW = NC * NS
K = 80
NWIN = 5
WCHUNKS = 25
CHUNKS = NWIN * WCHUNKS
EDGES_PER_W = CHUNKS * K
PAD_E = EDGES_PER_W - E // NW
ROWS_PER_TILE = 632
N_PAD = NS * ROWS_PER_TILE


def _sc_scatter_fn(x_hbm, src_hbm, dst_hbm, zeros_hbm, out_hbm,
                   s0, d0, s1, d1, rows0, rows1, rows2, acc,
                   semg0, semg1, semg2, semi0, semi1):
    cid = lax.axis_index("c")
    sid = lax.axis_index("s")
    w = cid * NS + sid

    def _startg(sw, c, buf, sem):
        pltpu.async_copy(x_hbm.at[sw.at[jnp.asarray(c, jnp.int32)]], buf, sem)

    pltpu.sync_copy(src_hbm.at[w, jnp.int32(0)], s0)
    pltpu.sync_copy(dst_hbm.at[w, jnp.int32(0)], d0)
    _startg(s0, 0, rows0, semg0)
    _startg(s0, 1, rows1, semg1)
    pltpu.async_copy(src_hbm.at[w, jnp.int32(1)], s1, semi1)
    pltpu.async_copy(dst_hbm.at[w, jnp.int32(1)], d1, semi1)
    pltpu.sync_copy(zeros_hbm, acc.at[pl.ds(sid * ROWS_PER_TILE, ROWS_PER_TILE)])
    plsc.subcore_barrier()

    def _waitg(buf, sem):
        pltpu.make_async_copy(x_hbm.at[pl.ds(0, K)], buf, sem).wait()

    def _waiti(bufs, sem):
        pltpu.make_async_copy(src_hbm.at[jnp.int32(0), jnp.int32(0)], bufs[0], sem).wait()
        pltpu.make_async_copy(src_hbm.at[jnp.int32(0), jnp.int32(0)], bufs[1], sem).wait()

    def run_window(sw, dw, primed=False):
        bufs = (rows0, rows1, rows2)
        sems = (semg0, semg1, semg2)

        def step(c, j, start_ofs):
            if start_ofs:
                _startg(sw, c + start_ofs, bufs[(j + start_ofs) % 3],
                        sems[(j + start_ofs) % 3])
            _waitg(bufs[j % 3], sems[j % 3])
            pltpu.sync_copy(bufs[j % 3], acc.at[dw.at[c]], add=True)

        if not primed:
            _startg(sw, 0, rows0, semg0)
            _startg(sw, 1, rows1, semg1)

        def body(t, c):
            step(c, 0, 2)
            step(c + 1, 1, 2)
            step(c + 2, 2, 2)
            return c + 3

        lax.fori_loop(0, (WCHUNKS - 4) // 3, body, jnp.int32(0))
        t0 = WCHUNKS - 4
        step(jnp.int32(t0), t0 % 3, 2)
        step(jnp.int32(t0 + 1), (t0 + 1) % 3, 2)
        step(jnp.int32(t0 + 2), (t0 + 2) % 3, 0)
        step(jnp.int32(t0 + 3), (t0 + 3) % 3, 0)

    for win in range(NWIN):
        bufs = (s0, d0) if win % 2 == 0 else (s1, d1)
        sem = semi0 if win % 2 == 0 else semi1
        if win >= 1:
            _waiti(bufs, sem)
        run_window(*bufs, primed=(win == 0))
        if win + 2 < NWIN:
            pltpu.async_copy(src_hbm.at[w, jnp.int32(win + 2)], bufs[0], sem)
            pltpu.async_copy(dst_hbm.at[w, jnp.int32(win + 2)], bufs[1], sem)

    plsc.subcore_barrier()
    pltpu.sync_copy(acc.at[pl.ds(sid * ROWS_PER_TILE, ROWS_PER_TILE)],
                    out_hbm.at[cid, pl.ds(sid * ROWS_PER_TILE, ROWS_PER_TILE)])


_sc_scatter = functools.partial(
    pl.kernel,
    out_type=jax.ShapeDtypeStruct((NC, N_PAD, C), jnp.float32),
    mesh=plsc.VectorSubcoreMesh(core_axis_name="c", subcore_axis_name="s"),
    scratch_types=[
        pltpu.VMEM((WCHUNKS, K), jnp.int32),
        pltpu.VMEM((WCHUNKS, K), jnp.int32),
        pltpu.VMEM((WCHUNKS, K), jnp.int32),
        pltpu.VMEM((WCHUNKS, K), jnp.int32),
        pltpu.VMEM((K, C), jnp.float32),
        pltpu.VMEM((K, C), jnp.float32),
        pltpu.VMEM((K, C), jnp.float32),
        pltpu.VMEM_SHARED((N_PAD, C), jnp.float32),
        pltpu.SemaphoreType.DMA,
        pltpu.SemaphoreType.DMA,
        pltpu.SemaphoreType.DMA,
        pltpu.SemaphoreType.DMA,
        pltpu.SemaphoreType.DMA,
    ],
)(_sc_scatter_fn)


def _tc_combine_fn(p_ref, w_ref, b_ref, o_ref):
    agg = p_ref[0, :N] + p_ref[1, :N]
    o_ref[...] = jnp.dot(agg, w_ref[...],
                         preferred_element_type=jnp.float32) + b_ref[...]


_tc_combine = pl.pallas_call(
    _tc_combine_fn,
    out_shape=jax.ShapeDtypeStruct((N, C), jnp.float32),
)


def kernel(x, edge_index, edge_weight, W1, b1, W2, b2, a, b):
    src = edge_index[0].astype(jnp.int32).reshape(NW, E // NW)
    dst = edge_index[1].astype(jnp.int32).reshape(NW, E // NW)
    src = src.reshape(NW, NWIN, WCHUNKS, K)
    dst = dst.reshape(NW, NWIN, WCHUNKS, K)
    zeros = jnp.zeros((ROWS_PER_TILE, C), jnp.float32)
    partials = _sc_scatter(x, src, dst, zeros)
    w2t = W2.T.astype(jnp.float32)
    b2_2d = b2.astype(jnp.float32).reshape(1, C)
    return _tc_combine(partials, w2t, b2_2d)

# --- scband reference (transcript-rebuilt; emitter-appended) ---
"""Pipeline reference for scband-graph-conv-21689584844830 (READ-ONLY COPY).

The authoritative reference and input builder live on the scoring server;
editing this copy changes nothing except your own understanding.
"""

import jax
jax.config.update('jax_enable_x64', True)
import jax.numpy as jnp
import numpy as np

N = 10000
E = 320000
C_IN = 128
C_OUT = 128


def setup_inputs(seed: int = 0) -> dict:
    key = jax.random.key(seed)
    k1, k2, k3, k4, k5 = jax.random.split(key, 5)
    x = jax.random.normal(k1, (N, C_IN), dtype=jnp.float32)
    edge_index = jax.random.randint(k2, (2, E), 0, N, dtype=jnp.int64)
    edge_weight = jax.random.uniform(k3, (E,), dtype=jnp.float32)
    # Learned parameters (glorot-like init); torch Linear stores weight as [out, in]
    scale1 = float(np.sqrt(2.0 / (C_IN + C_OUT)))
    W1 = jax.random.normal(k4, (C_OUT, C_IN), dtype=jnp.float32) * scale1
    b1 = jnp.zeros((C_OUT,), dtype=jnp.float32)
    W2 = jax.random.normal(k5, (C_OUT, C_IN), dtype=jnp.float32) * scale1
    b2 = jnp.zeros((C_OUT,), dtype=jnp.float32)
    a = jnp.full((1,), 0.5, dtype=jnp.float32)
    b = jnp.full((1,), 0.5, dtype=jnp.float32)
    return {"x": x, "edge_index": edge_index, "edge_weight": edge_weight,
            "W1": W1, "b1": b1, "W2": W2, "b2": b2, "a": a, "b": b}


def reference(x, edge_index, edge_weight, W1, b1, W2, b2, a, b):
    # wh_1 = self.w1(x)  (computed in original forward, though not returned)
    wh_1 = x @ W1.T + b1
    # x_j = x[edge_index[0]]  -- gather source-node features per edge
    x_j = jnp.take(x, edge_index[0], axis=0)
    # scatter(src=x_j, index=edge_index[1], dim=0, reduce='sum')
    agg = jax.ops.segment_sum(x_j, edge_index[1], num_segments=x.shape[0])
    # wh_2 = self.w2(x_j_aggregated)
    wh_2 = agg @ W2.T + b2
    return wh_2

if __name__ == "__main__":
    import jax
    _d = setup_inputs()
    print(jax.jit(kernel)(*tuple(_d.values())))

</pallas_src>

<mosaic_0001>
#map = affine_map<(d0, d1) -> (0, 0)>
#map1 = affine_map<(d0, d1) -> (0, 0, 0, 0)>
#map2 = affine_map<(d0, d1) -> (0, 0, 0)>
module attributes {stable_mosaic.version = 14 : i64} {
  func.func @_sc_scatter_fn(%arg0: i32, %arg1: i32, %arg2: memref<10000x128xf32, #tpu.memory_space<hbm>>, %arg3: memref<32x5x25x80xi32, #tpu.memory_space<hbm>>, %arg4: memref<32x5x25x80xi32, #tpu.memory_space<hbm>>, %arg5: memref<632x128xf32, #tpu.memory_space<hbm>>, %arg6: memref<2x10112x128xf32, #tpu.memory_space<hbm>>, %arg7: memref<25x80xi32, #tpu.memory_space<vmem>>, %arg8: memref<25x80xi32, #tpu.memory_space<vmem>>, %arg9: memref<25x80xi32, #tpu.memory_space<vmem>>, %arg10: memref<25x80xi32, #tpu.memory_space<vmem>>, %arg11: memref<80x128xf32, #tpu.memory_space<vmem>>, %arg12: memref<80x128xf32, #tpu.memory_space<vmem>>, %arg13: memref<80x128xf32, #tpu.memory_space<vmem>>, %arg14: memref<10112x128xf32, #tpu.memory_space<vmem_shared>>, %arg15: memref<!tpu.dma_semaphore, #tpu.memory_space<semaphore_mem>>, %arg16: memref<!tpu.dma_semaphore, #tpu.memory_space<semaphore_mem>>, %arg17: memref<!tpu.dma_semaphore, #tpu.memory_space<semaphore_mem>>, %arg18: memref<!tpu.dma_semaphore, #tpu.memory_space<semaphore_mem>>, %arg19: memref<!tpu.dma_semaphore, #tpu.memory_space<semaphore_mem>>) attributes {dimension_semantics = [#tpu.dimension_semantics<core_parallel>, #tpu.dimension_semantics<subcore_parallel>], iteration_bounds = array<i64: 2, 16>, scalar_prefetch = 0 : i64, scratch_operands = 13 : i64, tpu.core_type = #tpu.core_type<sc_vector_subcore>, window_params = [{transform_indices = #map}, {transform_indices = #map1}, {transform_indices = #map1}, {transform_indices = #map}, {transform_indices = #map2}]} {
    %mul3A = arith.constant 16 : i32
    %mul3A_0 = arith.muli %arg0, %mul3A : i32
    %add3A = arith.addi %mul3A_0, %arg1 : i32
    %run_scoped3A = arith.constant 0 : i32
    "tpu.region"() ({
      %run_scoped3A_493 = tpu.sem_alloc : memref<!tpu.dma_semaphore, #tpu.memory_space<semaphore_mem>>
      %dma_start3A_494 = arith.constant 0 : i32
      %dma_start3A_495 = arith.constant 0 : i32
      %dma_start3A_496 = tpu.memref_slice %arg3[%add3A, %run_scoped3A, %dma_start3A_494, %dma_start3A_495] : memref<32x5x25x80xi32, #tpu.memory_space<hbm>> -> memref<1x1x25x80xi32, #tpu.memory_space<hbm>>
      %dma_start3A_497 = tpu.memref_squeeze %dma_start3A_496 : memref<1x1x25x80xi32, #tpu.memory_space<hbm>> -> memref<25x80xi32, #tpu.memory_space<hbm>>
      %dma_start3A_498 = arith.constant 0 : i32
      %dma_start3A_499 = arith.constant 0 : i32
      %dma_start3A_500 = tpu.memref_slice %arg3[%add3A, %run_scoped3A, %dma_start3A_498, %dma_start3A_499] : memref<32x5x25x80xi32, #tpu.memory_space<hbm>> -> memref<1x1x25x80xi32, #tpu.memory_space<hbm>>
      %dma_start3A_501 = tpu.memref_squeeze %dma_start3A_500 : memref<1x1x25x80xi32, #tpu.memory_space<hbm>> -> memref<25x80xi32, #tpu.memory_space<hbm>>
      tpu.enqueue_dma source(%dma_start3A_501 : memref<25x80xi32, #tpu.memory_space<hbm>>) target(%arg7 : memref<25x80xi32, #tpu.memory_space<vmem>>) target_semaphore(%run_scoped3A_493 : memref<!tpu.dma_semaphore, #tpu.memory_space<semaphore_mem>>)
      %dma_wait3A_502 = arith.constant 0 : i32
      %dma_wait3A_503 = arith.constant 0 : i32
      %dma_wait3A_504 = tpu.memref_slice %arg3[%add3A, %run_scoped3A, %dma_wait3A_502, %dma_wait3A_503] : memref<32x5x25x80xi32, #tpu.memory_space<hbm>> -> memref<1x1x25x80xi32, #tpu.memory_space<hbm>>
      %dma_wait3A_505 = tpu.memref_squeeze %dma_wait3A_504 : memref<1x1x25x80xi32, #tpu.memory_space<hbm>> -> memref<25x80xi32, #tpu.memory_space<hbm>>
      %dma_wait3A_506 = arith.constant 0 : i32
      %dma_wait3A_507 = arith.constant 0 : i32
      %dma_wait3A_508 = tpu.memref_slice %arg3[%add3A, %run_scoped3A, %dma_wait3A_506, %dma_wait3A_507] : memref<32x5x25x80xi32, #tpu.memory_space<hbm>> -> memref<1x1x25x80xi32, #tpu.memory_space<hbm>>
      %dma_wait3A_509 = tpu.memref_squeeze %dma_wait3A_508 : memref<1x1x25x80xi32, #tpu.memory_space<hbm>> -> memref<25x80xi32, #tpu.memory_space<hbm>>
      tpu.wait_dma2 semaphore(%run_scoped3A_493 : memref<!tpu.dma_semaphore, #tpu.memory_space<semaphore_mem>>) src(%dma_wait3A_509 : memref<25x80xi32, #tpu.memory_space<hbm>>) dst(%arg7 : memref<25x80xi32, #tpu.memory_space<vmem>>)
      tpu.yield
    }) : () -> ()
    %run_scoped3A_1 = arith.constant 0 : i32
    "tpu.region"() ({
      %run_scoped3A_493 = tpu.sem_alloc : memref<!tpu.dma_semaphore, #tpu.memory_space<semaphore_mem>>
      %dma_start3A_494 = arith.constant 0 : i32
      %dma_start3A_495 = arith.constant 0 : i32
      %dma_start3A_496 = tpu.memref_slice %arg4[%add3A, %run_scoped3A_1, %dma_start3A_494, %dma_start3A_495] : memref<32x5x25x80xi32, #tpu.memory_space<hbm>> -> memref<1x1x25x80xi32, #tpu.memory_space<hbm>>
      %dma_start3A_497 = tpu.memref_squeeze %dma_start3A_496 : memref<1x1x25x80xi32, #tpu.memory_space<hbm>> -> memref<25x80xi32, #tpu.memory_space<hbm>>
      %dma_start3A_498 = arith.constant 0 : i32
      %dma_start3A_499 = arith.constant 0 : i32
      %dma_start3A_500 = tpu.memref_slice %arg4[%add3A, %run_scoped3A_1, %dma_start3A_498, %dma_start3A_499] : memref<32x5x25x80xi32, #tpu.memory_space<hbm>> -> memref<1x1x25x80xi32, #tpu.memory_space<hbm>>
      %dma_start3A_501 = tpu.memref_squeeze %dma_start3A_500 : memref<1x1x25x80xi32, #tpu.memory_space<hbm>> -> memref<25x80xi32, #tpu.memory_space<hbm>>
      tpu.enqueue_dma source(%dma_start3A_501 : memref<25x80xi32, #tpu.memory_space<hbm>>) target(%arg8 : memref<25x80xi32, #tpu.memory_space<vmem>>) target_semaphore(%run_scoped3A_493 : memref<!tpu.dma_semaphore, #tpu.memory_space<semaphore_mem>>)
      %dma_wait3A_502 = arith.constant 0 : i32
      %dma_wait3A_503 = arith.constant 0 : i32
      %dma_wait3A_504 = tpu.memref_slice %arg4[%add3A, %run_scoped3A_1, %dma_wait3A_502, %dma_wait3A_503] : memref<32x5x25x80xi32, #tpu.memory_space<hbm>> -> memref<1x1x25x80xi32, #tpu.memory_space<hbm>>
      %dma_wait3A_505 = tpu.memref_squeeze %dma_wait3A_504 : memref<1x1x25x80xi32, #tpu.memory_space<hbm>> -> memref<25x80xi32, #tpu.memory_space<hbm>>
      %dma_wait3A_506 = arith.constant 0 : i32
      %dma_wait3A_507 = arith.constant 0 : i32
      %dma_wait3A_508 = tpu.memref_slice %arg4[%add3A, %run_scoped3A_1, %dma_wait3A_506, %dma_wait3A_507] : memref<32x5x25x80xi32, #tpu.memory_space<hbm>> -> memref<1x1x25x80xi32, #tpu.memory_space<hbm>>
      %dma_wait3A_509 = tpu.memref_squeeze %dma_wait3A_508 : memref<1x1x25x80xi32, #tpu.memory_space<hbm>> -> memref<25x80xi32, #tpu.memory_space<hbm>>
      tpu.wait_dma2 semaphore(%run_scoped3A_493 : memref<!tpu.dma_semaphore, #tpu.memory_space<semaphore_mem>>) src(%dma_wait3A_509 : memref<25x80xi32, #tpu.memory_space<hbm>>) dst(%arg8 : memref<25x80xi32, #tpu.memory_space<vmem>>)
      tpu.yield
    }) : () -> ()
    %dma_start3A = arith.constant 0 : i32
    %dma_start3A_2 = arith.constant 0 : i32
    %dma_start3A_3 = tpu.memref_slice %arg7[%dma_start3A, %dma_start3A_2] : memref<25x80xi32, #tpu.memory_space<vmem>> -> memref<1x80xi32, #tpu.memory_space<vmem>>
    %dma_start3A_4 = tpu.memref_squeeze %dma_start3A_3 : memref<1x80xi32, #tpu.memory_space<vmem>> -> memref<80xi32, #tpu.memory_space<vmem>>
    %dma_start3A_5 = arith.constant 0 : i32
    %dma_start3A_6 = arith.constant 0 : i32
    %dma_start3A_7 = tpu.memref_slice %arg2[%dma_start3A_5, %dma_start3A_6] : memref<10000x128xf32, #tpu.memory_space<hbm>> -> memref<10000x128xf32, #tpu.memory_space<hbm>>
    tpu.enqueue_indirect_dma source(%dma_start3A_7 : memref<10000x128xf32, #tpu.memory_space<hbm>>) target(%arg11 : memref<80x128xf32, #tpu.memory_space<vmem>>) offsets(%dma_start3A_4 : memref<80xi32, #tpu.memory_space<vmem>>) semaphore(%arg15 : memref<!tpu.dma_semaphore, #tpu.memory_space<semaphore_mem>>)
    %dma_start3A_8 = arith.constant 1 : i32
    %dma_start3A_9 = arith.constant 0 : i32
    %dma_start3A_10 = tpu.memref_slice %arg7[%dma_start3A_8, %dma_start3A_9] : memref<25x80xi32, #tpu.memory_space<vmem>> -> memref<1x80xi32, #tpu.memory_space<vmem>>
    %dma_start3A_11 = tpu.memref_squeeze %dma_start3A_10 : memref<1x80xi32, #tpu.memory_space<vmem>> -> memref<80xi32, #tpu.memory_space<vmem>>
    %dma_start3A_12 = arith.constant 0 : i32
    %dma_start3A_13 = arith.constant 0 : i32
    %dma_start3A_14 = tpu.memref_slice %arg2[%dma_start3A_12, %dma_start3A_13] : memref<10000x128xf32, #tpu.memory_space<hbm>> -> memref<10000x128xf32, #tpu.memory_space<hbm>>
    tpu.enqueue_indirect_dma source(%dma_start3A_14 : memref<10000x128xf32, #tpu.memory_space<hbm>>) target(%arg12 : memref<80x128xf32, #tpu.memory_space<vmem>>) offsets(%dma_start3A_11 : memref<80xi32, #tpu.memory_space<vmem>>) semaphore(%arg16 : memref<!tpu.dma_semaphore, #tpu.memory_space<semaphore_mem>>)
    %dma_start3A_15 = arith.constant 1 : i32
    %dma_start3A_16 = arith.constant 0 : i32
    %dma_start3A_17 = arith.constant 0 : i32
    %dma_start3A_18 = tpu.memref_slice %arg3[%add3A, %dma_start3A_15, %dma_start3A_16, %dma_start3A_17] : memref<32x5x25x80xi32, #tpu.memory_space<hbm>> -> memref<1x1x25x80xi32, #tpu.memory_space<hbm>>
    %dma_start3A_19 = tpu.memref_squeeze %dma_start3A_18 : memref<1x1x25x80xi32, #tpu.memory_space<hbm>> -> memref<25x80xi32, #tpu.memory_space<hbm>>
    %dma_start3A_20 = arith.constant 0 : i32
    %dma_start3A_21 = arith.constant 0 : i32
    %dma_start3A_22 = tpu.memref_slice %arg3[%add3A, %dma_start3A_15, %dma_start3A_20, %dma_start3A_21] : memref<32x5x25x80xi32, #tpu.memory_space<hbm>> -> memref<1x1x25x80xi32, #tpu.memory_space<hbm>>
    %dma_start3A_23 = tpu.memref_squeeze %dma_start3A_22 : memref<1x1x25x80xi32, #tpu.memory_space<hbm>> -> memref<25x80xi32, #tpu.memory_space<hbm>>
    tpu.enqueue_dma source(%dma_start3A_23 : memref<25x80xi32, #tpu.memory_space<hbm>>) target(%arg9 : memref<25x80xi32, #tpu.memory_space<vmem>>) target_semaphore(%arg19 : memref<!tpu.dma_semaphore, #tpu.memory_space<semaphore_mem>>)
    %dma_start3A_24 = arith.constant 1 : i32
    %dma_start3A_25 = arith.constant 0 : i32
    %dma_start3A_26 = arith.constant 0 : i32
    %dma_start3A_27 = tpu.memref_slice %arg4[%add3A, %dma_start3A_24, %dma_start3A_25, %dma_start3A_26] : memref<32x5x25x80xi32, #tpu.memory_space<hbm>> -> memref<1x1x25x80xi32, #tpu.memory_space<hbm>>
    %dma_start3A_28 = tpu.memref_squeeze %dma_start3A_27 : memref<1x1x25x80xi32, #tpu.memory_space<hbm>> -> memref<25x80xi32, #tpu.memory_space<hbm>>
    %dma_start3A_29 = arith.constant 0 : i32
    %dma_start3A_30 = arith.constant 0 : i32
    %dma_start3A_31 = tpu.memref_slice %arg4[%add3A, %dma_start3A_24, %dma_start3A_29, %dma_start3A_30] : memref<32x5x25x80xi32, #tpu.memory_space<hbm>> -> memref<1x1x25x80xi32, #tpu.memory_space<hbm>>
    %dma_start3A_32 = tpu.memref_squeeze %dma_start3A_31 : memref<1x1x25x80xi32, #tpu.memory_space<hbm>> -> memref<25x80xi32, #tpu.memory_space<hbm>>
    tpu.enqueue_dma source(%dma_start3A_32 : memref<25x80xi32, #tpu.memory_space<hbm>>) target(%arg10 : memref<25x80xi32, #tpu.memory_space<vmem>>) target_semaphore(%arg19 : memref<!tpu.dma_semaphore, #tpu.memory_space<semaphore_mem>>)
    %mul3A_33 = arith.constant 632 : i32
    %mul3A_34 = arith.muli %arg1, %mul3A_33 : i32
    "tpu.region"() ({
      %run_scoped3A_493 = tpu.sem_alloc : memref<!tpu.dma_semaphore, #tpu.memory_space<semaphore_mem>>
      %dma_start3A_494 = arith.constant 0 : i32
      %dma_start3A_495 = tpu.memref_slice %arg14[%mul3A_34, %dma_start3A_494] : memref<10112x128xf32, #tpu.memory_space<vmem_shared>> -> memref<632x128xf32, #tpu.memory_space<vmem_shared>>
      tpu.enqueue_dma source(%arg5 : memref<632x128xf32, #tpu.memory_space<hbm>>) target(%dma_start3A_495 : memref<632x128xf32, #tpu.memory_space<vmem_shared>>) target_semaphore(%run_scoped3A_493 : memref<!tpu.dma_semaphore, #tpu.memory_space<semaphore_mem>>)
      %dma_wait3A_496 = arith.constant 0 : i32
      %dma_wait3A_497 = tpu.memref_slice %arg14[%mul3A_34, %dma_wait3A_496] : memref<10112x128xf32, #tpu.memory_space<vmem_shared>> -> memref<632x128xf32, #tpu.memory_space<vmem_shared>>
      tpu.wait_dma2 semaphore(%run_scoped3A_493 : memref<!tpu.dma_semaphore, #tpu.memory_space<semaphore_mem>>) src(%arg5 : memref<632x128xf32, #tpu.memory_space<hbm>>) dst(%dma_wait3A_497 : memref<632x128xf32, #tpu.memory_space<vmem_shared>>)
      tpu.yield
    }) : () -> ()
    %barrier3A = arith.constant 0 : index
    tpu.barrier barrier_id(%barrier3A)
    %scan3A = arith.constant 0 : i32
    %scan3A_35 = arith.constant 0 : i32
    %scan3A_36 = arith.constant 7 : i32
    %scan3A_37 = arith.addi %scan3A_35, %scan3A_36 : i32
    %scan3A_38 = arith.constant 1 : i32
    %scan3A_39 = scf.for %scan3A_493 = %scan3A_35 to %scan3A_37 step %scan3A_38 iter_args(%scan3A_494 = %scan3A) -> (i32)  : i32 {
      %add3A_495 = arith.constant 2 : i32
      %add3A_496 = arith.addi %scan3A_494, %add3A_495 : i32
      %dma_start3A_497 = arith.constant 0 : i32
      %dma_start3A_498 = tpu.memref_slice %arg7[%add3A_496, %dma_start3A_497] : memref<25x80xi32, #tpu.memory_space<vmem>> -> memref<1x80xi32, #tpu.memory_space<vmem>>
      %dma_start3A_499 = tpu.memref_squeeze %dma_start3A_498 : memref<1x80xi32, #tpu.memory_space<vmem>> -> memref<80xi32, #tpu.memory_space<vmem>>
      %dma_start3A_500 = arith.constant 0 : i32
      %dma_start3A_501 = arith.constant 0 : i32
      %dma_start3A_502 = tpu.memref_slice %arg2[%dma_start3A_500, %dma_start3A_501] : memref<10000x128xf32, #tpu.memory_space<hbm>> -> memref<10000x128xf32, #tpu.memory_space<hbm>>
      tpu.enqueue_indirect_dma source(%dma_start3A_502 : memref<10000x128xf32, #tpu.memory_space<hbm>>) target(%arg13 : memref<80x128xf32, #tpu.memory_space<vmem>>) offsets(%dma_start3A_499 : memref<80xi32, #tpu.memory_space<vmem>>) semaphore(%arg17 : memref<!tpu.dma_semaphore, #tpu.memory_space<semaphore_mem>>)
      %dma_wait3A_503 = arith.constant 0 : i32
      %dma_wait3A_504 = arith.constant 0 : i32
      %dma_wait3A_505 = tpu.memref_slice %arg2[%dma_wait3A_503, %dma_wait3A_504] : memref<10000x128xf32, #tpu.memory_space<hbm>> -> memref<80x128xf32, #tpu.memory_space<hbm>>
      %dma_wait3A_506 = arith.constant 0 : i32
      %dma_wait3A_507 = arith.constant 0 : i32
      %dma_wait3A_508 = tpu.memref_slice %arg2[%dma_wait3A_506, %dma_wait3A_507] : memref<10000x128xf32, #tpu.memory_space<hbm>> -> memref<80x128xf32, #tpu.memory_space<hbm>>
      tpu.wait_dma2 semaphore(%arg15 : memref<!tpu.dma_semaphore, #tpu.memory_space<semaphore_mem>>) src(%dma_wait3A_508 : memref<80x128xf32, #tpu.memory_space<hbm>>) dst(%arg11 : memref<80x128xf32, #tpu.memory_space<vmem>>)
      "tpu.region"() ({
        %run_scoped3A_543 = tpu.sem_alloc : memref<!tpu.dma_semaphore, #tpu.memory_space<semaphore_mem>>
        %dma_start3A_544 = arith.constant 0 : i32
        %dma_start3A_545 = tpu.memref_slice %arg8[%scan3A_494, %dma_start3A_544] : memref<25x80xi32, #tpu.memory_space<vmem>> -> memref<1x80xi32, #tpu.memory_space<vmem>>
        %dma_start3A_546 = tpu.memref_squeeze %dma_start3A_545 : memref<1x80xi32, #tpu.memory_space<vmem>> -> memref<80xi32, #tpu.memory_space<vmem>>
        %dma_start3A_547 = arith.constant 0 : i32
        %dma_start3A_548 = arith.constant 0 : i32
        %dma_start3A_549 = tpu.memref_slice %arg14[%dma_start3A_547, %dma_start3A_548] : memref<10112x128xf32, #tpu.memory_space<vmem_shared>> -> memref<10112x128xf32, #tpu.memory_space<vmem_shared>>
        tpu.enqueue_indirect_dma source(%arg11 : memref<80x128xf32, #tpu.memory_space<vmem>>) target(%dma_start3A_549 : memref<10112x128xf32, #tpu.memory_space<vmem_shared>>) offsets(%dma_start3A_546 : memref<80xi32, #tpu.memory_space<vmem>>) semaphore(%run_scoped3A_543 : memref<!tpu.dma_semaphore, #tpu.memory_space<semaphore_mem>>) {add = true}
        %dma_wait3A_550 = arith.constant 0 : i32
        %dma_wait3A_551 = tpu.memref_slice %arg8[%scan3A_494, %dma_wait3A_550] : memref<25x80xi32, #tpu.memory_space<vmem>> -> memref<1x80xi32, #tpu.memory_space<vmem>>
        %dma_wait3A_552 = tpu.memref_squeeze %dma_wait3A_551 : memref<1x80xi32, #tpu.memory_space<vmem>> -> memref<80xi32, #tpu.memory_space<vmem>>
        %dma_wait3A_553 = arith.constant 0 : i32
        %dma_wait3A_554 = arith.constant 0 : i32
        %dma_wait3A_555 = tpu.memref_slice %arg14[%dma_wait3A_553, %dma_wait3A_554] : memref<10112x128xf32, #tpu.memory_space<vmem_shared>> -> memref<10112x128xf32, #tpu.memory_space<vmem_shared>>
        tpu.wait_indirect_dma semaphore(%run_scoped3A_543 : memref<!tpu.dma_semaphore, #tpu.memory_space<semaphore_mem>>) src(%arg11 : memref<80x128xf32, #tpu.memory_space<vmem>>) dst(%dma_wait3A_555 : memref<10112x128xf32, #tpu.memory_space<vmem_shared>>)
        tpu.yield
      }) : () -> ()
      %add3A_509 = arith.constant 1 : i32
      %add3A_510 = arith.addi %scan3A_494, %add3A_509 : i32
      %add3A_511 = arith.constant 2 : i32
      %add3A_512 = arith.addi %add3A_510, %add3A_511 : i32
      %dma_start3A_513 = arith.constant 0 : i32
      %dma_start3A_514 = tpu.memref_slice %arg7[%add3A_512, %dma_start3A_513] : memref<25x80xi32, #tpu.memory_space<vmem>> -> memref<1x80xi32, #tpu.memory_space<vmem>>
      %dma_start3A_515 = tpu.memref_squeeze %dma_start3A_514 : memref<1x80xi32, #tpu.memory_space<vmem>> -> memref<80xi32, #tpu.memory_space<vmem>>
      %dma_start3A_516 = arith.constant 0 : i32
      %dma_start3A_517 = arith.constant 0 : i32
      %dma_start3A_518 = tpu.memref_slice %arg2[%dma_start3A_516, %dma_start3A_517] : memref<10000x128xf32, #tpu.memory_space<hbm>> -> memref<10000x128xf32, #tpu.memory_space<hbm>>
      tpu.enqueue_indirect_dma source(%dma_start3A_518 : memref<10000x128xf32, #tpu.memory_space<hbm>>) target(%arg11 : memref<80x128xf32, #tpu.memory_space<vmem>>) offsets(%dma_start3A_515 : memref<80xi32, #tpu.memory_space<vmem>>) semaphore(%arg15 : memref<!tpu.dma_semaphore, #tpu.memory_space<semaphore_mem>>)
      %dma_wait3A_519 = arith.constant 0 : i32
      %dma_wait3A_520 = arith.constant 0 : i32
      %dma_wait3A_521 = tpu.memref_slice %arg2[%dma_wait3A_519, %dma_wait3A_520] : memref<10000x128xf32, #tpu.memory_space<hbm>> -> memref<80x128xf32, #tpu.memory_space<hbm>>
      %dma_wait3A_522 = arith.constant 0 : i32
      %dma_wait3A_523 = arith.constant 0 : i32
      %dma_wait3A_524 = tpu.memref_slice %arg2[%dma_wait3A_522, %dma_wait3A_523] : memref<10000x128xf32, #tpu.memory_space<hbm>> -> memref<80x128xf32, #tpu.memory_space<hbm>>
      tpu.wait_dma2 semaphore(%arg16 : memref<!tpu.dma_semaphore, #tpu.memory_space<semaphore_mem>>) src(%dma_wait3A_524 : memref<80x128xf32, #tpu.memory_space<hbm>>) dst(%arg12 : memref<80x128xf32, #tpu.memory_space<vmem>>)
      "tpu.region"() ({
        %run_scoped3A_543 = tpu.sem_alloc : memref<!tpu.dma_semaphore, #tpu.memory_space<semaphore_mem>>
        %dma_start3A_544 = arith.constant 0 : i32
        %dma_start3A_545 = tpu.memref_slice %arg8[%add3A_510, %dma_start3A_544] : memref<25x80xi32, #tpu.memory_space<vmem>> -> memref<1x80xi32, #tpu.memory_space<vmem>>
        %dma_start3A_546 = tpu.memref_squeeze %dma_start3A_545 : memref<1x80xi32, #tpu.memory_space<vmem>> -> memref<80xi32, #tpu.memory_space<vmem>>
        %dma_start3A_547 = arith.constant 0 : i32
        %dma_start3A_548 = arith.constant 0 : i32
        %dma_start3A_549 = tpu.memref_slice %arg14[%dma_start3A_547, %dma_start3A_548] : memref<10112x128xf32, #tpu.memory_space<vmem_shared>> -> memref<10112x128xf32, #tpu.memory_space<vmem_shared>>
        tpu.enqueue_indirect_dma source(%arg12 : memref<80x128xf32, #tpu.memory_space<vmem>>) target(%dma_start3A_549 : memref<10112x128xf32, #tpu.memory_space<vmem_shared>>) offsets(%dma_start3A_546 : memref<80xi32, #tpu.memory_space<vmem>>) semaphore(%run_scoped3A_543 : memref<!tpu.dma_semaphore, #tpu.memory_space<semaphore_mem>>) {add = true}
        %dma_wait3A_550 = arith.constant 0 : i32
        %dma_wait3A_551 = tpu.memref_slice %arg8[%add3A_510, %dma_wait3A_550] : memref<25x80xi32, #tpu.memory_space<vmem>> -> memref<1x80xi32, #tpu.memory_space<vmem>>
        %dma_wait3A_552 = tpu.memref_squeeze %dma_wait3A_551 : memref<1x80xi32, #tpu.memory_space<vmem>> -> memref<80xi32, #tpu.memory_space<vmem>>
        %dma_wait3A_553 = arith.constant 0 : i32
        %dma_wait3A_554 = arith.constant 0 : i32
        %dma_wait3A_555 = tpu.memref_slice %arg14[%dma_wait3A_553, %dma_wait3A_554] : memref<10112x128xf32, #tpu.memory_space<vmem_shared>> -> memref<10112x128xf32, #tpu.memory_space<vmem_shared>>
        tpu.wait_indirect_dma semaphore(%run_scoped3A_543 : memref<!tpu.dma_semaphore, #tpu.memory_space<semaphore_mem>>) src(%arg12 : memref<80x128xf32, #tpu.memory_space<vmem>>) dst(%dma_wait3A_555 : memref<10112x128xf32, #tpu.memory_space<vmem_shared>>)
        tpu.yield
      }) : () -> ()
      %add3A_525 = arith.constant 2 : i32
      %add3A_526 = arith.addi %scan3A_494, %add3A_525 : i32
      %add3A_527 = arith.constant 2 : i32
      %add3A_528 = arith.addi %add3A_526, %add3A_527 : i32
      %dma_start3A_529 = arith.constant 0 : i32
      %dma_start3A_530 = tpu.memref_slice %arg7[%add3A_528, %dma_start3A_529] : memref<25x80xi32, #tpu.memory_space<vmem>> -> memref<1x80xi32, #tpu.memory_space<vmem>>
      %dma_start3A_531 = tpu.memref_squeeze %dma_start3A_530 : memref<1x80xi32, #tpu.memory_space<vmem>> -> memref<80xi32, #tpu.memory_space<vmem>>
      %dma_start3A_532 = arith.constant 0 : i32
      %dma_start3A_533 = arith.constant 0 : i32
      %dma_start3A_534 = tpu.memref_slice %arg2[%dma_start3A_532, %dma_start3A_533] : memref<10000x128xf32, #tpu.memory_space<hbm>> -> memref<10000x128xf32, #tpu.memory_space<hbm>>
      tpu.enqueue_indirect_dma source(%dma_start3A_534 : memref<10000x128xf32, #tpu.memory_space<hbm>>) target(%arg12 : memref<80x128xf32, #tpu.memory_space<vmem>>) offsets(%dma_start3A_531 : memref<80xi32, #tpu.memory_space<vmem>>) semaphore(%arg16 : memref<!tpu.dma_semaphore, #tpu.memory_space<semaphore_mem>>)
      %dma_wait3A_535 = arith.constant 0 : i32
      %dma_wait3A_536 = arith.constant 0 : i32
      %dma_wait3A_537 = tpu.memref_slice %arg2[%dma_wait3A_535, %dma_wait3A_536] : memref<10000x128xf32, #tpu.memory_space<hbm>> -> memref<80x128xf32, #tpu.memory_space<hbm>>
      %dma_wait3A_538 = arith.constant 0 : i32
      %dma_wait3A_539 = arith.constant 0 : i32
      %dma_wait3A_540 = tpu.memref_slice %arg2[%dma_wait3A_538, %dma_wait3A_539] : memref<10000x128xf32, #tpu.memory_space<hbm>> -> memref<80x128xf32, #tpu.memory_space<hbm>>
      tpu.wait_dma2 semaphore(%arg17 : memref<!tpu.dma_semaphore, #tpu.memory_space<semaphore_mem>>) src(%dma_wait3A_540 : memref<80x128xf32, #tpu.memory_space<hbm>>) dst(%arg13 : memref<80x128xf32, #tpu.memory_space<vmem>>)
      "tpu.region"() ({
        %run_scoped3A_543 = tpu.sem_alloc : memref<!tpu.dma_semaphore, #tpu.memory_space<semaphore_mem>>
        %dma_start3A_544 = arith.constant 0 : i32
        %dma_start3A_545 = tpu.memref_slice %arg8[%add3A_526, %dma_start3A_544] : memref<25x80xi32, #tpu.memory_space<vmem>> -> memref<1x80xi32, #tpu.memory_space<vmem>>
        %dma_start3A_546 = tpu.memref_squeeze %dma_start3A_545 : memref<1x80xi32, #tpu.memory_space<vmem>> -> memref<80xi32, #tpu.memory_space<vmem>>
        %dma_start3A_547 = arith.constant 0 : i32
        %dma_start3A_548 = arith.constant 0 : i32
        %dma_start3A_549 = tpu.memref_slice %arg14[%dma_start3A_547, %dma_start3A_548] : memref<10112x128xf32, #tpu.memory_space<vmem_shared>> -> memref<10112x128xf32, #tpu.memory_space<vmem_shared>>
        tpu.enqueue_indirect_dma source(%arg13 : memref<80x128xf32, #tpu.memory_space<vmem>>) target(%dma_start3A_549 : memref<10112x128xf32, #tpu.memory_space<vmem_shared>>) offsets(%dma_start3A_546 : memref<80xi32, #tpu.memory_space<vmem>>) semaphore(%run_scoped3A_543 : memref<!tpu.dma_semaphore, #tpu.memory_space<semaphore_mem>>) {add = true}
        %dma_wait3A_550 = arith.constant 0 : i32
        %dma_wait3A_551 = tpu.memref_slice %arg8[%add3A_526, %dma_wait3A_550] : memref<25x80xi32, #tpu.memory_space<vmem>> -> memref<1x80xi32, #tpu.memory_space<vmem>>
        %dma_wait3A_552 = tpu.memref_squeeze %dma_wait3A_551 : memref<1x80xi32, #tpu.memory_space<vmem>> -> memref<80xi32, #tpu.memory_space<vmem>>
        %dma_wait3A_553 = arith.constant 0 : i32
        %dma_wait3A_554 = arith.constant 0 : i32
        %dma_wait3A_555 = tpu.memref_slice %arg14[%dma_wait3A_553, %dma_wait3A_554] : memref<10112x128xf32, #tpu.memory_space<vmem_shared>> -> memref<10112x128xf32, #tpu.memory_space<vmem_shared>>
        tpu.wait_indirect_dma semaphore(%run_scoped3A_543 : memref<!tpu.dma_semaphore, #tpu.memory_space<semaphore_mem>>) src(%arg13 : memref<80x128xf32, #tpu.memory_space<vmem>>) dst(%dma_wait3A_555 : memref<10112x128xf32, #tpu.memory_space<vmem_shared>>)
        tpu.yield
      }) : () -> ()
      %add3A_541 = arith.constant 3 : i32
      %add3A_542 = arith.addi %scan3A_494, %add3A_541 : i32
      scf.yield %add3A_542 : i32
    }
    %scan3A_40 = arith.constant 7 : i32
    %add3A_41 = arith.constant 21 : i32
    %add3A_42 = arith.constant 2 : i32
    %add3A_43 = arith.addi %add3A_41, %add3A_42 : i32
    %dma_start3A_44 = arith.constant 0 : i32
    %dma_start3A_45 = tpu.memref_slice %arg7[%add3A_43, %dma_start3A_44] : memref<25x80xi32, #tpu.memory_space<vmem>> -> memref<1x80xi32, #tpu.memory_space<vmem>>
    %dma_start3A_46 = tpu.memref_squeeze %dma_start3A_45 : memref<1x80xi32, #tpu.memory_space<vmem>> -> memref<80xi32, #tpu.memory_space<vmem>>
    %dma_start3A_47 = arith.constant 0 : i32
    %dma_start3A_48 = arith.constant 0 : i32
    %dma_start3A_49 = tpu.memref_slice %arg2[%dma_start3A_47, %dma_start3A_48] : memref<10000x128xf32, #tpu.memory_space<hbm>> -> memref<10000x128xf32, #tpu.memory_space<hbm>>
    tpu.enqueue_indirect_dma source(%dma_start3A_49 : memref<10000x128xf32, #tpu.memory_space<hbm>>) target(%arg13 : memref<80x128xf32, #tpu.memory_space<vmem>>) offsets(%dma_start3A_46 : memref<80xi32, #tpu.memory_space<vmem>>) semaphore(%arg17 : memref<!tpu.dma_semaphore, #tpu.memory_space<semaphore_mem>>)
    %dma_wait3A = arith.constant 0 : i32
    %dma_wait3A_50 = arith.constant 0 : i32
    %dma_wait3A_51 = tpu.memref_slice %arg2[%dma_wait3A, %dma_wait3A_50] : memref<10000x128xf32, #tpu.memory_space<hbm>> -> memref<80x128xf32, #tpu.memory_space<hbm>>
    %dma_wait3A_52 = arith.constant 0 : i32
    %dma_wait3A_53 = arith.constant 0 : i32
    %dma_wait3A_54 = tpu.memref_slice %arg2[%dma_wait3A_52, %dma_wait3A_53] : memref<10000x128xf32, #tpu.memory_space<hbm>> -> memref<80x128xf32, #tpu.memory_space<hbm>>
    tpu.wait_dma2 semaphore(%arg15 : memref<!tpu.dma_semaphore, #tpu.memory_space<semaphore_mem>>) src(%dma_wait3A_54 : memref<80x128xf32, #tpu.memory_space<hbm>>) dst(%arg11 : memref<80x128xf32, #tpu.memory_space<vmem>>)
    %run_scoped3A_55 = arith.constant 21 : i32
    "tpu.region"() ({
      %run_scoped3A_493 = tpu.sem_alloc : memref<!tpu.dma_semaphore, #tpu.memory_space<semaphore_mem>>
      %dma_start3A_494 = arith.constant 0 : i32
      %dma_start3A_495 = tpu.memref_slice %arg8[%run_scoped3A_55, %dma_start3A_494] : memref<25x80xi32, #tpu.memory_space<vmem>> -> memref<1x80xi32, #tpu.memory_space<vmem>>
      %dma_start3A_496 = tpu.memref_squeeze %dma_start3A_495 : memref<1x80xi32, #tpu.memory_space<vmem>> -> memref<80xi32, #tpu.memory_space<vmem>>
      %dma_start3A_497 = arith.constant 0 : i32
      %dma_start3A_498 = arith.constant 0 : i32
      %dma_start3A_499 = tpu.memref_slice %arg14[%dma_start3A_497, %dma_start3A_498] : memref<10112x128xf32, #tpu.memory_space<vmem_shared>> -> memref<10112x128xf32, #tpu.memory_space<vmem_shared>>
      tpu.enqueue_indirect_dma source(%arg11 : memref<80x128xf32, #tpu.memory_space<vmem>>) target(%dma_start3A_499 : memref<10112x128xf32, #tpu.memory_space<vmem_shared>>) offsets(%dma_start3A_496 : memref<80xi32, #tpu.memory_space<vmem>>) semaphore(%run_scoped3A_493 : memref<!tpu.dma_semaphore, #tpu.memory_space<semaphore_mem>>) {add = true}
      %dma_wait3A_500 = arith.constant 0 : i32
      %dma_wait3A_501 = tpu.memref_slice %arg8[%run_scoped3A_55, %dma_wait3A_500] : memref<25x80xi32, #tpu.memory_space<vmem>> -> memref<1x80xi32, #tpu.memory_space<vmem>>
      %dma_wait3A_502 = tpu.memref_squeeze %dma_wait3A_501 : memref<1x80xi32, #tpu.memory_space<vmem>> -> memref<80xi32, #tpu.memory_space<vmem>>
      %dma_wait3A_503 = arith.constant 0 : i32
      %dma_wait3A_504 = arith.constant 0 : i32
      %dma_wait3A_505 = tpu.memref_slice %arg14[%dma_wait3A_503, %dma_wait3A_504] : memref<10112x128xf32, #tpu.memory_space<vmem_shared>> -> memref<10112x128xf32, #tpu.memory_space<vmem_shared>>
      tpu.wait_indirect_dma semaphore(%run_scoped3A_493 : memref<!tpu.dma_semaphore, #tpu.memory_space<semaphore_mem>>) src(%arg11 : memref<80x128xf32, #tpu.memory_space<vmem>>) dst(%dma_wait3A_505 : memref<10112x128xf32, #tpu.memory_space<vmem_shared>>)
      tpu.yield
    }) : () -> ()
    %add3A_56 = arith.constant 22 : i32
    %add3A_57 = arith.constant 2 : i32
    %add3A_58 = arith.addi %add3A_56, %add3A_57 : i32
    %dma_start3A_59 = arith.constant 0 : i32
    %dma_start3A_60 = tpu.memref_slice %arg7[%add3A_58, %dma_start3A_59] : memref<25x80xi32, #tpu.memory_space<vmem>> -> memref<1x80xi32, #tpu.memory_space<vmem>>
    %dma_start3A_61 = tpu.memref_squeeze %dma_start3A_60 : memref<1x80xi32, #tpu.memory_space<vmem>> -> memref<80xi32, #tpu.memory_space<vmem>>
    %dma_start3A_62 = arith.constant 0 : i32
    %dma_start3A_63 = arith.constant 0 : i32
    %dma_start3A_64 = tpu.memref_slice %arg2[%dma_start3A_62, %dma_start3A_63] : memref<10000x128xf32, #tpu.memory_space<hbm>> -> memref<10000x128xf32, #tpu.memory_space<hbm>>
    tpu.enqueue_indirect_dma source(%dma_start3A_64 : memref<10000x128xf32, #tpu.memory_space<hbm>>) target(%arg11 : memref<80x128xf32, #tpu.memory_space<vmem>>) offsets(%dma_start3A_61 : memref<80xi32, #tpu.memory_space<vmem>>) semaphore(%arg15 : memref<!tpu.dma_semaphore, #tpu.memory_space<semaphore_mem>>)
    %dma_wait3A_65 = arith.constant 0 : i32
    %dma_wait3A_66 = arith.constant 0 : i32
    %dma_wait3A_67 = tpu.memref_slice %arg2[%dma_wait3A_65, %dma_wait3A_66] : memref<10000x128xf32, #tpu.memory_space<hbm>> -> memref<80x128xf32, #tpu.memory_space<hbm>>
    %dma_wait3A_68 = arith.constant 0 : i32
    %dma_wait3A_69 = arith.constant 0 : i32
    %dma_wait3A_70 = tpu.memref_slice %arg2[%dma_wait3A_68, %dma_wait3A_69] : memref<10000x128xf32, #tpu.memory_space<hbm>> -> memref<80x128xf32, #tpu.memory_space<hbm>>
    tpu.wait_dma2 semaphore(%arg16 : memref<!tpu.dma_semaphore, #tpu.memory_space<semaphore_mem>>) src(%dma_wait3A_70 : memref<80x128xf32, #tpu.memory_space<hbm>>) dst(%arg12 : memref<80x128xf32, #tpu.memory_space<vmem>>)
    %run_scoped3A_71 = arith.constant 22 : i32
    "tpu.region"() ({
      %run_scoped3A_493 = tpu.sem_alloc : memref<!tpu.dma_semaphore, #tpu.memory_space<semaphore_mem>>
      %dma_start3A_494 = arith.constant 0 : i32
      %dma_start3A_495 = tpu.memref_slice %arg8[%run_scoped3A_71, %dma_start3A_494] : memref<25x80xi32, #tpu.memory_space<vmem>> -> memref<1x80xi32, #tpu.memory_space<vmem>>
      %dma_start3A_496 = tpu.memref_squeeze %dma_start3A_495 : memref<1x80xi32, #tpu.memory_space<vmem>> -> memref<80xi32, #tpu.memory_space<vmem>>
      %dma_start3A_497 = arith.constant 0 : i32
      %dma_start3A_498 = arith.constant 0 : i32
      %dma_start3A_499 = tpu.memref_slice %arg14[%dma_start3A_497, %dma_start3A_498] : memref<10112x128xf32, #tpu.memory_space<vmem_shared>> -> memref<10112x128xf32, #tpu.memory_space<vmem_shared>>
      tpu.enqueue_indirect_dma source(%arg12 : memref<80x128xf32, #tpu.memory_space<vmem>>) target(%dma_start3A_499 : memref<10112x128xf32, #tpu.memory_space<vmem_shared>>) offsets(%dma_start3A_496 : memref<80xi32, #tpu.memory_space<vmem>>) semaphore(%run_scoped3A_493 : memref<!tpu.dma_semaphore, #tpu.memory_space<semaphore_mem>>) {add = true}
      %dma_wait3A_500 = arith.constant 0 : i32
      %dma_wait3A_501 = tpu.memref_slice %arg8[%run_scoped3A_71, %dma_wait3A_500] : memref<25x80xi32, #tpu.memory_space<vmem>> -> memref<1x80xi32, #tpu.memory_space<vmem>>
      %dma_wait3A_502 = tpu.memref_squeeze %dma_wait3A_501 : memref<1x80xi32, #tpu.memory_space<vmem>> -> memref<80xi32, #tpu.memory_space<vmem>>
      %dma_wait3A_503 = arith.constant 0 : i32
      %dma_wait3A_504 = arith.constant 0 : i32
      %dma_wait3A_505 = tpu.memref_slice %arg14[%dma_wait3A_503, %dma_wait3A_504] : memref<10112x128xf32, #tpu.memory_space<vmem_shared>> -> memref<10112x128xf32, #tpu.memory_space<vmem_shared>>
      tpu.wait_indirect_dma semaphore(%run_scoped3A_493 : memref<!tpu.dma_semaphore, #tpu.memory_space<semaphore_mem>>) src(%arg12 : memref<80x128xf32, #tpu.memory_space<vmem>>) dst(%dma_wait3A_505 : memref<10112x128xf32, #tpu.memory_space<vmem_shared>>)
      tpu.yield
    }) : () -> ()
    %dma_wait3A_72 = arith.constant 0 : i32
    %dma_wait3A_73 = arith.constant 0 : i32
    %dma_wait3A_74 = tpu.memref_slice %arg2[%dma_wait3A_72, %dma_wait3A_73] : memref<10000x128xf32, #tpu.memory_space<hbm>> -> memref<80x128xf32, #tpu.memory_space<hbm>>
    %dma_wait3A_75 = arith.constant 0 : i32
    %dma_wait3A_76 = arith.constant 0 : i32
    %dma_wait3A_77 = tpu.memref_slice %arg2[%dma_wait3A_75, %dma_wait3A_76] : memref<10000x128xf32, #tpu.memory_space<hbm>> -> memref<80x128xf32, #tpu.memory_space<hbm>>
    tpu.wait_dma2 semaphore(%arg17 : memref<!tpu.dma_semaphore, #tpu.memory_space<semaphore_mem>>) src(%dma_wait3A_77 : memref<80x128xf32, #tpu.memory_space<hbm>>) dst(%arg13 : memref<80x128xf32, #tpu.memory_space<vmem>>)
    %run_scoped3A_78 = arith.constant 23 : i32
    "tpu.region"() ({
      %run_scoped3A_493 = tpu.sem_alloc : memref<!tpu.dma_semaphore, #tpu.memory_space<semaphore_mem>>
      %dma_start3A_494 = arith.constant 0 : i32
      %dma_start3A_495 = tpu.memref_slice %arg8[%run_scoped3A_78, %dma_start3A_494] : memref<25x80xi32, #tpu.memory_space<vmem>> -> memref<1x80xi32, #tpu.memory_space<vmem>>
      %dma_start3A_496 = tpu.memref_squeeze %dma_start3A_495 : memref<1x80xi32, #tpu.memory_space<vmem>> -> memref<80xi32, #tpu.memory_space<vmem>>
      %dma_start3A_497 = arith.constant 0 : i32
      %dma_start3A_498 = arith.constant 0 : i32
      %dma_start3A_499 = tpu.memref_slice %arg14[%dma_start3A_497, %dma_start3A_498] : memref<10112x128xf32, #tpu.memory_space<vmem_shared>> -> memref<10112x128xf32, #tpu.memory_space<vmem_shared>>
      tpu.enqueue_indirect_dma source(%arg13 : memref<80x128xf32, #tpu.memory_space<vmem>>) target(%dma_start3A_499 : memref<10112x128xf32, #tpu.memory_space<vmem_shared>>) offsets(%dma_start3A_496 : memref<80xi32, #tpu.memory_space<vmem>>) semaphore(%run_scoped3A_493 : memref<!tpu.dma_semaphore, #tpu.memory_space<semaphore_mem>>) {add = true}
      %dma_wait3A_500 = arith.constant 0 : i32
      %dma_wait3A_501 = tpu.memref_slice %arg8[%run_scoped3A_78, %dma_wait3A_500] : memref<25x80xi32, #tpu.memory_space<vmem>> -> memref<1x80xi32, #tpu.memory_space<vmem>>
      %dma_wait3A_502 = tpu.memref_squeeze %dma_wait3A_501 : memref<1x80xi32, #tpu.memory_space<vmem>> -> memref<80xi32, #tpu.memory_space<vmem>>
      %dma_wait3A_503 = arith.constant 0 : i32
      %dma_wait3A_504 = arith.constant 0 : i32
      %dma_wait3A_505 = tpu.memref_slice %arg14[%dma_wait3A_503, %dma_wait3A_504] : memref<10112x128xf32, #tpu.memory_space<vmem_shared>> -> memref<10112x128xf32, #tpu.memory_space<vmem_shared>>
      tpu.wait_indirect_dma semaphore(%run_scoped3A_493 : memref<!tpu.dma_semaphore, #tpu.memory_space<semaphore_mem>>) src(%arg13 : memref<80x128xf32, #tpu.memory_space<vmem>>) dst(%dma_wait3A_505 : memref<10112x128xf32, #tpu.memory_space<vmem_shared>>)
      tpu.yield
    }) : () -> ()
    %dma_wait3A_79 = arith.constant 0 : i32
    %dma_wait3A_80 = arith.constant 0 : i32
    %dma_wait3A_81 = tpu.memref_slice %arg2[%dma_wait3A_79, %dma_wait3A_80] : memref<10000x128xf32, #tpu.memory_space<hbm>> -> memref<80x128xf32, #tpu.memory_space<hbm>>
    %dma_wait3A_82 = arith.constant 0 : i32
    %dma_wait3A_83 = arith.constant 0 : i32
    %dma_wait3A_84 = tpu.memref_slice %arg2[%dma_wait3A_82, %dma_wait3A_83] : memref<10000x128xf32, #tpu.memory_space<hbm>> -> memref<80x128xf32, #tpu.memory_space<hbm>>
    tpu.wait_dma2 semaphore(%arg15 : memref<!tpu.dma_semaphore, #tpu.memory_space<semaphore_mem>>) src(%dma_wait3A_84 : memref<80x128xf32, #tpu.memory_space<hbm>>) dst(%arg11 : memref<80x128xf32, #tpu.memory_space<vmem>>)
    %run_scoped3A_85 = arith.constant 24 : i32
    "tpu.region"() ({
      %run_scoped3A_493 = tpu.sem_alloc : memref<!tpu.dma_semaphore, #tpu.memory_space<semaphore_mem>>
      %dma_start3A_494 = arith.constant 0 : i32
      %dma_start3A_495 = tpu.memref_slice %arg8[%run_scoped3A_85, %dma_start3A_494] : memref<25x80xi32, #tpu.memory_space<vmem>> -> memref<1x80xi32, #tpu.memory_space<vmem>>
      %dma_start3A_496 = tpu.memref_squeeze %dma_start3A_495 : memref<1x80xi32, #tpu.memory_space<vmem>> -> memref<80xi32, #tpu.memory_space<vmem>>
      %dma_start3A_497 = arith.constant 0 : i32
      %dma_start3A_498 = arith.constant 0 : i32
      %dma_start3A_499 = tpu.memref_slice %arg14[%dma_start3A_497, %dma_start3A_498] : memref<10112x128xf32, #tpu.memory_space<vmem_shared>> -> memref<10112x128xf32, #tpu.memory_space<vmem_shared>>
      tpu.enqueue_indirect_dma source(%arg11 : memref<80x128xf32, #tpu.memory_space<vmem>>) target(%dma_start3A_499 : memref<10112x128xf32, #tpu.memory_space<vmem_shared>>) offsets(%dma_start3A_496 : memref<80xi32, #tpu.memory_space<vmem>>) semaphore(%run_scoped3A_493 : memref<!tpu.dma_semaphore, #tpu.memory_space<semaphore_mem>>) {add = true}
      %dma_wait3A_500 = arith.constant 0 : i32
      %dma_wait3A_501 = tpu.memref_slice %arg8[%run_scoped3A_85, %dma_wait3A_500] : memref<25x80xi32, #tpu.memory_space<vmem>> -> memref<1x80xi32, #tpu.memory_space<vmem>>
      %dma_wait3A_502 = tpu.memref_squeeze %dma_wait3A_501 : memref<1x80xi32, #tpu.memory_space<vmem>> -> memref<80xi32, #tpu.memory_space<vmem>>
      %dma_wait3A_503 = arith.constant 0 : i32
      %dma_wait3A_504 = arith.constant 0 : i32
      %dma_wait3A_505 = tpu.memref_slice %arg14[%dma_wait3A_503, %dma_wait3A_504] : memref<10112x128xf32, #tpu.memory_space<vmem_shared>> -> memref<10112x128xf32, #tpu.memory_space<vmem_shared>>
      tpu.wait_indirect_dma semaphore(%run_scoped3A_493 : memref<!tpu.dma_semaphore, #tpu.memory_space<semaphore_mem>>) src(%arg11 : memref<80x128xf32, #tpu.memory_space<vmem>>) dst(%dma_wait3A_505 : memref<10112x128xf32, #tpu.memory_space<vmem_shared>>)
      tpu.yield
    }) : () -> ()
    %dma_start3A_86 = arith.constant 2 : i32
    %dma_start3A_87 = arith.constant 0 : i32
    %dma_start3A_88 = arith.constant 0 : i32
    %dma_start3A_89 = tpu.memref_slice %arg3[%add3A, %dma_start3A_86, %dma_start3A_87, %dma_start3A_88] : memref<32x5x25x80xi32, #tpu.memory_space<hbm>> -> memref<1x1x25x80xi32, #tpu.memory_space<hbm>>
    %dma_start3A_90 = tpu.memref_squeeze %dma_start3A_89 : memref<1x1x25x80xi32, #tpu.memory_space<hbm>> -> memref<25x80xi32, #tpu.memory_space<hbm>>
    %dma_start3A_91 = arith.constant 0 : i32
    %dma_start3A_92 = arith.constant 0 : i32
    %dma_start3A_93 = tpu.memref_slice %arg3[%add3A, %dma_start3A_86, %dma_start3A_91, %dma_start3A_92] : memref<32x5x25x80xi32, #tpu.memory_space<hbm>> -> memref<1x1x25x80xi32, #tpu.memory_space<hbm>>
    %dma_start3A_94 = tpu.memref_squeeze %dma_start3A_93 : memref<1x1x25x80xi32, #tpu.memory_space<hbm>> -> memref<25x80xi32, #tpu.memory_space<hbm>>
    tpu.enqueue_dma source(%dma_start3A_94 : memref<25x80xi32, #tpu.memory_space<hbm>>) target(%arg7 : memref<25x80xi32, #tpu.memory_space<vmem>>) target_semaphore(%arg18 : memref<!tpu.dma_semaphore, #tpu.memory_space<semaphore_mem>>)
    %dma_start3A_95 = arith.constant 2 : i32
    %dma_start3A_96 = arith.constant 0 : i32
    %dma_start3A_97 = arith.constant 0 : i32
    %dma_start3A_98 = tpu.memref_slice %arg4[%add3A, %dma_start3A_95, %dma_start3A_96, %dma_start3A_97] : memref<32x5x25x80xi32, #tpu.memory_space<hbm>> -> memref<1x1x25x80xi32, #tpu.memory_space<hbm>>
    %dma_start3A_99 = tpu.memref_squeeze %dma_start3A_98 : memref<1x1x25x80xi32, #tpu.memory_space<hbm>> -> memref<25x80xi32, #tpu.memory_space<hbm>>
    %dma_start3A_100 = arith.constant 0 : i32
    %dma_start3A_101 = arith.constant 0 : i32
    %dma_start3A_102 = tpu.memref_slice %arg4[%add3A, %dma_start3A_95, %dma_start3A_100, %dma_start3A_101] : memref<32x5x25x80xi32, #tpu.memory_space<hbm>> -> memref<1x1x25x80xi32, #tpu.memory_space<hbm>>
    %dma_start3A_103 = tpu.memref_squeeze %dma_start3A_102 : memref<1x1x25x80xi32, #tpu.memory_space<hbm>> -> memref<25x80xi32, #tpu.memory_space<hbm>>
    tpu.enqueue_dma source(%dma_start3A_103 : memref<25x80xi32, #tpu.memory_space<hbm>>) target(%arg8 : memref<25x80xi32, #tpu.memory_space<vmem>>) target_semaphore(%arg18 : memref<!tpu.dma_semaphore, #tpu.memory_space<semaphore_mem>>)
    %dma_wait3A_104 = arith.constant 0 : i32
    %dma_wait3A_105 = arith.constant 0 : i32
    %dma_wait3A_106 = arith.constant 0 : i32
    %dma_wait3A_107 = arith.constant 0 : i32
    %dma_wait3A_108 = tpu.memref_slice %arg3[%dma_wait3A_104, %dma_wait3A_105, %dma_wait3A_106, %dma_wait3A_107] : memref<32x5x25x80xi32, #tpu.memory_space<hbm>> -> memref<1x1x25x80xi32, #tpu.memory_space<hbm>>
    %dma_wait3A_109 = tpu.memref_squeeze %dma_wait3A_108 : memref<1x1x25x80xi32, #tpu.memory_space<hbm>> -> memref<25x80xi32, #tpu.memory_space<hbm>>
    %dma_wait3A_110 = arith.constant 0 : i32
    %dma_wait3A_111 = arith.constant 0 : i32
    %dma_wait3A_112 = tpu.memref_slice %arg3[%dma_wait3A_104, %dma_wait3A_105, %dma_wait3A_110, %dma_wait3A_111] : memref<32x5x25x80xi32, #tpu.memory_space<hbm>> -> memref<1x1x25x80xi32, #tpu.memory_space<hbm>>
    %dma_wait3A_113 = tpu.memref_squeeze %dma_wait3A_112 : memref<1x1x25x80xi32, #tpu.memory_space<hbm>> -> memref<25x80xi32, #tpu.memory_space<hbm>>
    tpu.wait_dma2 semaphore(%arg19 : memref<!tpu.dma_semaphore, #tpu.memory_space<semaphore_mem>>) src(%dma_wait3A_113 : memref<25x80xi32, #tpu.memory_space<hbm>>) dst(%arg9 : memref<25x80xi32, #tpu.memory_space<vmem>>)
    %dma_wait3A_114 = arith.constant 0 : i32
    %dma_wait3A_115 = arith.constant 0 : i32
    %dma_wait3A_116 = arith.constant 0 : i32
    %dma_wait3A_117 = arith.constant 0 : i32
    %dma_wait3A_118 = tpu.memref_slice %arg3[%dma_wait3A_114, %dma_wait3A_115, %dma_wait3A_116, %dma_wait3A_117] : memref<32x5x25x80xi32, #tpu.memory_space<hbm>> -> memref<1x1x25x80xi32, #tpu.memory_space<hbm>>
    %dma_wait3A_119 = tpu.memref_squeeze %dma_wait3A_118 : memref<1x1x25x80xi32, #tpu.memory_space<hbm>> -> memref<25x80xi32, #tpu.memory_space<hbm>>
    %dma_wait3A_120 = arith.constant 0 : i32
    %dma_wait3A_121 = arith.constant 0 : i32
    %dma_wait3A_122 = tpu.memref_slice %arg3[%dma_wait3A_114, %dma_wait3A_115, %dma_wait3A_120, %dma_wait3A_121] : memref<32x5x25x80xi32, #tpu.memory_space<hbm>> -> memref<1x1x25x80xi32, #tpu.memory_space<hbm>>
    %dma_wait3A_123 = tpu.memref_squeeze %dma_wait3A_122 : memref<1x1x25x80xi32, #tpu.memory_space<hbm>> -> memref<25x80xi32, #tpu.memory_space<hbm>>
    tpu.wait_dma2 semaphore(%arg19 : memref<!tpu.dma_semaphore, #tpu.memory_space<semaphore_mem>>) src(%dma_wait3A_123 : memref<25x80xi32, #tpu.memory_space<hbm>>) dst(%arg10 : memref<25x80xi32, #tpu.memory_space<vmem>>)
    %dma_start3A_124 = arith.constant 0 : i32
    %dma_start3A_125 = arith.constant 0 : i32
    %dma_start3A_126 = tpu.memref_slice %arg9[%dma_start3A_124, %dma_start3A_125] : memref<25x80xi32, #tpu.memory_space<vmem>> -> memref<1x80xi32, #tpu.memory_space<vmem>>
    %dma_start3A_127 = tpu.memref_squeeze %dma_start3A_126 : memref<1x80xi32, #tpu.memory_space<vmem>> -> memref<80xi32, #tpu.memory_space<vmem>>
    %dma_start3A_128 = arith.constant 0 : i32
    %dma_start3A_129 = arith.constant 0 : i32
    %dma_start3A_130 = tpu.memref_slice %arg2[%dma_start3A_128, %dma_start3A_129] : memref<10000x128xf32, #tpu.memory_space<hbm>> -> memref<10000x128xf32, #tpu.memory_space<hbm>>
    tpu.enqueue_indirect_dma source(%dma_start3A_130 : memref<10000x128xf32, #tpu.memory_space<hbm>>) target(%arg11 : memref<80x128xf32, #tpu.memory_space<vmem>>) offsets(%dma_start3A_127 : memref<80xi32, #tpu.memory_space<vmem>>) semaphore(%arg15 : memref<!tpu.dma_semaphore, #tpu.memory_space<semaphore_mem>>)
    %dma_start3A_131 = arith.constant 1 : i32
    %dma_start3A_132 = arith.constant 0 : i32
    %dma_start3A_133 = tpu.memref_slice %arg9[%dma_start3A_131, %dma_start3A_132] : memref<25x80xi32, #tpu.memory_space<vmem>> -> memref<1x80xi32, #tpu.memory_space<vmem>>
    %dma_start3A_134 = tpu.memref_squeeze %dma_start3A_133 : memref<1x80xi32, #tpu.memory_space<vmem>> -> memref<80xi32, #tpu.memory_space<vmem>>
    %dma_start3A_135 = arith.constant 0 : i32
    %dma_start3A_136 = arith.constant 0 : i32
    %dma_start3A_137 = tpu.memref_slice %arg2[%dma_start3A_135, %dma_start3A_136] : memref<10000x128xf32, #tpu.memory_space<hbm>> -> memref<10000x128xf32, #tpu.memory_space<hbm>>
    tpu.enqueue_indirect_dma source(%dma_start3A_137 : memref<10000x128xf32, #tpu.memory_space<hbm>>) target(%arg12 : memref<80x128xf32, #tpu.memory_space<vmem>>) offsets(%dma_start3A_134 : memref<80xi32, #tpu.memory_space<vmem>>) semaphore(%arg16 : memref<!tpu.dma_semaphore, #tpu.memory_space<semaphore_mem>>)
    %scan3A_138 = arith.constant 0 : i32
    %scan3A_139 = arith.constant 0 : i32
    %scan3A_140 = arith.constant 7 : i32
    %scan3A_141 = arith.addi %scan3A_139, %scan3A_140 : i32
    %scan3A_142 = arith.constant 1 : i32
    %scan3A_143 = scf.for %scan3A_493 = %scan3A_139 to %scan3A_141 step %scan3A_142 iter_args(%scan3A_494 = %scan3A_138) -> (i32)  : i32 {
      %add3A_495 = arith.constant 2 : i32
      %add3A_496 = arith.addi %scan3A_494, %add3A_495 : i32
      %dma_start3A_497 = arith.constant 0 : i32
      %dma_start3A_498 = tpu.memref_slice %arg9[%add3A_496, %dma_start3A_497] : memref<25x80xi32, #tpu.memory_space<vmem>> -> memref<1x80xi32, #tpu.memory_space<vmem>>
      %dma_start3A_499 = tpu.memref_squeeze %dma_start3A_498 : memref<1x80xi32, #tpu.memory_space<vmem>> -> memref<80xi32, #tpu.memory_space<vmem>>
      %dma_start3A_500 = arith.constant 0 : i32
      %dma_start3A_501 = arith.constant 0 : i32
      %dma_start3A_502 = tpu.memref_slice %arg2[%dma_start3A_500, %dma_start3A_501] : memref<10000x128xf32, #tpu.memory_space<hbm>> -> memref<10000x128xf32, #tpu.memory_space<hbm>>
      tpu.enqueue_indirect_dma source(%dma_start3A_502 : memref<10000x128xf32, #tpu.memory_space<hbm>>) target(%arg13 : memref<80x128xf32, #tpu.memory_space<vmem>>) offsets(%dma_start3A_499 : memref<80xi32, #tpu.memory_space<vmem>>) semaphore(%arg17 : memref<!tpu.dma_semaphore, #tpu.memory_space<semaphore_mem>>)
      %dma_wait3A_503 = arith.constant 0 : i32
      %dma_wait3A_504 = arith.constant 0 : i32
      %dma_wait3A_505 = tpu.memref_slice %arg2[%dma_wait3A_503, %dma_wait3A_504] : memref<10000x128xf32, #tpu.memory_space<hbm>> -> memref<80x128xf32, #tpu.memory_space<hbm>>
      %dma_wait3A_506 = arith.constant 0 : i32
      %dma_wait3A_507 = arith.constant 0 : i32
      %dma_wait3A_508 = tpu.memref_slice %arg2[%dma_wait3A_506, %dma_wait3A_507] : memref<10000x128xf32, #tpu.memory_space<hbm>> -> memref<80x128xf32, #tpu.memory_space<hbm>>
      tpu.wait_dma2 semaphore(%arg15 : memref<!tpu.dma_semaphore, #tpu.memory_space<semaphore_mem>>) src(%dma_wait3A_508 : memref<80x128xf32, #tpu.memory_space<hbm>>) dst(%arg11 : memref<80x128xf32, #tpu.memory_space<vmem>>)
      "tpu.region"() ({
        %run_scoped3A_543 = tpu.sem_alloc : memref<!tpu.dma_semaphore, #tpu.memory_space<semaphore_mem>>
        %dma_start3A_544 = arith.constant 0 : i32
        %dma_start3A_545 = tpu.memref_slice %arg10[%scan3A_494, %dma_start3A_544] : memref<25x80xi32, #tpu.memory_space<vmem>> -> memref<1x80xi32, #tpu.memory_space<vmem>>
        %dma_start3A_546 = tpu.memref_squeeze %dma_start3A_545 : memref<1x80xi32, #tpu.memory_space<vmem>> -> memref<80xi32, #tpu.memory_space<vmem>>
        %dma_start3A_547 = arith.constant 0 : i32
        %dma_start3A_548 = arith.constant 0 : i32
        %dma_start3A_549 = tpu.memref_slice %arg14[%dma_start3A_547, %dma_start3A_548] : memref<10112x128xf32, #tpu.memory_space<vmem_shared>> -> memref<10112x128xf32, #tpu.memory_space<vmem_shared>>
        tpu.enqueue_indirect_dma source(%arg11 : memref<80x128xf32, #tpu.memory_space<vmem>>) target(%dma_start3A_549 : memref<10112x128xf32, #tpu.memory_space<vmem_shared>>) offsets(%dma_start3A_546 : memref<80xi32, #tpu.memory_space<vmem>>) semaphore(%run_scoped3A_543 : memref<!tpu.dma_semaphore, #tpu.memory_space<semaphore_mem>>) {add = true}
        %dma_wait3A_550 = arith.constant 0 : i32
        %dma_wait3A_551 = tpu.memref_slice %arg10[%scan3A_494, %dma_wait3A_550] : memref<25x80xi32, #tpu.memory_space<vmem>> -> memref<1x80xi32, #tpu.memory_space<vmem>>
        %dma_wait3A_552 = tpu.memref_squeeze %dma_wait3A_551 : memref<1x80xi32, #tpu.memory_space<vmem>> -> memref<80xi32, #tpu.memory_space<vmem>>
        %dma_wait3A_553 = arith.constant 0 : i32
        %dma_wait3A_554 = arith.constant 0 : i32
        %dma_wait3A_555 = tpu.memref_slice %arg14[%dma_wait3A_553, %dma_wait3A_554] : memref<10112x128xf32, #tpu.memory_space<vmem_shared>> -> memref<10112x128xf32, #tpu.memory_space<vmem_shared>>
        tpu.wait_indirect_dma semaphore(%run_scoped3A_543 : memref<!tpu.dma_semaphore, #tpu.memory_space<semaphore_mem>>) src(%arg11 : memref<80x128xf32, #tpu.memory_space<vmem>>) dst(%dma_wait3A_555 : memref<10112x128xf32, #tpu.memory_space<vmem_shared>>)
        tpu.yield
      }) : () -> ()
      %add3A_509 = arith.constant 1 : i32
      %add3A_510 = arith.addi %scan3A_494, %add3A_509 : i32
      %add3A_511 = arith.constant 2 : i32
      %add3A_512 = arith.addi %add3A_510, %add3A_511 : i32
      %dma_start3A_513 = arith.constant 0 : i32
      %dma_start3A_514 = tpu.memref_slice %arg9[%add3A_512, %dma_start3A_513] : memref<25x80xi32, #tpu.memory_space<vmem>> -> memref<1x80xi32, #tpu.memory_space<vmem>>
      %dma_start3A_515 = tpu.memref_squeeze %dma_start3A_514 : memref<1x80xi32, #tpu.memory_space<vmem>> -> memref<80xi32, #tpu.memory_space<vmem>>
      %dma_start3A_516 = arith.constant 0 : i32
      %dma_start3A_517 = arith.constant 0 : i32
      %dma_start3A_518 = tpu.memref_slice %arg2[%dma_start3A_516, %dma_start3A_517] : memref<10000x128xf32, #tpu.memory_space<hbm>> -> memref<10000x128xf32, #tpu.memory_space<hbm>>
      tpu.enqueue_indirect_dma source(%dma_start3A_518 : memref<10000x128xf32, #tpu.memory_space<hbm>>) target(%arg11 : memref<80x128xf32, #tpu.memory_space<vmem>>) offsets(%dma_start3A_515 : memref<80xi32, #tpu.memory_space<vmem>>) semaphore(%arg15 : memref<!tpu.dma_semaphore, #tpu.memory_space<semaphore_mem>>)
      %dma_wait3A_519 = arith.constant 0 : i32
      %dma_wait3A_520 = arith.constant 0 : i32
      %dma_wait3A_521 = tpu.memref_slice %arg2[%dma_wait3A_519, %dma_wait3A_520] : memref<10000x128xf32, #tpu.memory_space<hbm>> -> memref<80x128xf32, #tpu.memory_space<hbm>>
      %dma_wait3A_522 = arith.constant 0 : i32
      %dma_wait3A_523 = arith.constant 0 : i32
      %dma_wait3A_524 = tpu.memref_slice %arg2[%dma_wait3A_522, %dma_wait3A_523] : memref<10000x128xf32, #tpu.memory_space<hbm>> -> memref<80x128xf32, #tpu.memory_space<hbm>>
      tpu.wait_dma2 semaphore(%arg16 : memref<!tpu.dma_semaphore, #tpu.memory_space<semaphore_mem>>) src(%dma_wait3A_524 : memref<80x128xf32, #tpu.memory_space<hbm>>) dst(%arg12 : memref<80x128xf32, #tpu.memory_space<vmem>>)
      "tpu.region"() ({
        %run_scoped3A_543 = tpu.sem_alloc : memref<!tpu.dma_semaphore, #tpu.memory_space<semaphore_mem>>
        %dma_start3A_544 = arith.constant 0 : i32
        %dma_start3A_545 = tpu.memref_slice %arg10[%add3A_510, %dma_start3A_544] : memref<25x80xi32, #tpu.memory_space<vmem>> -> memref<1x80xi32, #tpu.memory_space<vmem>>
        %dma_start3A_546 = tpu.memref_squeeze %dma_start3A_545 : memref<1x80xi32, #tpu.memory_space<vmem>> -> memref<80xi32, #tpu.memory_space<vmem>>
        %dma_start3A_547 = arith.constant 0 : i32
        %dma_start3A_548 = arith.constant 0 : i32
        %dma_start3A_549 = tpu.memref_slice %arg14[%dma_start3A_547, %dma_start3A_548] : memref<10112x128xf32, #tpu.memory_space<vmem_shared>> -> memref<10112x128xf32, #tpu.memory_space<vmem_shared>>
        tpu.enqueue_indirect_dma source(%arg12 : memref<80x128xf32, #tpu.memory_space<vmem>>) target(%dma_start3A_549 : memref<10112x128xf32, #tpu.memory_space<vmem_shared>>) offsets(%dma_start3A_546 : memref<80xi32, #tpu.memory_space<vmem>>) semaphore(%run_scoped3A_543 : memref<!tpu.dma_semaphore, #tpu.memory_space<semaphore_mem>>) {add = true}
        %dma_wait3A_550 = arith.constant 0 : i32
        %dma_wait3A_551 = tpu.memref_slice %arg10[%add3A_510, %dma_wait3A_550] : memref<25x80xi32, #tpu.memory_space<vmem>> -> memref<1x80xi32, #tpu.memory_space<vmem>>
        %dma_wait3A_552 = tpu.memref_squeeze %dma_wait3A_551 : memref<1x80xi32, #tpu.memory_space<vmem>> -> memref<80xi32, #tpu.memory_space<vmem>>
        %dma_wait3A_553 = arith.constant 0 : i32
        %dma_wait3A_554 = arith.constant 0 : i32
        %dma_wait3A_555 = tpu.memref_slice %arg14[%dma_wait3A_553, %dma_wait3A_554] : memref<10112x128xf32, #tpu.memory_space<vmem_shared>> -> memref<10112x128xf32, #tpu.memory_space<vmem_shared>>
        tpu.wait_indirect_dma semaphore(%run_scoped3A_543 : memref<!tpu.dma_semaphore, #tpu.memory_space<semaphore_mem>>) src(%arg12 : memref<80x128xf32, #tpu.memory_space<vmem>>) dst(%dma_wait3A_555 : memref<10112x128xf32, #tpu.memory_space<vmem_shared>>)
        tpu.yield
      }) : () -> ()
      %add3A_525 = arith.constant 2 : i32
      %add3A_526 = arith.addi %scan3A_494, %add3A_525 : i32
      %add3A_527 = arith.constant 2 : i32
      %add3A_528 = arith.addi %add3A_526, %add3A_527 : i32
      %dma_start3A_529 = arith.constant 0 : i32
      %dma_start3A_530 = tpu.memref_slice %arg9[%add3A_528, %dma_start3A_529] : memref<25x80xi32, #tpu.memory_space<vmem>> -> memref<1x80xi32, #tpu.memory_space<vmem>>
      %dma_start3A_531 = tpu.memref_squeeze %dma_start3A_530 : memref<1x80xi32, #tpu.memory_space<vmem>> -> memref<80xi32, #tpu.memory_space<vmem>>
      %dma_start3A_532 = arith.constant 0 : i32
      %dma_start3A_533 = arith.constant 0 : i32
      %dma_start3A_534 = tpu.memref_slice %arg2[%dma_start3A_532, %dma_start3A_533] : memref<10000x128xf32, #tpu.memory_space<hbm>> -> memref<10000x128xf32, #tpu.memory_space<hbm>>
      tpu.enqueue_indirect_dma source(%dma_start3A_534 : memref<10000x128xf32, #tpu.memory_space<hbm>>) target(%arg12 : memref<80x128xf32, #tpu.memory_space<vmem>>) offsets(%dma_start3A_531 : memref<80xi32, #tpu.memory_space<vmem>>) semaphore(%arg16 : memref<!tpu.dma_semaphore, #tpu.memory_space<semaphore_mem>>)
      %dma_wait3A_535 = arith.constant 0 : i32
      %dma_wait3A_536 = arith.constant 0 : i32
      %dma_wait3A_537 = tpu.memref_slice %arg2[%dma_wait3A_535, %dma_wait3A_536] : memref<10000x128xf32, #tpu.memory_space<hbm>> -> memref<80x128xf32, #tpu.memory_space<hbm>>
      %dma_wait3A_538 = arith.constant 0 : i32
      %dma_wait3A_539 = arith.constant 0 : i32
      %dma_wait3A_540 = tpu.memref_slice %arg2[%dma_wait3A_538, %dma_wait3A_539] : memref<10000x128xf32, #tpu.memory_space<hbm>> -> memref<80x128xf32, #tpu.memory_space<hbm>>
      tpu.wait_dma2 semaphore(%arg17 : memref<!tpu.dma_semaphore, #tpu.memory_space<semaphore_mem>>) src(%dma_wait3A_540 : memref<80x128xf32, #tpu.memory_space<hbm>>) dst(%arg13 : memref<80x128xf32, #tpu.memory_space<vmem>>)
      "tpu.region"() ({
        %run_scoped3A_543 = tpu.sem_alloc : memref<!tpu.dma_semaphore, #tpu.memory_space<semaphore_mem>>
        %dma_start3A_544 = arith.constant 0 : i32
        %dma_start3A_545 = tpu.memref_slice %arg10[%add3A_526, %dma_start3A_544] : memref<25x80xi32, #tpu.memory_space<vmem>> -> memref<1x80xi32, #tpu.memory_space<vmem>>
        %dma_start3A_546 = tpu.memref_squeeze %dma_start3A_545 : memref<1x80xi32, #tpu.memory_space<vmem>> -> memref<80xi32, #tpu.memory_space<vmem>>
        %dma_start3A_547 = arith.constant 0 : i32
        %dma_start3A_548 = arith.constant 0 : i32
        %dma_start3A_549 = tpu.memref_slice %arg14[%dma_start3A_547, %dma_start3A_548] : memref<10112x128xf32, #tpu.memory_space<vmem_shared>> -> memref<10112x128xf32, #tpu.memory_space<vmem_shared>>
        tpu.enqueue_indirect_dma source(%arg13 : memref<80x128xf32, #tpu.memory_space<vmem>>) target(%dma_start3A_549 : memref<10112x128xf32, #tpu.memory_space<vmem_shared>>) offsets(%dma_start3A_546 : memref<80xi32, #tpu.memory_space<vmem>>) semaphore(%run_scoped3A_543 : memref<!tpu.dma_semaphore, #tpu.memory_space<semaphore_mem>>) {add = true}
        %dma_wait3A_550 = arith.constant 0 : i32
        %dma_wait3A_551 = tpu.memref_slice %arg10[%add3A_526, %dma_wait3A_550] : memref<25x80xi32, #tpu.memory_space<vmem>> -> memref<1x80xi32, #tpu.memory_space<vmem>>
        %dma_wait3A_552 = tpu.memref_squeeze %dma_wait3A_551 : memref<1x80xi32, #tpu.memory_space<vmem>> -> memref<80xi32, #tpu.memory_space<vmem>>
        %dma_wait3A_553 = arith.constant 0 : i32
        %dma_wait3A_554 = arith.constant 0 : i32
        %dma_wait3A_555 = tpu.memref_slice %arg14[%dma_wait3A_553, %dma_wait3A_554] : memref<10112x128xf32, #tpu.memory_space<vmem_shared>> -> memref<10112x128xf32, #tpu.memory_space<vmem_shared>>
        tpu.wait_indirect_dma semaphore(%run_scoped3A_543 : memref<!tpu.dma_semaphore, #tpu.memory_space<semaphore_mem>>) src(%arg13 : memref<80x128xf32, #tpu.memory_space<vmem>>) dst(%dma_wait3A_555 : memref<10112x128xf32, #tpu.memory_space<vmem_shared>>)
        tpu.yield
      }) : () -> ()
      %add3A_541 = arith.constant 3 : i32
      %add3A_542 = arith.addi %scan3A_494, %add3A_541 : i32
      scf.yield %add3A_542 : i32
    }
    %scan3A_144 = arith.constant 7 : i32
    %add3A_145 = arith.constant 21 : i32
    %add3A_146 = arith.constant 2 : i32
    %add3A_147 = arith.addi %add3A_145, %add3A_146 : i32
    %dma_start3A_148 = arith.constant 0 : i32
    %dma_start3A_149 = tpu.memref_slice %arg9[%add3A_147, %dma_start3A_148] : memref<25x80xi32, #tpu.memory_space<vmem>> -> memref<1x80xi32, #tpu.memory_space<vmem>>
    %dma_start3A_150 = tpu.memref_squeeze %dma_start3A_149 : memref<1x80xi32, #tpu.memory_space<vmem>> -> memref<80xi32, #tpu.memory_space<vmem>>
    %dma_start3A_151 = arith.constant 0 : i32
    %dma_start3A_152 = arith.constant 0 : i32
    %dma_start3A_153 = tpu.memref_slice %arg2[%dma_start3A_151, %dma_start3A_152] : memref<10000x128xf32, #tpu.memory_space<hbm>> -> memref<10000x128xf32, #tpu.memory_space<hbm>>
    tpu.enqueue_indirect_dma source(%dma_start3A_153 : memref<10000x128xf32, #tpu.memory_space<hbm>>) target(%arg13 : memref<80x128xf32, #tpu.memory_space<vmem>>) offsets(%dma_start3A_150 : memref<80xi32, #tpu.memory_space<vmem>>) semaphore(%arg17 : memref<!tpu.dma_semaphore, #tpu.memory_space<semaphore_mem>>)
    %dma_wait3A_154 = arith.constant 0 : i32
    %dma_wait3A_155 = arith.constant 0 : i32
    %dma_wait3A_156 = tpu.memref_slice %arg2[%dma_wait3A_154, %dma_wait3A_155] : memref<10000x128xf32, #tpu.memory_space<hbm>> -> memref<80x128xf32, #tpu.memory_space<hbm>>
    %dma_wait3A_157 = arith.constant 0 : i32
    %dma_wait3A_158 = arith.constant 0 : i32
    %dma_wait3A_159 = tpu.memref_slice %arg2[%dma_wait3A_157, %dma_wait3A_158] : memref<10000x128xf32, #tpu.memory_space<hbm>> -> memref<80x128xf32, #tpu.memory_space<hbm>>
    tpu.wait_dma2 semaphore(%arg15 : memref<!tpu.dma_semaphore, #tpu.memory_space<semaphore_mem>>) src(%dma_wait3A_159 : memref<80x128xf32, #tpu.memory_space<hbm>>) dst(%arg11 : memref<80x128xf32, #tpu.memory_space<vmem>>)
    %run_scoped3A_160 = arith.constant 21 : i32
    "tpu.region"() ({
      %run_scoped3A_493 = tpu.sem_alloc : memref<!tpu.dma_semaphore, #tpu.memory_space<semaphore_mem>>
      %dma_start3A_494 = arith.constant 0 : i32
      %dma_start3A_495 = tpu.memref_slice %arg10[%run_scoped3A_160, %dma_start3A_494] : memref<25x80xi32, #tpu.memory_space<vmem>> -> memref<1x80xi32, #tpu.memory_space<vmem>>
      %dma_start3A_496 = tpu.memref_squeeze %dma_start3A_495 : memref<1x80xi32, #tpu.memory_space<vmem>> -> memref<80xi32, #tpu.memory_space<vmem>>
      %dma_start3A_497 = arith.constant 0 : i32
      %dma_start3A_498 = arith.constant 0 : i32
      %dma_start3A_499 = tpu.memref_slice %arg14[%dma_start3A_497, %dma_start3A_498] : memref<10112x128xf32, #tpu.memory_space<vmem_shared>> -> memref<10112x128xf32, #tpu.memory_space<vmem_shared>>
      tpu.enqueue_indirect_dma source(%arg11 : memref<80x128xf32, #tpu.memory_space<vmem>>) target(%dma_start3A_499 : memref<10112x128xf32, #tpu.memory_space<vmem_shared>>) offsets(%dma_start3A_496 : memref<80xi32, #tpu.memory_space<vmem>>) semaphore(%run_scoped3A_493 : memref<!tpu.dma_semaphore, #tpu.memory_space<semaphore_mem>>) {add = true}
      %dma_wait3A_500 = arith.constant 0 : i32
      %dma_wait3A_501 = tpu.memref_slice %arg10[%run_scoped3A_160, %dma_wait3A_500] : memref<25x80xi32, #tpu.memory_space<vmem>> -> memref<1x80xi32, #tpu.memory_space<vmem>>
      %dma_wait3A_502 = tpu.memref_squeeze %dma_wait3A_501 : memref<1x80xi32, #tpu.memory_space<vmem>> -> memref<80xi32, #tpu.memory_space<vmem>>
      %dma_wait3A_503 = arith.constant 0 : i32
      %dma_wait3A_504 = arith.constant 0 : i32
      %dma_wait3A_505 = tpu.memref_slice %arg14[%dma_wait3A_503, %dma_wait3A_504] : memref<10112x128xf32, #tpu.memory_space<vmem_shared>> -> memref<10112x128xf32, #tpu.memory_space<vmem_shared>>
      tpu.wait_indirect_dma semaphore(%run_scoped3A_493 : memref<!tpu.dma_semaphore, #tpu.memory_space<semaphore_mem>>) src(%arg11 : memref<80x128xf32, #tpu.memory_space<vmem>>) dst(%dma_wait3A_505 : memref<10112x128xf32, #tpu.memory_space<vmem_shared>>)
      tpu.yield
    }) : () -> ()
    %add3A_161 = arith.constant 22 : i32
    %add3A_162 = arith.constant 2 : i32
    %add3A_163 = arith.addi %add3A_161, %add3A_162 : i32
    %dma_start3A_164 = arith.constant 0 : i32
    %dma_start3A_165 = tpu.memref_slice %arg9[%add3A_163, %dma_start3A_164] : memref<25x80xi32, #tpu.memory_space<vmem>> -> memref<1x80xi32, #tpu.memory_space<vmem>>
    %dma_start3A_166 = tpu.memref_squeeze %dma_start3A_165 : memref<1x80xi32, #tpu.memory_space<vmem>> -> memref<80xi32, #tpu.memory_space<vmem>>
    %dma_start3A_167 = arith.constant 0 : i32
    %dma_start3A_168 = arith.constant 0 : i32
    %dma_start3A_169 = tpu.memref_slice %arg2[%dma_start3A_167, %dma_start3A_168] : memref<10000x128xf32, #tpu.memory_space<hbm>> -> memref<10000x128xf32, #tpu.memory_space<hbm>>
    tpu.enqueue_indirect_dma source(%dma_start3A_169 : memref<10000x128xf32, #tpu.memory_space<hbm>>) target(%arg11 : memref<80x128xf32, #tpu.memory_space<vmem>>) offsets(%dma_start3A_166 : memref<80xi32, #tpu.memory_space<vmem>>) semaphore(%arg15 : memref<!tpu.dma_semaphore, #tpu.memory_space<semaphore_mem>>)
    %dma_wait3A_170 = arith.constant 0 : i32
    %dma_wait3A_171 = arith.constant 0 : i32
    %dma_wait3A_172 = tpu.memref_slice %arg2[%dma_wait3A_170, %dma_wait3A_171] : memref<10000x128xf32, #tpu.memory_space<hbm>> -> memref<80x128xf32, #tpu.memory_space<hbm>>
    %dma_wait3A_173 = arith.constant 0 : i32
    %dma_wait3A_174 = arith.constant 0 : i32
    %dma_wait3A_175 = tpu.memref_slice %arg2[%dma_wait3A_173, %dma_wait3A_174] : memref<10000x128xf32, #tpu.memory_space<hbm>> -> memref<80x128xf32, #tpu.memory_space<hbm>>
    tpu.wait_dma2 semaphore(%arg16 : memref<!tpu.dma_semaphore, #tpu.memory_space<semaphore_mem>>) src(%dma_wait3A_175 : memref<80x128xf32, #tpu.memory_space<hbm>>) dst(%arg12 : memref<80x128xf32, #tpu.memory_space<vmem>>)
    %run_scoped3A_176 = arith.constant 22 : i32
    "tpu.region"() ({
      %run_scoped3A_493 = tpu.sem_alloc : memref<!tpu.dma_semaphore, #tpu.memory_space<semaphore_mem>>
      %dma_start3A_494 = arith.constant 0 : i32
      %dma_start3A_495 = tpu.memref_slice %arg10[%run_scoped3A_176, %dma_start3A_494] : memref<25x80xi32, #tpu.memory_space<vmem>> -> memref<1x80xi32, #tpu.memory_space<vmem>>
      %dma_start3A_496 = tpu.memref_squeeze %dma_start3A_495 : memref<1x80xi32, #tpu.memory_space<vmem>> -> memref<80xi32, #tpu.memory_space<vmem>>
      %dma_start3A_497 = arith.constant 0 : i32
      %dma_start3A_498 = arith.constant 0 : i32
      %dma_start3A_499 = tpu.memref_slice %arg14[%dma_start3A_497, %dma_start3A_498] : memref<10112x128xf32, #tpu.memory_space<vmem_shared>> -> memref<10112x128xf32, #tpu.memory_space<vmem_shared>>
      tpu.enqueue_indirect_dma source(%arg12 : memref<80x128xf32, #tpu.memory_space<vmem>>) target(%dma_start3A_499 : memref<10112x128xf32, #tpu.memory_space<vmem_shared>>) offsets(%dma_start3A_496 : memref<80xi32, #tpu.memory_space<vmem>>) semaphore(%run_scoped3A_493 : memref<!tpu.dma_semaphore, #tpu.memory_space<semaphore_mem>>) {add = true}
      %dma_wait3A_500 = arith.constant 0 : i32
      %dma_wait3A_501 = tpu.memref_slice %arg10[%run_scoped3A_176, %dma_wait3A_500] : memref<25x80xi32, #tpu.memory_space<vmem>> -> memref<1x80xi32, #tpu.memory_space<vmem>>
      %dma_wait3A_502 = tpu.memref_squeeze %dma_wait3A_501 : memref<1x80xi32, #tpu.memory_space<vmem>> -> memref<80xi32, #tpu.memory_space<vmem>>
      %dma_wait3A_503 = arith.constant 0 : i32
      %dma_wait3A_504 = arith.constant 0 : i32
      %dma_wait3A_505 = tpu.memref_slice %arg14[%dma_wait3A_503, %dma_wait3A_504] : memref<10112x128xf32, #tpu.memory_space<vmem_shared>> -> memref<10112x128xf32, #tpu.memory_space<vmem_shared>>
      tpu.wait_indirect_dma semaphore(%run_scoped3A_493 : memref<!tpu.dma_semaphore, #tpu.memory_space<semaphore_mem>>) src(%arg12 : memref<80x128xf32, #tpu.memory_space<vmem>>) dst(%dma_wait3A_505 : memref<10112x128xf32, #tpu.memory_space<vmem_shared>>)
      tpu.yield
    }) : () -> ()
    %dma_wait3A_177 = arith.constant 0 : i32
    %dma_wait3A_178 = arith.constant 0 : i32
    %dma_wait3A_179 = tpu.memref_slice %arg2[%dma_wait3A_177, %dma_wait3A_178] : memref<10000x128xf32, #tpu.memory_space<hbm>> -> memref<80x128xf32, #tpu.memory_space<hbm>>
    %dma_wait3A_180 = arith.constant 0 : i32
    %dma_wait3A_181 = arith.constant 0 : i32
    %dma_wait3A_182 = tpu.memref_slice %arg2[%dma_wait3A_180, %dma_wait3A_181] : memref<10000x128xf32, #tpu.memory_space<hbm>> -> memref<80x128xf32, #tpu.memory_space<hbm>>
    tpu.wait_dma2 semaphore(%arg17 : memref<!tpu.dma_semaphore, #tpu.memory_space<semaphore_mem>>) src(%dma_wait3A_182 : memref<80x128xf32, #tpu.memory_space<hbm>>) dst(%arg13 : memref<80x128xf32, #tpu.memory_space<vmem>>)
    %run_scoped3A_183 = arith.constant 23 : i32
    "tpu.region"() ({
      %run_scoped3A_493 = tpu.sem_alloc : memref<!tpu.dma_semaphore, #tpu.memory_space<semaphore_mem>>
      %dma_start3A_494 = arith.constant 0 : i32
      %dma_start3A_495 = tpu.memref_slice %arg10[%run_scoped3A_183, %dma_start3A_494] : memref<25x80xi32, #tpu.memory_space<vmem>> -> memref<1x80xi32, #tpu.memory_space<vmem>>
      %dma_start3A_496 = tpu.memref_squeeze %dma_start3A_495 : memref<1x80xi32, #tpu.memory_space<vmem>> -> memref<80xi32, #tpu.memory_space<vmem>>
      %dma_start3A_497 = arith.constant 0 : i32
      %dma_start3A_498 = arith.constant 0 : i32
      %dma_start3A_499 = tpu.memref_slice %arg14[%dma_start3A_497, %dma_start3A_498] : memref<10112x128xf32, #tpu.memory_space<vmem_shared>> -> memref<10112x128xf32, #tpu.memory_space<vmem_shared>>
      tpu.enqueue_indirect_dma source(%arg13 : memref<80x128xf32, #tpu.memory_space<vmem>>) target(%dma_start3A_499 : memref<10112x128xf32, #tpu.memory_space<vmem_shared>>) offsets(%dma_start3A_496 : memref<80xi32, #tpu.memory_space<vmem>>) semaphore(%run_scoped3A_493 : memref<!tpu.dma_semaphore, #tpu.memory_space<semaphore_mem>>) {add = true}
      %dma_wait3A_500 = arith.constant 0 : i32
      %dma_wait3A_501 = tpu.memref_slice %arg10[%run_scoped3A_183, %dma_wait3A_500] : memref<25x80xi32, #tpu.memory_space<vmem>> -> memref<1x80xi32, #tpu.memory_space<vmem>>
      %dma_wait3A_502 = tpu.memref_squeeze %dma_wait3A_501 : memref<1x80xi32, #tpu.memory_space<vmem>> -> memref<80xi32, #tpu.memory_space<vmem>>
      %dma_wait3A_503 = arith.constant 0 : i32
      %dma_wait3A_504 = arith.constant 0 : i32
      %dma_wait3A_505 = tpu.memref_slice %arg14[%dma_wait3A_503, %dma_wait3A_504] : memref<10112x128xf32, #tpu.memory_space<vmem_shared>> -> memref<10112x128xf32, #tpu.memory_space<vmem_shared>>
      tpu.wait_indirect_dma semaphore(%run_scoped3A_493 : memref<!tpu.dma_semaphore, #tpu.memory_space<semaphore_mem>>) src(%arg13 : memref<80x128xf32, #tpu.memory_space<vmem>>) dst(%dma_wait3A_505 : memref<10112x128xf32, #tpu.memory_space<vmem_shared>>)
      tpu.yield
    }) : () -> ()
    %dma_wait3A_184 = arith.constant 0 : i32
    %dma_wait3A_185 = arith.constant 0 : i32
    %dma_wait3A_186 = tpu.memref_slice %arg2[%dma_wait3A_184, %dma_wait3A_185] : memref<10000x128xf32, #tpu.memory_space<hbm>> -> memref<80x128xf32, #tpu.memory_space<hbm>>
    %dma_wait3A_187 = arith.constant 0 : i32
    %dma_wait3A_188 = arith.constant 0 : i32
    %dma_wait3A_189 = tpu.memref_slice %arg2[%dma_wait3A_187, %dma_wait3A_188] : memref<10000x128xf32, #tpu.memory_space<hbm>> -> memref<80x128xf32, #tpu.memory_space<hbm>>
    tpu.wait_dma2 semaphore(%arg15 : memref<!tpu.dma_semaphore, #tpu.memory_space<semaphore_mem>>) src(%dma_wait3A_189 : memref<80x128xf32, #tpu.memory_space<hbm>>) dst(%arg11 : memref<80x128xf32, #tpu.memory_space<vmem>>)
    %run_scoped3A_190 = arith.constant 24 : i32
    "tpu.region"() ({
      %run_scoped3A_493 = tpu.sem_alloc : memref<!tpu.dma_semaphore, #tpu.memory_space<semaphore_mem>>
      %dma_start3A_494 = arith.constant 0 : i32
      %dma_start3A_495 = tpu.memref_slice %arg10[%run_scoped3A_190, %dma_start3A_494] : memref<25x80xi32, #tpu.memory_space<vmem>> -> memref<1x80xi32, #tpu.memory_space<vmem>>
      %dma_start3A_496 = tpu.memref_squeeze %dma_start3A_495 : memref<1x80xi32, #tpu.memory_space<vmem>> -> memref<80xi32, #tpu.memory_space<vmem>>
      %dma_start3A_497 = arith.constant 0 : i32
      %dma_start3A_498 = arith.constant 0 : i32
      %dma_start3A_499 = tpu.memref_slice %arg14[%dma_start3A_497, %dma_start3A_498] : memref<10112x128xf32, #tpu.memory_space<vmem_shared>> -> memref<10112x128xf32, #tpu.memory_space<vmem_shared>>
      tpu.enqueue_indirect_dma source(%arg11 : memref<80x128xf32, #tpu.memory_space<vmem>>) target(%dma_start3A_499 : memref<10112x128xf32, #tpu.memory_space<vmem_shared>>) offsets(%dma_start3A_496 : memref<80xi32, #tpu.memory_space<vmem>>) semaphore(%run_scoped3A_493 : memref<!tpu.dma_semaphore, #tpu.memory_space<semaphore_mem>>) {add = true}
      %dma_wait3A_500 = arith.constant 0 : i32
      %dma_wait3A_501 = tpu.memref_slice %arg10[%run_scoped3A_190, %dma_wait3A_500] : memref<25x80xi32, #tpu.memory_space<vmem>> -> memref<1x80xi32, #tpu.memory_space<vmem>>
      %dma_wait3A_502 = tpu.memref_squeeze %dma_wait3A_501 : memref<1x80xi32, #tpu.memory_space<vmem>> -> memref<80xi32, #tpu.memory_space<vmem>>
      %dma_wait3A_503 = arith.constant 0 : i32
      %dma_wait3A_504 = arith.constant 0 : i32
      %dma_wait3A_505 = tpu.memref_slice %arg14[%dma_wait3A_503, %dma_wait3A_504] : memref<10112x128xf32, #tpu.memory_space<vmem_shared>> -> memref<10112x128xf32, #tpu.memory_space<vmem_shared>>
      tpu.wait_indirect_dma semaphore(%run_scoped3A_493 : memref<!tpu.dma_semaphore, #tpu.memory_space<semaphore_mem>>) src(%arg11 : memref<80x128xf32, #tpu.memory_space<vmem>>) dst(%dma_wait3A_505 : memref<10112x128xf32, #tpu.memory_space<vmem_shared>>)
      tpu.yield
    }) : () -> ()
    %dma_start3A_191 = arith.constant 3 : i32
    %dma_start3A_192 = arith.constant 0 : i32
    %dma_start3A_193 = arith.constant 0 : i32
    %dma_start3A_194 = tpu.memref_slice %arg3[%add3A, %dma_start3A_191, %dma_start3A_192, %dma_start3A_193] : memref<32x5x25x80xi32, #tpu.memory_space<hbm>> -> memref<1x1x25x80xi32, #tpu.memory_space<hbm>>
    %dma_start3A_195 = tpu.memref_squeeze %dma_start3A_194 : memref<1x1x25x80xi32, #tpu.memory_space<hbm>> -> memref<25x80xi32, #tpu.memory_space<hbm>>
    %dma_start3A_196 = arith.constant 0 : i32
    %dma_start3A_197 = arith.constant 0 : i32
    %dma_start3A_198 = tpu.memref_slice %arg3[%add3A, %dma_start3A_191, %dma_start3A_196, %dma_start3A_197] : memref<32x5x25x80xi32, #tpu.memory_space<hbm>> -> memref<1x1x25x80xi32, #tpu.memory_space<hbm>>
    %dma_start3A_199 = tpu.memref_squeeze %dma_start3A_198 : memref<1x1x25x80xi32, #tpu.memory_space<hbm>> -> memref<25x80xi32, #tpu.memory_space<hbm>>
    tpu.enqueue_dma source(%dma_start3A_199 : memref<25x80xi32, #tpu.memory_space<hbm>>) target(%arg9 : memref<25x80xi32, #tpu.memory_space<vmem>>) target_semaphore(%arg19 : memref<!tpu.dma_semaphore, #tpu.memory_space<semaphore_mem>>)
    %dma_start3A_200 = arith.constant 3 : i32
    %dma_start3A_201 = arith.constant 0 : i32
    %dma_start3A_202 = arith.constant 0 : i32
    %dma_start3A_203 = tpu.memref_slice %arg4[%add3A, %dma_start3A_200, %dma_start3A_201, %dma_start3A_202] : memref<32x5x25x80xi32, #tpu.memory_space<hbm>> -> memref<1x1x25x80xi32, #tpu.memory_space<hbm>>
    %dma_start3A_204 = tpu.memref_squeeze %dma_start3A_203 : memref<1x1x25x80xi32, #tpu.memory_space<hbm>> -> memref<25x80xi32, #tpu.memory_space<hbm>>
    %dma_start3A_205 = arith.constant 0 : i32
    %dma_start3A_206 = arith.constant 0 : i32
    %dma_start3A_207 = tpu.memref_slice %arg4[%add3A, %dma_start3A_200, %dma_start3A_205, %dma_start3A_206] : memref<32x5x25x80xi32, #tpu.memory_space<hbm>> -> memref<1x1x25x80xi32, #tpu.memory_space<hbm>>
    %dma_start3A_208 = tpu.memref_squeeze %dma_start3A_207 : memref<1x1x25x80xi32, #tpu.memory_space<hbm>> -> memref<25x80xi32, #tpu.memory_space<hbm>>
    tpu.enqueue_dma source(%dma_start3A_208 : memref<25x80xi32, #tpu.memory_space<hbm>>) target(%arg10 : memref<25x80xi32, #tpu.memory_space<vmem>>) target_semaphore(%arg19 : memref<!tpu.dma_semaphore, #tpu.memory_space<semaphore_mem>>)
    %dma_wait3A_209 = arith.constant 0 : i32
    %dma_wait3A_210 = arith.constant 0 : i32
    %dma_wait3A_211 = arith.constant 0 : i32
    %dma_wait3A_212 = arith.constant 0 : i32
    %dma_wait3A_213 = tpu.memref_slice %arg3[%dma_wait3A_209, %dma_wait3A_210, %dma_wait3A_211, %dma_wait3A_212] : memref<32x5x25x80xi32, #tpu.memory_space<hbm>> -> memref<1x1x25x80xi32, #tpu.memory_space<hbm>>
    %dma_wait3A_214 = tpu.memref_squeeze %dma_wait3A_213 : memref<1x1x25x80xi32, #tpu.memory_space<hbm>> -> memref<25x80xi32, #tpu.memory_space<hbm>>
    %dma_wait3A_215 = arith.constant 0 : i32
    %dma_wait3A_216 = arith.constant 0 : i32
    %dma_wait3A_217 = tpu.memref_slice %arg3[%dma_wait3A_209, %dma_wait3A_210, %dma_wait3A_215, %dma_wait3A_216] : memref<32x5x25x80xi32, #tpu.memory_space<hbm>> -> memref<1x1x25x80xi32, #tpu.memory_space<hbm>>
    %dma_wait3A_218 = tpu.memref_squeeze %dma_wait3A_217 : memref<1x1x25x80xi32, #tpu.memory_space<hbm>> -> memref<25x80xi32, #tpu.memory_space<hbm>>
    tpu.wait_dma2 semaphore(%arg18 : memref<!tpu.dma_semaphore, #tpu.memory_space<semaphore_mem>>) src(%dma_wait3A_218 : memref<25x80xi32, #tpu.memory_space<hbm>>) dst(%arg7 : memref<25x80xi32, #tpu.memory_space<vmem>>)
    %dma_wait3A_219 = arith.constant 0 : i32
    %dma_wait3A_220 = arith.constant 0 : i32
    %dma_wait3A_221 = arith.constant 0 : i32
    %dma_wait3A_222 = arith.constant 0 : i32
    %dma_wait3A_223 = tpu.memref_slice %arg3[%dma_wait3A_219, %dma_wait3A_220, %dma_wait3A_221, %dma_wait3A_222] : memref<32x5x25x80xi32, #tpu.memory_space<hbm>> -> memref<1x1x25x80xi32, #tpu.memory_space<hbm>>
    %dma_wait3A_224 = tpu.memref_squeeze %dma_wait3A_223 : memref<1x1x25x80xi32, #tpu.memory_space<hbm>> -> memref<25x80xi32, #tpu.memory_space<hbm>>
    %dma_wait3A_225 = arith.constant 0 : i32
    %dma_wait3A_226 = arith.constant 0 : i32
    %dma_wait3A_227 = tpu.memref_slice %arg3[%dma_wait3A_219, %dma_wait3A_220, %dma_wait3A_225, %dma_wait3A_226] : memref<32x5x25x80xi32, #tpu.memory_space<hbm>> -> memref<1x1x25x80xi32, #tpu.memory_space<hbm>>
    %dma_wait3A_228 = tpu.memref_squeeze %dma_wait3A_227 : memref<1x1x25x80xi32, #tpu.memory_space<hbm>> -> memref<25x80xi32, #tpu.memory_space<hbm>>
    tpu.wait_dma2 semaphore(%arg18 : memref<!tpu.dma_semaphore, #tpu.memory_space<semaphore_mem>>) src(%dma_wait3A_228 : memref<25x80xi32, #tpu.memory_space<hbm>>) dst(%arg8 : memref<25x80xi32, #tpu.memory_space<vmem>>)
    %dma_start3A_229 = arith.constant 0 : i32
    %dma_start3A_230 = arith.constant 0 : i32
    %dma_start3A_231 = tpu.memref_slice %arg7[%dma_start3A_229, %dma_start3A_230] : memref<25x80xi32, #tpu.memory_space<vmem>> -> memref<1x80xi32, #tpu.memory_space<vmem>>
    %dma_start3A_232 = tpu.memref_squeeze %dma_start3A_231 : memref<1x80xi32, #tpu.memory_space<vmem>> -> memref<80xi32, #tpu.memory_space<vmem>>
    %dma_start3A_233 = arith.constant 0 : i32
    %dma_start3A_234 = arith.constant 0 : i32
    %dma_start3A_235 = tpu.memref_slice %arg2[%dma_start3A_233, %dma_start3A_234] : memref<10000x128xf32, #tpu.memory_space<hbm>> -> memref<10000x128xf32, #tpu.memory_space<hbm>>
    tpu.enqueue_indirect_dma source(%dma_start3A_235 : memref<10000x128xf32, #tpu.memory_space<hbm>>) target(%arg11 : memref<80x128xf32, #tpu.memory_space<vmem>>) offsets(%dma_start3A_232 : memref<80xi32, #tpu.memory_space<vmem>>) semaphore(%arg15 : memref<!tpu.dma_semaphore, #tpu.memory_space<semaphore_mem>>)
    %dma_start3A_236 = arith.constant 1 : i32
    %dma_start3A_237 = arith.constant 0 : i32
    %dma_start3A_238 = tpu.memref_slice %arg7[%dma_start3A_236, %dma_start3A_237] : memref<25x80xi32, #tpu.memory_space<vmem>> -> memref<1x80xi32, #tpu.memory_space<vmem>>
    %dma_start3A_239 = tpu.memref_squeeze %dma_start3A_238 : memref<1x80xi32, #tpu.memory_space<vmem>> -> memref<80xi32, #tpu.memory_space<vmem>>
    %dma_start3A_240 = arith.constant 0 : i32
    %dma_start3A_241 = arith.constant 0 : i32
    %dma_start3A_242 = tpu.memref_slice %arg2[%dma_start3A_240, %dma_start3A_241] : memref<10000x128xf32, #tpu.memory_space<hbm>> -> memref<10000x128xf32, #tpu.memory_space<hbm>>
    tpu.enqueue_indirect_dma source(%dma_start3A_242 : memref<10000x128xf32, #tpu.memory_space<hbm>>) target(%arg12 : memref<80x128xf32, #tpu.memory_space<vmem>>) offsets(%dma_start3A_239 : memref<80xi32, #tpu.memory_space<vmem>>) semaphore(%arg16 : memref<!tpu.dma_semaphore, #tpu.memory_space<semaphore_mem>>)
    %scan3A_243 = arith.constant 0 : i32
    %scan3A_244 = arith.constant 0 : i32
    %scan3A_245 = arith.constant 7 : i32
    %scan3A_246 = arith.addi %scan3A_244, %scan3A_245 : i32
    %scan3A_247 = arith.constant 1 : i32
    %scan3A_248 = scf.for %scan3A_493 = %scan3A_244 to %scan3A_246 step %scan3A_247 iter_args(%scan3A_494 = %scan3A_243) -> (i32)  : i32 {
      %add3A_495 = arith.constant 2 : i32
      %add3A_496 = arith.addi %scan3A_494, %add3A_495 : i32
      %dma_start3A_497 = arith.constant 0 : i32
      %dma_start3A_498 = tpu.memref_slice %arg7[%add3A_496, %dma_start3A_497] : memref<25x80xi32, #tpu.memory_space<vmem>> -> memref<1x80xi32, #tpu.memory_space<vmem>>
      %dma_start3A_499 = tpu.memref_squeeze %dma_start3A_498 : memref<1x80xi32, #tpu.memory_space<vmem>> -> memref<80xi32, #tpu.memory_space<vmem>>
      %dma_start3A_500 = arith.constant 0 : i32
      %dma_start3A_501 = arith.constant 0 : i32
      %dma_start3A_502 = tpu.memref_slice %arg2[%dma_start3A_500, %dma_start3A_501] : memref<10000x128xf32, #tpu.memory_space<hbm>> -> memref<10000x128xf32, #tpu.memory_space<hbm>>
      tpu.enqueue_indirect_dma source(%dma_start3A_502 : memref<10000x128xf32, #tpu.memory_space<hbm>>) target(%arg13 : memref<80x128xf32, #tpu.memory_space<vmem>>) offsets(%dma_start3A_499 : memref<80xi32, #tpu.memory_space<vmem>>) semaphore(%arg17 : memref<!tpu.dma_semaphore, #tpu.memory_space<semaphore_mem>>)
      %dma_wait3A_503 = arith.constant 0 : i32
      %dma_wait3A_504 = arith.constant 0 : i32
      %dma_wait3A_505 = tpu.memref_slice %arg2[%dma_wait3A_503, %dma_wait3A_504] : memref<10000x128xf32, #tpu.memory_space<hbm>> -> memref<80x128xf32, #tpu.memory_space<hbm>>
      %dma_wait3A_506 = arith.constant 0 : i32
      %dma_wait3A_507 = arith.constant 0 : i32
      %dma_wait3A_508 = tpu.memref_slice %arg2[%dma_wait3A_506, %dma_wait3A_507] : memref<10000x128xf32, #tpu.memory_space<hbm>> -> memref<80x128xf32, #tpu.memory_space<hbm>>
      tpu.wait_dma2 semaphore(%arg15 : memref<!tpu.dma_semaphore, #tpu.memory_space<semaphore_mem>>) src(%dma_wait3A_508 : memref<80x128xf32, #tpu.memory_space<hbm>>) dst(%arg11 : memref<80x128xf32, #tpu.memory_space<vmem>>)
      "tpu.region"() ({
        %run_scoped3A_543 = tpu.sem_alloc : memref<!tpu.dma_semaphore, #tpu.memory_space<semaphore_mem>>
        %dma_start3A_544 = arith.constant 0 : i32
        %dma_start3A_545 = tpu.memref_slice %arg8[%scan3A_494, %dma_start3A_544] : memref<25x80xi32, #tpu.memory_space<vmem>> -> memref<1x80xi32, #tpu.memory_space<vmem>>
        %dma_start3A_546 = tpu.memref_squeeze %dma_start3A_545 : memref<1x80xi32, #tpu.memory_space<vmem>> -> memref<80xi32, #tpu.memory_space<vmem>>
        %dma_start3A_547 = arith.constant 0 : i32
        %dma_start3A_548 = arith.constant 0 : i32
        %dma_start3A_549 = tpu.memref_slice %arg14[%dma_start3A_547, %dma_start3A_548] : memref<10112x128xf32, #tpu.memory_space<vmem_shared>> -> memref<10112x128xf32, #tpu.memory_space<vmem_shared>>
        tpu.enqueue_indirect_dma source(%arg11 : memref<80x128xf32, #tpu.memory_space<vmem>>) target(%dma_start3A_549 : memref<10112x128xf32, #tpu.memory_space<vmem_shared>>) offsets(%dma_start3A_546 : memref<80xi32, #tpu.memory_space<vmem>>) semaphore(%run_scoped3A_543 : memref<!tpu.dma_semaphore, #tpu.memory_space<semaphore_mem>>) {add = true}
        %dma_wait3A_550 = arith.constant 0 : i32
        %dma_wait3A_551 = tpu.memref_slice %arg8[%scan3A_494, %dma_wait3A_550] : memref<25x80xi32, #tpu.memory_space<vmem>> -> memref<1x80xi32, #tpu.memory_space<vmem>>
        %dma_wait3A_552 = tpu.memref_squeeze %dma_wait3A_551 : memref<1x80xi32, #tpu.memory_space<vmem>> -> memref<80xi32, #tpu.memory_space<vmem>>
        %dma_wait3A_553 = arith.constant 0 : i32
        %dma_wait3A_554 = arith.constant 0 : i32
        %dma_wait3A_555 = tpu.memref_slice %arg14[%dma_wait3A_553, %dma_wait3A_554] : memref<10112x128xf32, #tpu.memory_space<vmem_shared>> -> memref<10112x128xf32, #tpu.memory_space<vmem_shared>>
        tpu.wait_indirect_dma semaphore(%run_scoped3A_543 : memref<!tpu.dma_semaphore, #tpu.memory_space<semaphore_mem>>) src(%arg11 : memref<80x128xf32, #tpu.memory_space<vmem>>) dst(%dma_wait3A_555 : memref<10112x128xf32, #tpu.memory_space<vmem_shared>>)
        tpu.yield
      }) : () -> ()
      %add3A_509 = arith.constant 1 : i32
      %add3A_510 = arith.addi %scan3A_494, %add3A_509 : i32
      %add3A_511 = arith.constant 2 : i32
      %add3A_512 = arith.addi %add3A_510, %add3A_511 : i32
      %dma_start3A_513 = arith.constant 0 : i32
      %dma_start3A_514 = tpu.memref_slice %arg7[%add3A_512, %dma_start3A_513] : memref<25x80xi32, #tpu.memory_space<vmem>> -> memref<1x80xi32, #tpu.memory_space<vmem>>
      %dma_start3A_515 = tpu.memref_squeeze %dma_start3A_514 : memref<1x80xi32, #tpu.memory_space<vmem>> -> memref<80xi32, #tpu.memory_space<vmem>>
      %dma_start3A_516 = arith.constant 0 : i32
      %dma_start3A_517 = arith.constant 0 : i32
      %dma_start3A_518 = tpu.memref_slice %arg2[%dma_start3A_516, %dma_start3A_517] : memref<10000x128xf32, #tpu.memory_space<hbm>> -> memref<10000x128xf32, #tpu.memory_space<hbm>>
      tpu.enqueue_indirect_dma source(%dma_start3A_518 : memref<10000x128xf32, #tpu.memory_space<hbm>>) target(%arg11 : memref<80x128xf32, #tpu.memory_space<vmem>>) offsets(%dma_start3A_515 : memref<80xi32, #tpu.memory_space<vmem>>) semaphore(%arg15 : memref<!tpu.dma_semaphore, #tpu.memory_space<semaphore_mem>>)
      %dma_wait3A_519 = arith.constant 0 : i32
      %dma_wait3A_520 = arith.constant 0 : i32
      %dma_wait3A_521 = tpu.memref_slice %arg2[%dma_wait3A_519, %dma_wait3A_520] : memref<10000x128xf32, #tpu.memory_space<hbm>> -> memref<80x128xf32, #tpu.memory_space<hbm>>
      %dma_wait3A_522 = arith.constant 0 : i32
      %dma_wait3A_523 = arith.constant 0 : i32
      %dma_wait3A_524 = tpu.memref_slice %arg2[%dma_wait3A_522, %dma_wait3A_523] : memref<10000x128xf32, #tpu.memory_space<hbm>> -> memref<80x128xf32, #tpu.memory_space<hbm>>
      tpu.wait_dma2 semaphore(%arg16 : memref<!tpu.dma_semaphore, #tpu.memory_space<semaphore_mem>>) src(%dma_wait3A_524 : memref<80x128xf32, #tpu.memory_space<hbm>>) dst(%arg12 : memref<80x128xf32, #tpu.memory_space<vmem>>)
      "tpu.region"() ({
        %run_scoped3A_543 = tpu.sem_alloc : memref<!tpu.dma_semaphore, #tpu.memory_space<semaphore_mem>>
        %dma_start3A_544 = arith.constant 0 : i32
        %dma_start3A_545 = tpu.memref_slice %arg8[%add3A_510, %dma_start3A_544] : memref<25x80xi32, #tpu.memory_space<vmem>> -> memref<1x80xi32, #tpu.memory_space<vmem>>
        %dma_start3A_546 = tpu.memref_squeeze %dma_start3A_545 : memref<1x80xi32, #tpu.memory_space<vmem>> -> memref<80xi32, #tpu.memory_space<vmem>>
        %dma_start3A_547 = arith.constant 0 : i32
        %dma_start3A_548 = arith.constant 0 : i32
        %dma_start3A_549 = tpu.memref_slice %arg14[%dma_start3A_547, %dma_start3A_548] : memref<10112x128xf32, #tpu.memory_space<vmem_shared>> -> memref<10112x128xf32, #tpu.memory_space<vmem_shared>>
        tpu.enqueue_indirect_dma source(%arg12 : memref<80x128xf32, #tpu.memory_space<vmem>>) target(%dma_start3A_549 : memref<10112x128xf32, #tpu.memory_space<vmem_shared>>) offsets(%dma_start3A_546 : memref<80xi32, #tpu.memory_space<vmem>>) semaphore(%run_scoped3A_543 : memref<!tpu.dma_semaphore, #tpu.memory_space<semaphore_mem>>) {add = true}
        %dma_wait3A_550 = arith.constant 0 : i32
        %dma_wait3A_551 = tpu.memref_slice %arg8[%add3A_510, %dma_wait3A_550] : memref<25x80xi32, #tpu.memory_space<vmem>> -> memref<1x80xi32, #tpu.memory_space<vmem>>
        %dma_wait3A_552 = tpu.memref_squeeze %dma_wait3A_551 : memref<1x80xi32, #tpu.memory_space<vmem>> -> memref<80xi32, #tpu.memory_space<vmem>>
        %dma_wait3A_553 = arith.constant 0 : i32
        %dma_wait3A_554 = arith.constant 0 : i32
        %dma_wait3A_555 = tpu.memref_slice %arg14[%dma_wait3A_553, %dma_wait3A_554] : memref<10112x128xf32, #tpu.memory_space<vmem_shared>> -> memref<10112x128xf32, #tpu.memory_space<vmem_shared>>
        tpu.wait_indirect_dma semaphore(%run_scoped3A_543 : memref<!tpu.dma_semaphore, #tpu.memory_space<semaphore_mem>>) src(%arg12 : memref<80x128xf32, #tpu.memory_space<vmem>>) dst(%dma_wait3A_555 : memref<10112x128xf32, #tpu.memory_space<vmem_shared>>)
        tpu.yield
      }) : () -> ()
      %add3A_525 = arith.constant 2 : i32
      %add3A_526 = arith.addi %scan3A_494, %add3A_525 : i32
      %add3A_527 = arith.constant 2 : i32
      %add3A_528 = arith.addi %add3A_526, %add3A_527 : i32
      %dma_start3A_529 = arith.constant 0 : i32
      %dma_start3A_530 = tpu.memref_slice %arg7[%add3A_528, %dma_start3A_529] : memref<25x80xi32, #tpu.memory_space<vmem>> -> memref<1x80xi32, #tpu.memory_space<vmem>>
      %dma_start3A_531 = tpu.memref_squeeze %dma_start3A_530 : memref<1x80xi32, #tpu.memory_space<vmem>> -> memref<80xi32, #tpu.memory_space<vmem>>
      %dma_start3A_532 = arith.constant 0 : i32
      %dma_start3A_533 = arith.constant 0 : i32
      %dma_start3A_534 = tpu.memref_slice %arg2[%dma_start3A_532, %dma_start3A_533] : memref<10000x128xf32, #tpu.memory_space<hbm>> -> memref<10000x128xf32, #tpu.memory_space<hbm>>
      tpu.enqueue_indirect_dma source(%dma_start3A_534 : memref<10000x128xf32, #tpu.memory_space<hbm>>) target(%arg12 : memref<80x128xf32, #tpu.memory_space<vmem>>) offsets(%dma_start3A_531 : memref<80xi32, #tpu.memory_space<vmem>>) semaphore(%arg16 : memref<!tpu.dma_semaphore, #tpu.memory_space<semaphore_mem>>)
      %dma_wait3A_535 = arith.constant 0 : i32
      %dma_wait3A_536 = arith.constant 0 : i32
      %dma_wait3A_537 = tpu.memref_slice %arg2[%dma_wait3A_535, %dma_wait3A_536] : memref<10000x128xf32, #tpu.memory_space<hbm>> -> memref<80x128xf32, #tpu.memory_space<hbm>>
      %dma_wait3A_538 = arith.constant 0 : i32
      %dma_wait3A_539 = arith.constant 0 : i32
      %dma_wait3A_540 = tpu.memref_slice %arg2[%dma_wait3A_538, %dma_wait3A_539] : memref<10000x128xf32, #tpu.memory_space<hbm>> -> memref<80x128xf32, #tpu.memory_space<hbm>>
      tpu.wait_dma2 semaphore(%arg17 : memref<!tpu.dma_semaphore, #tpu.memory_space<semaphore_mem>>) src(%dma_wait3A_540 : memref<80x128xf32, #tpu.memory_space<hbm>>) dst(%arg13 : memref<80x128xf32, #tpu.memory_space<vmem>>)
      "tpu.region"() ({
        %run_scoped3A_543 = tpu.sem_alloc : memref<!tpu.dma_semaphore, #tpu.memory_space<semaphore_mem>>
        %dma_start3A_544 = arith.constant 0 : i32
        %dma_start3A_545 = tpu.memref_slice %arg8[%add3A_526, %dma_start3A_544] : memref<25x80xi32, #tpu.memory_space<vmem>> -> memref<1x80xi32, #tpu.memory_space<vmem>>
        %dma_start3A_546 = tpu.memref_squeeze %dma_start3A_545 : memref<1x80xi32, #tpu.memory_space<vmem>> -> memref<80xi32, #tpu.memory_space<vmem>>
        %dma_start3A_547 = arith.constant 0 : i32
        %dma_start3A_548 = arith.constant 0 : i32
        %dma_start3A_549 = tpu.memref_slice %arg14[%dma_start3A_547, %dma_start3A_548] : memref<10112x128xf32, #tpu.memory_space<vmem_shared>> -> memref<10112x128xf32, #tpu.memory_space<vmem_shared>>
        tpu.enqueue_indirect_dma source(%arg13 : memref<80x128xf32, #tpu.memory_space<vmem>>) target(%dma_start3A_549 : memref<10112x128xf32, #tpu.memory_space<vmem_shared>>) offsets(%dma_start3A_546 : memref<80xi32, #tpu.memory_space<vmem>>) semaphore(%run_scoped3A_543 : memref<!tpu.dma_semaphore, #tpu.memory_space<semaphore_mem>>) {add = true}
        %dma_wait3A_550 = arith.constant 0 : i32
        %dma_wait3A_551 = tpu.memref_slice %arg8[%add3A_526, %dma_wait3A_550] : memref<25x80xi32, #tpu.memory_space<vmem>> -> memref<1x80xi32, #tpu.memory_space<vmem>>
        %dma_wait3A_552 = tpu.memref_squeeze %dma_wait3A_551 : memref<1x80xi32, #tpu.memory_space<vmem>> -> memref<80xi32, #tpu.memory_space<vmem>>
        %dma_wait3A_553 = arith.constant 0 : i32
        %dma_wait3A_554 = arith.constant 0 : i32
        %dma_wait3A_555 = tpu.memref_slice %arg14[%dma_wait3A_553, %dma_wait3A_554] : memref<10112x128xf32, #tpu.memory_space<vmem_shared>> -> memref<10112x128xf32, #tpu.memory_space<vmem_shared>>
        tpu.wait_indirect_dma semaphore(%run_scoped3A_543 : memref<!tpu.dma_semaphore, #tpu.memory_space<semaphore_mem>>) src(%arg13 : memref<80x128xf32, #tpu.memory_space<vmem>>) dst(%dma_wait3A_555 : memref<10112x128xf32, #tpu.memory_space<vmem_shared>>)
        tpu.yield
      }) : () -> ()
      %add3A_541 = arith.constant 3 : i32
      %add3A_542 = arith.addi %scan3A_494, %add3A_541 : i32
      scf.yield %add3A_542 : i32
    }
    %scan3A_249 = arith.constant 7 : i32
    %add3A_250 = arith.constant 21 : i32
    %add3A_251 = arith.constant 2 : i32
    %add3A_252 = arith.addi %add3A_250, %add3A_251 : i32
    %dma_start3A_253 = arith.constant 0 : i32
    %dma_start3A_254 = tpu.memref_slice %arg7[%add3A_252, %dma_start3A_253] : memref<25x80xi32, #tpu.memory_space<vmem>> -> memref<1x80xi32, #tpu.memory_space<vmem>>
    %dma_start3A_255 = tpu.memref_squeeze %dma_start3A_254 : memref<1x80xi32, #tpu.memory_space<vmem>> -> memref<80xi32, #tpu.memory_space<vmem>>
    %dma_start3A_256 = arith.constant 0 : i32
    %dma_start3A_257 = arith.constant 0 : i32
    %dma_start3A_258 = tpu.memref_slice %arg2[%dma_start3A_256, %dma_start3A_257] : memref<10000x128xf32, #tpu.memory_space<hbm>> -> memref<10000x128xf32, #tpu.memory_space<hbm>>
    tpu.enqueue_indirect_dma source(%dma_start3A_258 : memref<10000x128xf32, #tpu.memory_space<hbm>>) target(%arg13 : memref<80x128xf32, #tpu.memory_space<vmem>>) offsets(%dma_start3A_255 : memref<80xi32, #tpu.memory_space<vmem>>) semaphore(%arg17 : memref<!tpu.dma_semaphore, #tpu.memory_space<semaphore_mem>>)
    %dma_wait3A_259 = arith.constant 0 : i32
    %dma_wait3A_260 = arith.constant 0 : i32
    %dma_wait3A_261 = tpu.memref_slice %arg2[%dma_wait3A_259, %dma_wait3A_260] : memref<10000x128xf32, #tpu.memory_space<hbm>> -> memref<80x128xf32, #tpu.memory_space<hbm>>
    %dma_wait3A_262 = arith.constant 0 : i32
    %dma_wait3A_263 = arith.constant 0 : i32
    %dma_wait3A_264 = tpu.memref_slice %arg2[%dma_wait3A_262, %dma_wait3A_263] : memref<10000x128xf32, #tpu.memory_space<hbm>> -> memref<80x128xf32, #tpu.memory_space<hbm>>
    tpu.wait_dma2 semaphore(%arg15 : memref<!tpu.dma_semaphore, #tpu.memory_space<semaphore_mem>>) src(%dma_wait3A_264 : memref<80x128xf32, #tpu.memory_space<hbm>>) dst(%arg11 : memref<80x128xf32, #tpu.memory_space<vmem>>)
    %run_scoped3A_265 = arith.constant 21 : i32
    "tpu.region"() ({
      %run_scoped3A_493 = tpu.sem_alloc : memref<!tpu.dma_semaphore, #tpu.memory_space<semaphore_mem>>
      %dma_start3A_494 = arith.constant 0 : i32
      %dma_start3A_495 = tpu.memref_slice %arg8[%run_scoped3A_265, %dma_start3A_494] : memref<25x80xi32, #tpu.memory_space<vmem>> -> memref<1x80xi32, #tpu.memory_space<vmem>>
      %dma_start3A_496 = tpu.memref_squeeze %dma_start3A_495 : memref<1x80xi32, #tpu.memory_space<vmem>> -> memref<80xi32, #tpu.memory_space<vmem>>
      %dma_start3A_497 = arith.constant 0 : i32
      %dma_start3A_498 = arith.constant 0 : i32
      %dma_start3A_499 = tpu.memref_slice %arg14[%dma_start3A_497, %dma_start3A_498] : memref<10112x128xf32, #tpu.memory_space<vmem_shared>> -> memref<10112x128xf32, #tpu.memory_space<vmem_shared>>
      tpu.enqueue_indirect_dma source(%arg11 : memref<80x128xf32, #tpu.memory_space<vmem>>) target(%dma_start3A_499 : memref<10112x128xf32, #tpu.memory_space<vmem_shared>>) offsets(%dma_start3A_496 : memref<80xi32, #tpu.memory_space<vmem>>) semaphore(%run_scoped3A_493 : memref<!tpu.dma_semaphore, #tpu.memory_space<semaphore_mem>>) {add = true}
      %dma_wait3A_500 = arith.constant 0 : i32
      %dma_wait3A_501 = tpu.memref_slice %arg8[%run_scoped3A_265, %dma_wait3A_500] : memref<25x80xi32, #tpu.memory_space<vmem>> -> memref<1x80xi32, #tpu.memory_space<vmem>>
      %dma_wait3A_502 = tpu.memref_squeeze %dma_wait3A_501 : memref<1x80xi32, #tpu.memory_space<vmem>> -> memref<80xi32, #tpu.memory_space<vmem>>
      %dma_wait3A_503 = arith.constant 0 : i32
      %dma_wait3A_504 = arith.constant 0 : i32
      %dma_wait3A_505 = tpu.memref_slice %arg14[%dma_wait3A_503, %dma_wait3A_504] : memref<10112x128xf32, #tpu.memory_space<vmem_shared>> -> memref<10112x128xf32, #tpu.memory_space<vmem_shared>>
      tpu.wait_indirect_dma semaphore(%run_scoped3A_493 : memref<!tpu.dma_semaphore, #tpu.memory_space<semaphore_mem>>) src(%arg11 : memref<80x128xf32, #tpu.memory_space<vmem>>) dst(%dma_wait3A_505 : memref<10112x128xf32, #tpu.memory_space<vmem_shared>>)
      tpu.yield
    }) : () -> ()
    %add3A_266 = arith.constant 22 : i32
    %add3A_267 = arith.constant 2 : i32
    %add3A_268 = arith.addi %add3A_266, %add3A_267 : i32
    %dma_start3A_269 = arith.constant 0 : i32
    %dma_start3A_270 = tpu.memref_slice %arg7[%add3A_268, %dma_start3A_269] : memref<25x80xi32, #tpu.memory_space<vmem>> -> memref<1x80xi32, #tpu.memory_space<vmem>>
    %dma_start3A_271 = tpu.memref_squeeze %dma_start3A_270 : memref<1x80xi32, #tpu.memory_space<vmem>> -> memref<80xi32, #tpu.memory_space<vmem>>
    %dma_start3A_272 = arith.constant 0 : i32
    %dma_start3A_273 = arith.constant 0 : i32
    %dma_start3A_274 = tpu.memref_slice %arg2[%dma_start3A_272, %dma_start3A_273] : memref<10000x128xf32, #tpu.memory_space<hbm>> -> memref<10000x128xf32, #tpu.memory_space<hbm>>
    tpu.enqueue_indirect_dma source(%dma_start3A_274 : memref<10000x128xf32, #tpu.memory_space<hbm>>) target(%arg11 : memref<80x128xf32, #tpu.memory_space<vmem>>) offsets(%dma_start3A_271 : memref<80xi32, #tpu.memory_space<vmem>>) semaphore(%arg15 : memref<!tpu.dma_semaphore, #tpu.memory_space<semaphore_mem>>)
    %dma_wait3A_275 = arith.constant 0 : i32
    %dma_wait3A_276 = arith.constant 0 : i32
    %dma_wait3A_277 = tpu.memref_slice %arg2[%dma_wait3A_275, %dma_wait3A_276] : memref<10000x128xf32, #tpu.memory_space<hbm>> -> memref<80x128xf32, #tpu.memory_space<hbm>>
    %dma_wait3A_278 = arith.constant 0 : i32
    %dma_wait3A_279 = arith.constant 0 : i32
    %dma_wait3A_280 = tpu.memref_slice %arg2[%dma_wait3A_278, %dma_wait3A_279] : memref<10000x128xf32, #tpu.memory_space<hbm>> -> memref<80x128xf32, #tpu.memory_space<hbm>>
    tpu.wait_dma2 semaphore(%arg16 : memref<!tpu.dma_semaphore, #tpu.memory_space<semaphore_mem>>) src(%dma_wait3A_280 : memref<80x128xf32, #tpu.memory_space<hbm>>) dst(%arg12 : memref<80x128xf32, #tpu.memory_space<vmem>>)
    %run_scoped3A_281 = arith.constant 22 : i32
    "tpu.region"() ({
      %run_scoped3A_493 = tpu.sem_alloc : memref<!tpu.dma_semaphore, #tpu.memory_space<semaphore_mem>>
      %dma_start3A_494 = arith.constant 0 : i32
      %dma_start3A_495 = tpu.memref_slice %arg8[%run_scoped3A_281, %dma_start3A_494] : memref<25x80xi32, #tpu.memory_space<vmem>> -> memref<1x80xi32, #tpu.memory_space<vmem>>
      %dma_start3A_496 = tpu.memref_squeeze %dma_start3A_495 : memref<1x80xi32, #tpu.memory_space<vmem>> -> memref<80xi32, #tpu.memory_space<vmem>>
      %dma_start3A_497 = arith.constant 0 : i32
      %dma_start3A_498 = arith.constant 0 : i32
      %dma_start3A_499 = tpu.memref_slice %arg14[%dma_start3A_497, %dma_start3A_498] : memref<10112x128xf32, #tpu.memory_space<vmem_shared>> -> memref<10112x128xf32, #tpu.memory_space<vmem_shared>>
      tpu.enqueue_indirect_dma source(%arg12 : memref<80x128xf32, #tpu.memory_space<vmem>>) target(%dma_start3A_499 : memref<10112x128xf32, #tpu.memory_space<vmem_shared>>) offsets(%dma_start3A_496 : memref<80xi32, #tpu.memory_space<vmem>>) semaphore(%run_scoped3A_493 : memref<!tpu.dma_semaphore, #tpu.memory_space<semaphore_mem>>) {add = true}
      %dma_wait3A_500 = arith.constant 0 : i32
      %dma_wait3A_501 = tpu.memref_slice %arg8[%run_scoped3A_281, %dma_wait3A_500] : memref<25x80xi32, #tpu.memory_space<vmem>> -> memref<1x80xi32, #tpu.memory_space<vmem>>
      %dma_wait3A_502 = tpu.memref_squeeze %dma_wait3A_501 : memref<1x80xi32, #tpu.memory_space<vmem>> -> memref<80xi32, #tpu.memory_space<vmem>>
      %dma_wait3A_503 = arith.constant 0 : i32
      %dma_wait3A_504 = arith.constant 0 : i32
      %dma_wait3A_505 = tpu.memref_slice %arg14[%dma_wait3A_503, %dma_wait3A_504] : memref<10112x128xf32, #tpu.memory_space<vmem_shared>> -> memref<10112x128xf32, #tpu.memory_space<vmem_shared>>
      tpu.wait_indirect_dma semaphore(%run_scoped3A_493 : memref<!tpu.dma_semaphore, #tpu.memory_space<semaphore_mem>>) src(%arg12 : memref<80x128xf32, #tpu.memory_space<vmem>>) dst(%dma_wait3A_505 : memref<10112x128xf32, #tpu.memory_space<vmem_shared>>)
      tpu.yield
    }) : () -> ()
    %dma_wait3A_282 = arith.constant 0 : i32
    %dma_wait3A_283 = arith.constant 0 : i32
    %dma_wait3A_284 = tpu.memref_slice %arg2[%dma_wait3A_282, %dma_wait3A_283] : memref<10000x128xf32, #tpu.memory_space<hbm>> -> memref<80x128xf32, #tpu.memory_space<hbm>>
    %dma_wait3A_285 = arith.constant 0 : i32
    %dma_wait3A_286 = arith.constant 0 : i32
    %dma_wait3A_287 = tpu.memref_slice %arg2[%dma_wait3A_285, %dma_wait3A_286] : memref<10000x128xf32, #tpu.memory_space<hbm>> -> memref<80x128xf32, #tpu.memory_space<hbm>>
    tpu.wait_dma2 semaphore(%arg17 : memref<!tpu.dma_semaphore, #tpu.memory_space<semaphore_mem>>) src(%dma_wait3A_287 : memref<80x128xf32, #tpu.memory_space<hbm>>) dst(%arg13 : memref<80x128xf32, #tpu.memory_space<vmem>>)
    %run_scoped3A_288 = arith.constant 23 : i32
    "tpu.region"() ({
      %run_scoped3A_493 = tpu.sem_alloc : memref<!tpu.dma_semaphore, #tpu.memory_space<semaphore_mem>>
      %dma_start3A_494 = arith.constant 0 : i32
      %dma_start3A_495 = tpu.memref_slice %arg8[%run_scoped3A_288, %dma_start3A_494] : memref<25x80xi32, #tpu.memory_space<vmem>> -> memref<1x80xi32, #tpu.memory_space<vmem>>
      %dma_start3A_496 = tpu.memref_squeeze %dma_start3A_495 : memref<1x80xi32, #tpu.memory_space<vmem>> -> memref<80xi32, #tpu.memory_space<vmem>>
      %dma_start3A_497 = arith.constant 0 : i32
      %dma_start3A_498 = arith.constant 0 : i32
      %dma_start3A_499 = tpu.memref_slice %arg14[%dma_start3A_497, %dma_start3A_498] : memref<10112x128xf32, #tpu.memory_space<vmem_shared>> -> memref<10112x128xf32, #tpu.memory_space<vmem_shared>>
      tpu.enqueue_indirect_dma source(%arg13 : memref<80x128xf32, #tpu.memory_space<vmem>>) target(%dma_start3A_499 : memref<10112x128xf32, #tpu.memory_space<vmem_shared>>) offsets(%dma_start3A_496 : memref<80xi32, #tpu.memory_space<vmem>>) semaphore(%run_scoped3A_493 : memref<!tpu.dma_semaphore, #tpu.memory_space<semaphore_mem>>) {add = true}
      %dma_wait3A_500 = arith.constant 0 : i32
      %dma_wait3A_501 = tpu.memref_slice %arg8[%run_scoped3A_288, %dma_wait3A_500] : memref<25x80xi32, #tpu.memory_space<vmem>> -> memref<1x80xi32, #tpu.memory_space<vmem>>
      %dma_wait3A_502 = tpu.memref_squeeze %dma_wait3A_501 : memref<1x80xi32, #tpu.memory_space<vmem>> -> memref<80xi32, #tpu.memory_space<vmem>>
      %dma_wait3A_503 = arith.constant 0 : i32
      %dma_wait3A_504 = arith.constant 0 : i32
      %dma_wait3A_505 = tpu.memref_slice %arg14[%dma_wait3A_503, %dma_wait3A_504] : memref<10112x128xf32, #tpu.memory_space<vmem_shared>> -> memref<10112x128xf32, #tpu.memory_space<vmem_shared>>
      tpu.wait_indirect_dma semaphore(%run_scoped3A_493 : memref<!tpu.dma_semaphore, #tpu.memory_space<semaphore_mem>>) src(%arg13 : memref<80x128xf32, #tpu.memory_space<vmem>>) dst(%dma_wait3A_505 : memref<10112x128xf32, #tpu.memory_space<vmem_shared>>)
      tpu.yield
    }) : () -> ()
    %dma_wait3A_289 = arith.constant 0 : i32
    %dma_wait3A_290 = arith.constant 0 : i32
    %dma_wait3A_291 = tpu.memref_slice %arg2[%dma_wait3A_289, %dma_wait3A_290] : memref<10000x128xf32, #tpu.memory_space<hbm>> -> memref<80x128xf32, #tpu.memory_space<hbm>>
    %dma_wait3A_292 = arith.constant 0 : i32
    %dma_wait3A_293 = arith.constant 0 : i32
    %dma_wait3A_294 = tpu.memref_slice %arg2[%dma_wait3A_292, %dma_wait3A_293] : memref<10000x128xf32, #tpu.memory_space<hbm>> -> memref<80x128xf32, #tpu.memory_space<hbm>>
    tpu.wait_dma2 semaphore(%arg15 : memref<!tpu.dma_semaphore, #tpu.memory_space<semaphore_mem>>) src(%dma_wait3A_294 : memref<80x128xf32, #tpu.memory_space<hbm>>) dst(%arg11 : memref<80x128xf32, #tpu.memory_space<vmem>>)
    %run_scoped3A_295 = arith.constant 24 : i32
    "tpu.region"() ({
      %run_scoped3A_493 = tpu.sem_alloc : memref<!tpu.dma_semaphore, #tpu.memory_space<semaphore_mem>>
      %dma_start3A_494 = arith.constant 0 : i32
      %dma_start3A_495 = tpu.memref_slice %arg8[%run_scoped3A_295, %dma_start3A_494] : memref<25x80xi32, #tpu.memory_space<vmem>> -> memref<1x80xi32, #tpu.memory_space<vmem>>
      %dma_start3A_496 = tpu.memref_squeeze %dma_start3A_495 : memref<1x80xi32, #tpu.memory_space<vmem>> -> memref<80xi32, #tpu.memory_space<vmem>>
      %dma_start3A_497 = arith.constant 0 : i32
      %dma_start3A_498 = arith.constant 0 : i32
      %dma_start3A_499 = tpu.memref_slice %arg14[%dma_start3A_497, %dma_start3A_498] : memref<10112x128xf32, #tpu.memory_space<vmem_shared>> -> memref<10112x128xf32, #tpu.memory_space<vmem_shared>>
      tpu.enqueue_indirect_dma source(%arg11 : memref<80x128xf32, #tpu.memory_space<vmem>>) target(%dma_start3A_499 : memref<10112x128xf32, #tpu.memory_space<vmem_shared>>) offsets(%dma_start3A_496 : memref<80xi32, #tpu.memory_space<vmem>>) semaphore(%run_scoped3A_493 : memref<!tpu.dma_semaphore, #tpu.memory_space<semaphore_mem>>) {add = true}
      %dma_wait3A_500 = arith.constant 0 : i32
      %dma_wait3A_501 = tpu.memref_slice %arg8[%run_scoped3A_295, %dma_wait3A_500] : memref<25x80xi32, #tpu.memory_space<vmem>> -> memref<1x80xi32, #tpu.memory_space<vmem>>
      %dma_wait3A_502 = tpu.memref_squeeze %dma_wait3A_501 : memref<1x80xi32, #tpu.memory_space<vmem>> -> memref<80xi32, #tpu.memory_space<vmem>>
      %dma_wait3A_503 = arith.constant 0 : i32
      %dma_wait3A_504 = arith.constant 0 : i32
      %dma_wait3A_505 = tpu.memref_slice %arg14[%dma_wait3A_503, %dma_wait3A_504] : memref<10112x128xf32, #tpu.memory_space<vmem_shared>> -> memref<10112x128xf32, #tpu.memory_space<vmem_shared>>
      tpu.wait_indirect_dma semaphore(%run_scoped3A_493 : memref<!tpu.dma_semaphore, #tpu.memory_space<semaphore_mem>>) src(%arg11 : memref<80x128xf32, #tpu.memory_space<vmem>>) dst(%dma_wait3A_505 : memref<10112x128xf32, #tpu.memory_space<vmem_shared>>)
      tpu.yield
    }) : () -> ()
    %dma_start3A_296 = arith.constant 4 : i32
    %dma_start3A_297 = arith.constant 0 : i32
    %dma_start3A_298 = arith.constant 0 : i32
    %dma_start3A_299 = tpu.memref_slice %arg3[%add3A, %dma_start3A_296, %dma_start3A_297, %dma_start3A_298] : memref<32x5x25x80xi32, #tpu.memory_space<hbm>> -> memref<1x1x25x80xi32, #tpu.memory_space<hbm>>
    %dma_start3A_300 = tpu.memref_squeeze %dma_start3A_299 : memref<1x1x25x80xi32, #tpu.memory_space<hbm>> -> memref<25x80xi32, #tpu.memory_space<hbm>>
    %dma_start3A_301 = arith.constant 0 : i32
    %dma_start3A_302 = arith.constant 0 : i32
    %dma_start3A_303 = tpu.memref_slice %arg3[%add3A, %dma_start3A_296, %dma_start3A_301, %dma_start3A_302] : memref<32x5x25x80xi32, #tpu.memory_space<hbm>> -> memref<1x1x25x80xi32, #tpu.memory_space<hbm>>
    %dma_start3A_304 = tpu.memref_squeeze %dma_start3A_303 : memref<1x1x25x80xi32, #tpu.memory_space<hbm>> -> memref<25x80xi32, #tpu.memory_space<hbm>>
    tpu.enqueue_dma source(%dma_start3A_304 : memref<25x80xi32, #tpu.memory_space<hbm>>) target(%arg7 : memref<25x80xi32, #tpu.memory_space<vmem>>) target_semaphore(%arg18 : memref<!tpu.dma_semaphore, #tpu.memory_space<semaphore_mem>>)
    %dma_start3A_305 = arith.constant 4 : i32
    %dma_start3A_306 = arith.constant 0 : i32
    %dma_start3A_307 = arith.constant 0 : i32
    %dma_start3A_308 = tpu.memref_slice %arg4[%add3A, %dma_start3A_305, %dma_start3A_306, %dma_start3A_307] : memref<32x5x25x80xi32, #tpu.memory_space<hbm>> -> memref<1x1x25x80xi32, #tpu.memory_space<hbm>>
    %dma_start3A_309 = tpu.memref_squeeze %dma_start3A_308 : memref<1x1x25x80xi32, #tpu.memory_space<hbm>> -> memref<25x80xi32, #tpu.memory_space<hbm>>
    %dma_start3A_310 = arith.constant 0 : i32
    %dma_start3A_311 = arith.constant 0 : i32
    %dma_start3A_312 = tpu.memref_slice %arg4[%add3A, %dma_start3A_305, %dma_start3A_310, %dma_start3A_311] : memref<32x5x25x80xi32, #tpu.memory_space<hbm>> -> memref<1x1x25x80xi32, #tpu.memory_space<hbm>>
    %dma_start3A_313 = tpu.memref_squeeze %dma_start3A_312 : memref<1x1x25x80xi32, #tpu.memory_space<hbm>> -> memref<25x80xi32, #tpu.memory_space<hbm>>
    tpu.enqueue_dma source(%dma_start3A_313 : memref<25x80xi32, #tpu.memory_space<hbm>>) target(%arg8 : memref<25x80xi32, #tpu.memory_space<vmem>>) target_semaphore(%arg18 : memref<!tpu.dma_semaphore, #tpu.memory_space<semaphore_mem>>)
    %dma_wait3A_314 = arith.constant 0 : i32
    %dma_wait3A_315 = arith.constant 0 : i32
    %dma_wait3A_316 = arith.constant 0 : i32
    %dma_wait3A_317 = arith.constant 0 : i32
    %dma_wait3A_318 = tpu.memref_slice %arg3[%dma_wait3A_314, %dma_wait3A_315, %dma_wait3A_316, %dma_wait3A_317] : memref<32x5x25x80xi32, #tpu.memory_space<hbm>> -> memref<1x1x25x80xi32, #tpu.memory_space<hbm>>
    %dma_wait3A_319 = tpu.memref_squeeze %dma_wait3A_318 : memref<1x1x25x80xi32, #tpu.memory_space<hbm>> -> memref<25x80xi32, #tpu.memory_space<hbm>>
    %dma_wait3A_320 = arith.constant 0 : i32
    %dma_wait3A_321 = arith.constant 0 : i32
    %dma_wait3A_322 = tpu.memref_slice %arg3[%dma_wait3A_314, %dma_wait3A_315, %dma_wait3A_320, %dma_wait3A_321] : memref<32x5x25x80xi32, #tpu.memory_space<hbm>> -> memref<1x1x25x80xi32, #tpu.memory_space<hbm>>
    %dma_wait3A_323 = tpu.memref_squeeze %dma_wait3A_322 : memref<1x1x25x80xi32, #tpu.memory_space<hbm>> -> memref<25x80xi32, #tpu.memory_space<hbm>>
    tpu.wait_dma2 semaphore(%arg19 : memref<!tpu.dma_semaphore, #tpu.memory_space<semaphore_mem>>) src(%dma_wait3A_323 : memref<25x80xi32, #tpu.memory_space<hbm>>) dst(%arg9 : memref<25x80xi32, #tpu.memory_space<vmem>>)
    %dma_wait3A_324 = arith.constant 0 : i32
    %dma_wait3A_325 = arith.constant 0 : i32
    %dma_wait3A_326 = arith.constant 0 : i32
    %dma_wait3A_327 = arith.constant 0 : i32
    %dma_wait3A_328 = tpu.memref_slice %arg3[%dma_wait3A_324, %dma_wait3A_325, %dma_wait3A_326, %dma_wait3A_327] : memref<32x5x25x80xi32, #tpu.memory_space<hbm>> -> memref<1x1x25x80xi32, #tpu.memory_space<hbm>>
    %dma_wait3A_329 = tpu.memref_squeeze %dma_wait3A_328 : memref<1x1x25x80xi32, #tpu.memory_space<hbm>> -> memref<25x80xi32, #tpu.memory_space<hbm>>
    %dma_wait3A_330 = arith.constant 0 : i32
    %dma_wait3A_331 = arith.constant 0 : i32
    %dma_wait3A_332 = tpu.memref_slice %arg3[%dma_wait3A_324, %dma_wait3A_325, %dma_wait3A_330, %dma_wait3A_331] : memref<32x5x25x80xi32, #tpu.memory_space<hbm>> -> memref<1x1x25x80xi32, #tpu.memory_space<hbm>>
    %dma_wait3A_333 = tpu.memref_squeeze %dma_wait3A_332 : memref<1x1x25x80xi32, #tpu.memory_space<hbm>> -> memref<25x80xi32, #tpu.memory_space<hbm>>
    tpu.wait_dma2 semaphore(%arg19 : memref<!tpu.dma_semaphore, #tpu.memory_space<semaphore_mem>>) src(%dma_wait3A_333 : memref<25x80xi32, #tpu.memory_space<hbm>>) dst(%arg10 : memref<25x80xi32, #tpu.memory_space<vmem>>)
    %dma_start3A_334 = arith.constant 0 : i32
    %dma_start3A_335 = arith.constant 0 : i32
    %dma_start3A_336 = tpu.memref_slice %arg9[%dma_start3A_334, %dma_start3A_335] : memref<25x80xi32, #tpu.memory_space<vmem>> -> memref<1x80xi32, #tpu.memory_space<vmem>>
    %dma_start3A_337 = tpu.memref_squeeze %dma_start3A_336 : memref<1x80xi32, #tpu.memory_space<vmem>> -> memref<80xi32, #tpu.memory_space<vmem>>
    %dma_start3A_338 = arith.constant 0 : i32
    %dma_start3A_339 = arith.constant 0 : i32
    %dma_start3A_340 = tpu.memref_slice %arg2[%dma_start3A_338, %dma_start3A_339] : memref<10000x128xf32, #tpu.memory_space<hbm>> -> memref<10000x128xf32, #tpu.memory_space<hbm>>
    tpu.enqueue_indirect_dma source(%dma_start3A_340 : memref<10000x128xf32, #tpu.memory_space<hbm>>) target(%arg11 : memref<80x128xf32, #tpu.memory_space<vmem>>) offsets(%dma_start3A_337 : memref<80xi32, #tpu.memory_space<vmem>>) semaphore(%arg15 : memref<!tpu.dma_semaphore, #tpu.memory_space<semaphore_mem>>)
    %dma_start3A_341 = arith.constant 1 : i32
    %dma_start3A_342 = arith.constant 0 : i32
    %dma_start3A_343 = tpu.memref_slice %arg9[%dma_start3A_341, %dma_start3A_342] : memref<25x80xi32, #tpu.memory_space<vmem>> -> memref<1x80xi32, #tpu.memory_space<vmem>>
    %dma_start3A_344 = tpu.memref_squeeze %dma_start3A_343 : memref<1x80xi32, #tpu.memory_space<vmem>> -> memref<80xi32, #tpu.memory_space<vmem>>
    %dma_start3A_345 = arith.constant 0 : i32
    %dma_start3A_346 = arith.constant 0 : i32
    %dma_start3A_347 = tpu.memref_slice %arg2[%dma_start3A_345, %dma_start3A_346] : memref<10000x128xf32, #tpu.memory_space<hbm>> -> memref<10000x128xf32, #tpu.memory_space<hbm>>
    tpu.enqueue_indirect_dma source(%dma_start3A_347 : memref<10000x128xf32, #tpu.memory_space<hbm>>) target(%arg12 : memref<80x128xf32, #tpu.memory_space<vmem>>) offsets(%dma_start3A_344 : memref<80xi32, #tpu.memory_space<vmem>>) semaphore(%arg16 : memref<!tpu.dma_semaphore, #tpu.memory_space<semaphore_mem>>)
    %scan3A_348 = arith.constant 0 : i32
    %scan3A_349 = arith.constant 0 : i32
    %scan3A_350 = arith.constant 7 : i32
    %scan3A_351 = arith.addi %scan3A_349, %scan3A_350 : i32
    %scan3A_352 = arith.constant 1 : i32
    %scan3A_353 = scf.for %scan3A_493 = %scan3A_349 to %scan3A_351 step %scan3A_352 iter_args(%scan3A_494 = %scan3A_348) -> (i32)  : i32 {
      %add3A_495 = arith.constant 2 : i32
      %add3A_496 = arith.addi %scan3A_494, %add3A_495 : i32
      %dma_start3A_497 = arith.constant 0 : i32
      %dma_start3A_498 = tpu.memref_slice %arg9[%add3A_496, %dma_start3A_497] : memref<25x80xi32, #tpu.memory_space<vmem>> -> memref<1x80xi32, #tpu.memory_space<vmem>>
      %dma_start3A_499 = tpu.memref_squeeze %dma_start3A_498 : memref<1x80xi32, #tpu.memory_space<vmem>> -> memref<80xi32, #tpu.memory_space<vmem>>
      %dma_start3A_500 = arith.constant 0 : i32
      %dma_start3A_501 = arith.constant 0 : i32
      %dma_start3A_502 = tpu.memref_slice %arg2[%dma_start3A_500, %dma_start3A_501] : memref<10000x128xf32, #tpu.memory_space<hbm>> -> memref<10000x128xf32, #tpu.memory_space<hbm>>
      tpu.enqueue_indirect_dma source(%dma_start3A_502 : memref<10000x128xf32, #tpu.memory_space<hbm>>) target(%arg13 : memref<80x128xf32, #tpu.memory_space<vmem>>) offsets(%dma_start3A_499 : memref<80xi32, #tpu.memory_space<vmem>>) semaphore(%arg17 : memref<!tpu.dma_semaphore, #tpu.memory_space<semaphore_mem>>)
      %dma_wait3A_503 = arith.constant 0 : i32
      %dma_wait3A_504 = arith.constant 0 : i32
      %dma_wait3A_505 = tpu.memref_slice %arg2[%dma_wait3A_503, %dma_wait3A_504] : memref<10000x128xf32, #tpu.memory_space<hbm>> -> memref<80x128xf32, #tpu.memory_space<hbm>>
      %dma_wait3A_506 = arith.constant 0 : i32
      %dma_wait3A_507 = arith.constant 0 : i32
      %dma_wait3A_508 = tpu.memref_slice %arg2[%dma_wait3A_506, %dma_wait3A_507] : memref<10000x128xf32, #tpu.memory_space<hbm>> -> memref<80x128xf32, #tpu.memory_space<hbm>>
      tpu.wait_dma2 semaphore(%arg15 : memref<!tpu.dma_semaphore, #tpu.memory_space<semaphore_mem>>) src(%dma_wait3A_508 : memref<80x128xf32, #tpu.memory_space<hbm>>) dst(%arg11 : memref<80x128xf32, #tpu.memory_space<vmem>>)
      "tpu.region"() ({
        %run_scoped3A_543 = tpu.sem_alloc : memref<!tpu.dma_semaphore, #tpu.memory_space<semaphore_mem>>
        %dma_start3A_544 = arith.constant 0 : i32
        %dma_start3A_545 = tpu.memref_slice %arg10[%scan3A_494, %dma_start3A_544] : memref<25x80xi32, #tpu.memory_space<vmem>> -> memref<1x80xi32, #tpu.memory_space<vmem>>
        %dma_start3A_546 = tpu.memref_squeeze %dma_start3A_545 : memref<1x80xi32, #tpu.memory_space<vmem>> -> memref<80xi32, #tpu.memory_space<vmem>>
        %dma_start3A_547 = arith.constant 0 : i32
        %dma_start3A_548 = arith.constant 0 : i32
        %dma_start3A_549 = tpu.memref_slice %arg14[%dma_start3A_547, %dma_start3A_548] : memref<10112x128xf32, #tpu.memory_space<vmem_shared>> -> memref<10112x128xf32, #tpu.memory_space<vmem_shared>>
        tpu.enqueue_indirect_dma source(%arg11 : memref<80x128xf32, #tpu.memory_space<vmem>>) target(%dma_start3A_549 : memref<10112x128xf32, #tpu.memory_space<vmem_shared>>) offsets(%dma_start3A_546 : memref<80xi32, #tpu.memory_space<vmem>>) semaphore(%run_scoped3A_543 : memref<!tpu.dma_semaphore, #tpu.memory_space<semaphore_mem>>) {add = true}
        %dma_wait3A_550 = arith.constant 0 : i32
        %dma_wait3A_551 = tpu.memref_slice %arg10[%scan3A_494, %dma_wait3A_550] : memref<25x80xi32, #tpu.memory_space<vmem>> -> memref<1x80xi32, #tpu.memory_space<vmem>>
        %dma_wait3A_552 = tpu.memref_squeeze %dma_wait3A_551 : memref<1x80xi32, #tpu.memory_space<vmem>> -> memref<80xi32, #tpu.memory_space<vmem>>
        %dma_wait3A_553 = arith.constant 0 : i32
        %dma_wait3A_554 = arith.constant 0 : i32
        %dma_wait3A_555 = tpu.memref_slice %arg14[%dma_wait3A_553, %dma_wait3A_554] : memref<10112x128xf32, #tpu.memory_space<vmem_shared>> -> memref<10112x128xf32, #tpu.memory_space<vmem_shared>>
        tpu.wait_indirect_dma semaphore(%run_scoped3A_543 : memref<!tpu.dma_semaphore, #tpu.memory_space<semaphore_mem>>) src(%arg11 : memref<80x128xf32, #tpu.memory_space<vmem>>) dst(%dma_wait3A_555 : memref<10112x128xf32, #tpu.memory_space<vmem_shared>>)
        tpu.yield
      }) : () -> ()
      %add3A_509 = arith.constant 1 : i32
      %add3A_510 = arith.addi %scan3A_494, %add3A_509 : i32
      %add3A_511 = arith.constant 2 : i32
      %add3A_512 = arith.addi %add3A_510, %add3A_511 : i32
      %dma_start3A_513 = arith.constant 0 : i32
      %dma_start3A_514 = tpu.memref_slice %arg9[%add3A_512, %dma_start3A_513] : memref<25x80xi32, #tpu.memory_space<vmem>> -> memref<1x80xi32, #tpu.memory_space<vmem>>
      %dma_start3A_515 = tpu.memref_squeeze %dma_start3A_514 : memref<1x80xi32, #tpu.memory_space<vmem>> -> memref<80xi32, #tpu.memory_space<vmem>>
      %dma_start3A_516 = arith.constant 0 : i32
      %dma_start3A_517 = arith.constant 0 : i32
      %dma_start3A_518 = tpu.memref_slice %arg2[%dma_start3A_516, %dma_start3A_517] : memref<10000x128xf32, #tpu.memory_space<hbm>> -> memref<10000x128xf32, #tpu.memory_space<hbm>>
      tpu.enqueue_indirect_dma source(%dma_start3A_518 : memref<10000x128xf32, #tpu.memory_space<hbm>>) target(%arg11 : memref<80x128xf32, #tpu.memory_space<vmem>>) offsets(%dma_start3A_515 : memref<80xi32, #tpu.memory_space<vmem>>) semaphore(%arg15 : memref<!tpu.dma_semaphore, #tpu.memory_space<semaphore_mem>>)
      %dma_wait3A_519 = arith.constant 0 : i32
      %dma_wait3A_520 = arith.constant 0 : i32
      %dma_wait3A_521 = tpu.memref_slice %arg2[%dma_wait3A_519, %dma_wait3A_520] : memref<10000x128xf32, #tpu.memory_space<hbm>> -> memref<80x128xf32, #tpu.memory_space<hbm>>
      %dma_wait3A_522 = arith.constant 0 : i32
      %dma_wait3A_523 = arith.constant 0 : i32
      %dma_wait3A_524 = tpu.memref_slice %arg2[%dma_wait3A_522, %dma_wait3A_523] : memref<10000x128xf32, #tpu.memory_space<hbm>> -> memref<80x128xf32, #tpu.memory_space<hbm>>
      tpu.wait_dma2 semaphore(%arg16 : memref<!tpu.dma_semaphore, #tpu.memory_space<semaphore_mem>>) src(%dma_wait3A_524 : memref<80x128xf32, #tpu.memory_space<hbm>>) dst(%arg12 : memref<80x128xf32, #tpu.memory_space<vmem>>)
      "tpu.region"() ({
        %run_scoped3A_543 = tpu.sem_alloc : memref<!tpu.dma_semaphore, #tpu.memory_space<semaphore_mem>>
        %dma_start3A_544 = arith.constant 0 : i32
        %dma_start3A_545 = tpu.memref_slice %arg10[%add3A_510, %dma_start3A_544] : memref<25x80xi32, #tpu.memory_space<vmem>> -> memref<1x80xi32, #tpu.memory_space<vmem>>
        %dma_start3A_546 = tpu.memref_squeeze %dma_start3A_545 : memref<1x80xi32, #tpu.memory_space<vmem>> -> memref<80xi32, #tpu.memory_space<vmem>>
        %dma_start3A_547 = arith.constant 0 : i32
        %dma_start3A_548 = arith.constant 0 : i32
        %dma_start3A_549 = tpu.memref_slice %arg14[%dma_start3A_547, %dma_start3A_548] : memref<10112x128xf32, #tpu.memory_space<vmem_shared>> -> memref<10112x128xf32, #tpu.memory_space<vmem_shared>>
        tpu.enqueue_indirect_dma source(%arg12 : memref<80x128xf32, #tpu.memory_space<vmem>>) target(%dma_start3A_549 : memref<10112x128xf32, #tpu.memory_space<vmem_shared>>) offsets(%dma_start3A_546 : memref<80xi32, #tpu.memory_space<vmem>>) semaphore(%run_scoped3A_543 : memref<!tpu.dma_semaphore, #tpu.memory_space<semaphore_mem>>) {add = true}
        %dma_wait3A_550 = arith.constant 0 : i32
        %dma_wait3A_551 = tpu.memref_slice %arg10[%add3A_510, %dma_wait3A_550] : memref<25x80xi32, #tpu.memory_space<vmem>> -> memref<1x80xi32, #tpu.memory_space<vmem>>
        %dma_wait3A_552 = tpu.memref_squeeze %dma_wait3A_551 : memref<1x80xi32, #tpu.memory_space<vmem>> -> memref<80xi32, #tpu.memory_space<vmem>>
        %dma_wait3A_553 = arith.constant 0 : i32
        %dma_wait3A_554 = arith.constant 0 : i32
        %dma_wait3A_555 = tpu.memref_slice %arg14[%dma_wait3A_553, %dma_wait3A_554] : memref<10112x128xf32, #tpu.memory_space<vmem_shared>> -> memref<10112x128xf32, #tpu.memory_space<vmem_shared>>
        tpu.wait_indirect_dma semaphore(%run_scoped3A_543 : memref<!tpu.dma_semaphore, #tpu.memory_space<semaphore_mem>>) src(%arg12 : memref<80x128xf32, #tpu.memory_space<vmem>>) dst(%dma_wait3A_555 : memref<10112x128xf32, #tpu.memory_space<vmem_shared>>)
        tpu.yield
      }) : () -> ()
      %add3A_525 = arith.constant 2 : i32
      %add3A_526 = arith.addi %scan3A_494, %add3A_525 : i32
      %add3A_527 = arith.constant 2 : i32
      %add3A_528 = arith.addi %add3A_526, %add3A_527 : i32
      %dma_start3A_529 = arith.constant 0 : i32
      %dma_start3A_530 = tpu.memref_slice %arg9[%add3A_528, %dma_start3A_529] : memref<25x80xi32, #tpu.memory_space<vmem>> -> memref<1x80xi32, #tpu.memory_space<vmem>>
      %dma_start3A_531 = tpu.memref_squeeze %dma_start3A_530 : memref<1x80xi32, #tpu.memory_space<vmem>> -> memref<80xi32, #tpu.memory_space<vmem>>
      %dma_start3A_532 = arith.constant 0 : i32
      %dma_start3A_533 = arith.constant 0 : i32
      %dma_start3A_534 = tpu.memref_slice %arg2[%dma_start3A_532, %dma_start3A_533] : memref<10000x128xf32, #tpu.memory_space<hbm>> -> memref<10000x128xf32, #tpu.memory_space<hbm>>
      tpu.enqueue_indirect_dma source(%dma_start3A_534 : memref<10000x128xf32, #tpu.memory_space<hbm>>) target(%arg12 : memref<80x128xf32, #tpu.memory_space<vmem>>) offsets(%dma_start3A_531 : memref<80xi32, #tpu.memory_space<vmem>>) semaphore(%arg16 : memref<!tpu.dma_semaphore, #tpu.memory_space<semaphore_mem>>)
      %dma_wait3A_535 = arith.constant 0 : i32
      %dma_wait3A_536 = arith.constant 0 : i32
      %dma_wait3A_537 = tpu.memref_slice %arg2[%dma_wait3A_535, %dma_wait3A_536] : memref<10000x128xf32, #tpu.memory_space<hbm>> -> memref<80x128xf32, #tpu.memory_space<hbm>>
      %dma_wait3A_538 = arith.constant 0 : i32
      %dma_wait3A_539 = arith.constant 0 : i32
      %dma_wait3A_540 = tpu.memref_slice %arg2[%dma_wait3A_538, %dma_wait3A_539] : memref<10000x128xf32, #tpu.memory_space<hbm>> -> memref<80x128xf32, #tpu.memory_space<hbm>>
      tpu.wait_dma2 semaphore(%arg17 : memref<!tpu.dma_semaphore, #tpu.memory_space<semaphore_mem>>) src(%dma_wait3A_540 : memref<80x128xf32, #tpu.memory_space<hbm>>) dst(%arg13 : memref<80x128xf32, #tpu.memory_space<vmem>>)
      "tpu.region"() ({
        %run_scoped3A_543 = tpu.sem_alloc : memref<!tpu.dma_semaphore, #tpu.memory_space<semaphore_mem>>
        %dma_start3A_544 = arith.constant 0 : i32
        %dma_start3A_545 = tpu.memref_slice %arg10[%add3A_526, %dma_start3A_544] : memref<25x80xi32, #tpu.memory_space<vmem>> -> memref<1x80xi32, #tpu.memory_space<vmem>>
        %dma_start3A_546 = tpu.memref_squeeze %dma_start3A_545 : memref<1x80xi32, #tpu.memory_space<vmem>> -> memref<80xi32, #tpu.memory_space<vmem>>
        %dma_start3A_547 = arith.constant 0 : i32
        %dma_start3A_548 = arith.constant 0 : i32
        %dma_start3A_549 = tpu.memref_slice %arg14[%dma_start3A_547, %dma_start3A_548] : memref<10112x128xf32, #tpu.memory_space<vmem_shared>> -> memref<10112x128xf32, #tpu.memory_space<vmem_shared>>
        tpu.enqueue_indirect_dma source(%arg13 : memref<80x128xf32, #tpu.memory_space<vmem>>) target(%dma_start3A_549 : memref<10112x128xf32, #tpu.memory_space<vmem_shared>>) offsets(%dma_start3A_546 : memref<80xi32, #tpu.memory_space<vmem>>) semaphore(%run_scoped3A_543 : memref<!tpu.dma_semaphore, #tpu.memory_space<semaphore_mem>>) {add = true}
        %dma_wait3A_550 = arith.constant 0 : i32
        %dma_wait3A_551 = tpu.memref_slice %arg10[%add3A_526, %dma_wait3A_550] : memref<25x80xi32, #tpu.memory_space<vmem>> -> memref<1x80xi32, #tpu.memory_space<vmem>>
        %dma_wait3A_552 = tpu.memref_squeeze %dma_wait3A_551 : memref<1x80xi32, #tpu.memory_space<vmem>> -> memref<80xi32, #tpu.memory_space<vmem>>
        %dma_wait3A_553 = arith.constant 0 : i32
        %dma_wait3A_554 = arith.constant 0 : i32
        %dma_wait3A_555 = tpu.memref_slice %arg14[%dma_wait3A_553, %dma_wait3A_554] : memref<10112x128xf32, #tpu.memory_space<vmem_shared>> -> memref<10112x128xf32, #tpu.memory_space<vmem_shared>>
        tpu.wait_indirect_dma semaphore(%run_scoped3A_543 : memref<!tpu.dma_semaphore, #tpu.memory_space<semaphore_mem>>) src(%arg13 : memref<80x128xf32, #tpu.memory_space<vmem>>) dst(%dma_wait3A_555 : memref<10112x128xf32, #tpu.memory_space<vmem_shared>>)
        tpu.yield
      }) : () -> ()
      %add3A_541 = arith.constant 3 : i32
      %add3A_542 = arith.addi %scan3A_494, %add3A_541 : i32
      scf.yield %add3A_542 : i32
    }
    %scan3A_354 = arith.constant 7 : i32
    %add3A_355 = arith.constant 21 : i32
    %add3A_356 = arith.constant 2 : i32
    %add3A_357 = arith.addi %add3A_355, %add3A_356 : i32
    %dma_start3A_358 = arith.constant 0 : i32
    %dma_start3A_359 = tpu.memref_slice %arg9[%add3A_357, %dma_start3A_358] : memref<25x80xi32, #tpu.memory_space<vmem>> -> memref<1x80xi32, #tpu.memory_space<vmem>>
    %dma_start3A_360 = tpu.memref_squeeze %dma_start3A_359 : memref<1x80xi32, #tpu.memory_space<vmem>> -> memref<80xi32, #tpu.memory_space<vmem>>
    %dma_start3A_361 = arith.constant 0 : i32
    %dma_start3A_362 = arith.constant 0 : i32
    %dma_start3A_363 = tpu.memref_slice %arg2[%dma_start3A_361, %dma_start3A_362] : memref<10000x128xf32, #tpu.memory_space<hbm>> -> memref<10000x128xf32, #tpu.memory_space<hbm>>
    tpu.enqueue_indirect_dma source(%dma_start3A_363 : memref<10000x128xf32, #tpu.memory_space<hbm>>) target(%arg13 : memref<80x128xf32, #tpu.memory_space<vmem>>) offsets(%dma_start3A_360 : memref<80xi32, #tpu.memory_space<vmem>>) semaphore(%arg17 : memref<!tpu.dma_semaphore, #tpu.memory_space<semaphore_mem>>)
    %dma_wait3A_364 = arith.constant 0 : i32
    %dma_wait3A_365 = arith.constant 0 : i32
    %dma_wait3A_366 = tpu.memref_slice %arg2[%dma_wait3A_364, %dma_wait3A_365] : memref<10000x128xf32, #tpu.memory_space<hbm>> -> memref<80x128xf32, #tpu.memory_space<hbm>>
    %dma_wait3A_367 = arith.constant 0 : i32
    %dma_wait3A_368 = arith.constant 0 : i32
    %dma_wait3A_369 = tpu.memref_slice %arg2[%dma_wait3A_367, %dma_wait3A_368] : memref<10000x128xf32, #tpu.memory_space<hbm>> -> memref<80x128xf32, #tpu.memory_space<hbm>>
    tpu.wait_dma2 semaphore(%arg15 : memref<!tpu.dma_semaphore, #tpu.memory_space<semaphore_mem>>) src(%dma_wait3A_369 : memref<80x128xf32, #tpu.memory_space<hbm>>) dst(%arg11 : memref<80x128xf32, #tpu.memory_space<vmem>>)
    %run_scoped3A_370 = arith.constant 21 : i32
    "tpu.region"() ({
      %run_scoped3A_493 = tpu.sem_alloc : memref<!tpu.dma_semaphore, #tpu.memory_space<semaphore_mem>>
      %dma_start3A_494 = arith.constant 0 : i32
      %dma_start3A_495 = tpu.memref_slice %arg10[%run_scoped3A_370, %dma_start3A_494] : memref<25x80xi32, #tpu.memory_space<vmem>> -> memref<1x80xi32, #tpu.memory_space<vmem>>
      %dma_start3A_496 = tpu.memref_squeeze %dma_start3A_495 : memref<1x80xi32, #tpu.memory_space<vmem>> -> memref<80xi32, #tpu.memory_space<vmem>>
      %dma_start3A_497 = arith.constant 0 : i32
      %dma_start3A_498 = arith.constant 0 : i32
      %dma_start3A_499 = tpu.memref_slice %arg14[%dma_start3A_497, %dma_start3A_498] : memref<10112x128xf32, #tpu.memory_space<vmem_shared>> -> memref<10112x128xf32, #tpu.memory_space<vmem_shared>>
      tpu.enqueue_indirect_dma source(%arg11 : memref<80x128xf32, #tpu.memory_space<vmem>>) target(%dma_start3A_499 : memref<10112x128xf32, #tpu.memory_space<vmem_shared>>) offsets(%dma_start3A_496 : memref<80xi32, #tpu.memory_space<vmem>>) semaphore(%run_scoped3A_493 : memref<!tpu.dma_semaphore, #tpu.memory_space<semaphore_mem>>) {add = true}
      %dma_wait3A_500 = arith.constant 0 : i32
      %dma_wait3A_501 = tpu.memref_slice %arg10[%run_scoped3A_370, %dma_wait3A_500] : memref<25x80xi32, #tpu.memory_space<vmem>> -> memref<1x80xi32, #tpu.memory_space<vmem>>
      %dma_wait3A_502 = tpu.memref_squeeze %dma_wait3A_501 : memref<1x80xi32, #tpu.memory_space<vmem>> -> memref<80xi32, #tpu.memory_space<vmem>>
      %dma_wait3A_503 = arith.constant 0 : i32
      %dma_wait3A_504 = arith.constant 0 : i32
      %dma_wait3A_505 = tpu.memref_slice %arg14[%dma_wait3A_503, %dma_wait3A_504] : memref<10112x128xf32, #tpu.memory_space<vmem_shared>> -> memref<10112x128xf32, #tpu.memory_space<vmem_shared>>
      tpu.wait_indirect_dma semaphore(%run_scoped3A_493 : memref<!tpu.dma_semaphore, #tpu.memory_space<semaphore_mem>>) src(%arg11 : memref<80x128xf32, #tpu.memory_space<vmem>>) dst(%dma_wait3A_505 : memref<10112x128xf32, #tpu.memory_space<vmem_shared>>)
      tpu.yield
    }) : () -> ()
    %add3A_371 = arith.constant 22 : i32
    %add3A_372 = arith.constant 2 : i32
    %add3A_373 = arith.addi %add3A_371, %add3A_372 : i32
    %dma_start3A_374 = arith.constant 0 : i32
    %dma_start3A_375 = tpu.memref_slice %arg9[%add3A_373, %dma_start3A_374] : memref<25x80xi32, #tpu.memory_space<vmem>> -> memref<1x80xi32, #tpu.memory_space<vmem>>
    %dma_start3A_376 = tpu.memref_squeeze %dma_start3A_375 : memref<1x80xi32, #tpu.memory_space<vmem>> -> memref<80xi32, #tpu.memory_space<vmem>>
    %dma_start3A_377 = arith.constant 0 : i32
    %dma_start3A_378 = arith.constant 0 : i32
    %dma_start3A_379 = tpu.memref_slice %arg2[%dma_start3A_377, %dma_start3A_378] : memref<10000x128xf32, #tpu.memory_space<hbm>> -> memref<10000x128xf32, #tpu.memory_space<hbm>>
    tpu.enqueue_indirect_dma source(%dma_start3A_379 : memref<10000x128xf32, #tpu.memory_space<hbm>>) target(%arg11 : memref<80x128xf32, #tpu.memory_space<vmem>>) offsets(%dma_start3A_376 : memref<80xi32, #tpu.memory_space<vmem>>) semaphore(%arg15 : memref<!tpu.dma_semaphore, #tpu.memory_space<semaphore_mem>>)
    %dma_wait3A_380 = arith.constant 0 : i32
    %dma_wait3A_381 = arith.constant 0 : i32
    %dma_wait3A_382 = tpu.memref_slice %arg2[%dma_wait3A_380, %dma_wait3A_381] : memref<10000x128xf32, #tpu.memory_space<hbm>> -> memref<80x128xf32, #tpu.memory_space<hbm>>
    %dma_wait3A_383 = arith.constant 0 : i32
    %dma_wait3A_384 = arith.constant 0 : i32
    %dma_wait3A_385 = tpu.memref_slice %arg2[%dma_wait3A_383, %dma_wait3A_384] : memref<10000x128xf32, #tpu.memory_space<hbm>> -> memref<80x128xf32, #tpu.memory_space<hbm>>
    tpu.wait_dma2 semaphore(%arg16 : memref<!tpu.dma_semaphore, #tpu.memory_space<semaphore_mem>>) src(%dma_wait3A_385 : memref<80x128xf32, #tpu.memory_space<hbm>>) dst(%arg12 : memref<80x128xf32, #tpu.memory_space<vmem>>)
    %run_scoped3A_386 = arith.constant 22 : i32
    "tpu.region"() ({
      %run_scoped3A_493 = tpu.sem_alloc : memref<!tpu.dma_semaphore, #tpu.memory_space<semaphore_mem>>
      %dma_start3A_494 = arith.constant 0 : i32
      %dma_start3A_495 = tpu.memref_slice %arg10[%run_scoped3A_386, %dma_start3A_494] : memref<25x80xi32, #tpu.memory_space<vmem>> -> memref<1x80xi32, #tpu.memory_space<vmem>>
      %dma_start3A_496 = tpu.memref_squeeze %dma_start3A_495 : memref<1x80xi32, #tpu.memory_space<vmem>> -> memref<80xi32, #tpu.memory_space<vmem>>
      %dma_start3A_497 = arith.constant 0 : i32
      %dma_start3A_498 = arith.constant 0 : i32
      %dma_start3A_499 = tpu.memref_slice %arg14[%dma_start3A_497, %dma_start3A_498] : memref<10112x128xf32, #tpu.memory_space<vmem_shared>> -> memref<10112x128xf32, #tpu.memory_space<vmem_shared>>
      tpu.enqueue_indirect_dma source(%arg12 : memref<80x128xf32, #tpu.memory_space<vmem>>) target(%dma_start3A_499 : memref<10112x128xf32, #tpu.memory_space<vmem_shared>>) offsets(%dma_start3A_496 : memref<80xi32, #tpu.memory_space<vmem>>) semaphore(%run_scoped3A_493 : memref<!tpu.dma_semaphore, #tpu.memory_space<semaphore_mem>>) {add = true}
      %dma_wait3A_500 = arith.constant 0 : i32
      %dma_wait3A_501 = tpu.memref_slice %arg10[%run_scoped3A_386, %dma_wait3A_500] : memref<25x80xi32, #tpu.memory_space<vmem>> -> memref<1x80xi32, #tpu.memory_space<vmem>>
      %dma_wait3A_502 = tpu.memref_squeeze %dma_wait3A_501 : memref<1x80xi32, #tpu.memory_space<vmem>> -> memref<80xi32, #tpu.memory_space<vmem>>
      %dma_wait3A_503 = arith.constant 0 : i32
      %dma_wait3A_504 = arith.constant 0 : i32
      %dma_wait3A_505 = tpu.memref_slice %arg14[%dma_wait3A_503, %dma_wait3A_504] : memref<10112x128xf32, #tpu.memory_space<vmem_shared>> -> memref<10112x128xf32, #tpu.memory_space<vmem_shared>>
      tpu.wait_indirect_dma semaphore(%run_scoped3A_493 : memref<!tpu.dma_semaphore, #tpu.memory_space<semaphore_mem>>) src(%arg12 : memref<80x128xf32, #tpu.memory_space<vmem>>) dst(%dma_wait3A_505 : memref<10112x128xf32, #tpu.memory_space<vmem_shared>>)
      tpu.yield
    }) : () -> ()
    %dma_wait3A_387 = arith.constant 0 : i32
    %dma_wait3A_388 = arith.constant 0 : i32
    %dma_wait3A_389 = tpu.memref_slice %arg2[%dma_wait3A_387, %dma_wait3A_388] : memref<10000x128xf32, #tpu.memory_space<hbm>> -> memref<80x128xf32, #tpu.memory_space<hbm>>
    %dma_wait3A_390 = arith.constant 0 : i32
    %dma_wait3A_391 = arith.constant 0 : i32
    %dma_wait3A_392 = tpu.memref_slice %arg2[%dma_wait3A_390, %dma_wait3A_391] : memref<10000x128xf32, #tpu.memory_space<hbm>> -> memref<80x128xf32, #tpu.memory_space<hbm>>
    tpu.wait_dma2 semaphore(%arg17 : memref<!tpu.dma_semaphore, #tpu.memory_space<semaphore_mem>>) src(%dma_wait3A_392 : memref<80x128xf32, #tpu.memory_space<hbm>>) dst(%arg13 : memref<80x128xf32, #tpu.memory_space<vmem>>)
    %run_scoped3A_393 = arith.constant 23 : i32
    "tpu.region"() ({
      %run_scoped3A_493 = tpu.sem_alloc : memref<!tpu.dma_semaphore, #tpu.memory_space<semaphore_mem>>
      %dma_start3A_494 = arith.constant 0 : i32
      %dma_start3A_495 = tpu.memref_slice %arg10[%run_scoped3A_393, %dma_start3A_494] : memref<25x80xi32, #tpu.memory_space<vmem>> -> memref<1x80xi32, #tpu.memory_space<vmem>>
      %dma_start3A_496 = tpu.memref_squeeze %dma_start3A_495 : memref<1x80xi32, #tpu.memory_space<vmem>> -> memref<80xi32, #tpu.memory_space<vmem>>
      %dma_start3A_497 = arith.constant 0 : i32
      %dma_start3A_498 = arith.constant 0 : i32
      %dma_start3A_499 = tpu.memref_slice %arg14[%dma_start3A_497, %dma_start3A_498] : memref<10112x128xf32, #tpu.memory_space<vmem_shared>> -> memref<10112x128xf32, #tpu.memory_space<vmem_shared>>
      tpu.enqueue_indirect_dma source(%arg13 : memref<80x128xf32, #tpu.memory_space<vmem>>) target(%dma_start3A_499 : memref<10112x128xf32, #tpu.memory_space<vmem_shared>>) offsets(%dma_start3A_496 : memref<80xi32, #tpu.memory_space<vmem>>) semaphore(%run_scoped3A_493 : memref<!tpu.dma_semaphore, #tpu.memory_space<semaphore_mem>>) {add = true}
      %dma_wait3A_500 = arith.constant 0 : i32
      %dma_wait3A_501 = tpu.memref_slice %arg10[%run_scoped3A_393, %dma_wait3A_500] : memref<25x80xi32, #tpu.memory_space<vmem>> -> memref<1x80xi32, #tpu.memory_space<vmem>>
      %dma_wait3A_502 = tpu.memref_squeeze %dma_wait3A_501 : memref<1x80xi32, #tpu.memory_space<vmem>> -> memref<80xi32, #tpu.memory_space<vmem>>
      %dma_wait3A_503 = arith.constant 0 : i32
      %dma_wait3A_504 = arith.constant 0 : i32
      %dma_wait3A_505 = tpu.memref_slice %arg14[%dma_wait3A_503, %dma_wait3A_504] : memref<10112x128xf32, #tpu.memory_space<vmem_shared>> -> memref<10112x128xf32, #tpu.memory_space<vmem_shared>>
      tpu.wait_indirect_dma semaphore(%run_scoped3A_493 : memref<!tpu.dma_semaphore, #tpu.memory_space<semaphore_mem>>) src(%arg13 : memref<80x128xf32, #tpu.memory_space<vmem>>) dst(%dma_wait3A_505 : memref<10112x128xf32, #tpu.memory_space<vmem_shared>>)
      tpu.yield
    }) : () -> ()
    %dma_wait3A_394 = arith.constant 0 : i32
    %dma_wait3A_395 = arith.constant 0 : i32
    %dma_wait3A_396 = tpu.memref_slice %arg2[%dma_wait3A_394, %dma_wait3A_395] : memref<10000x128xf32, #tpu.memory_space<hbm>> -> memref<80x128xf32, #tpu.memory_space<hbm>>
    %dma_wait3A_397 = arith.constant 0 : i32
    %dma_wait3A_398 = arith.constant 0 : i32
    %dma_wait3A_399 = tpu.memref_slice %arg2[%dma_wait3A_397, %dma_wait3A_398] : memref<10000x128xf32, #tpu.memory_space<hbm>> -> memref<80x128xf32, #tpu.memory_space<hbm>>
    tpu.wait_dma2 semaphore(%arg15 : memref<!tpu.dma_semaphore, #tpu.memory_space<semaphore_mem>>) src(%dma_wait3A_399 : memref<80x128xf32, #tpu.memory_space<hbm>>) dst(%arg11 : memref<80x128xf32, #tpu.memory_space<vmem>>)
    %run_scoped3A_400 = arith.constant 24 : i32
    "tpu.region"() ({
      %run_scoped3A_493 = tpu.sem_alloc : memref<!tpu.dma_semaphore, #tpu.memory_space<semaphore_mem>>
      %dma_start3A_494 = arith.constant 0 : i32
      %dma_start3A_495 = tpu.memref_slice %arg10[%run_scoped3A_400, %dma_start3A_494] : memref<25x80xi32, #tpu.memory_space<vmem>> -> memref<1x80xi32, #tpu.memory_space<vmem>>
      %dma_start3A_496 = tpu.memref_squeeze %dma_start3A_495 : memref<1x80xi32, #tpu.memory_space<vmem>> -> memref<80xi32, #tpu.memory_space<vmem>>
      %dma_start3A_497 = arith.constant 0 : i32
      %dma_start3A_498 = arith.constant 0 : i32
      %dma_start3A_499 = tpu.memref_slice %arg14[%dma_start3A_497, %dma_start3A_498] : memref<10112x128xf32, #tpu.memory_space<vmem_shared>> -> memref<10112x128xf32, #tpu.memory_space<vmem_shared>>
      tpu.enqueue_indirect_dma source(%arg11 : memref<80x128xf32, #tpu.memory_space<vmem>>) target(%dma_start3A_499 : memref<10112x128xf32, #tpu.memory_space<vmem_shared>>) offsets(%dma_start3A_496 : memref<80xi32, #tpu.memory_space<vmem>>) semaphore(%run_scoped3A_493 : memref<!tpu.dma_semaphore, #tpu.memory_space<semaphore_mem>>) {add = true}
      %dma_wait3A_500 = arith.constant 0 : i32
      %dma_wait3A_501 = tpu.memref_slice %arg10[%run_scoped3A_400, %dma_wait3A_500] : memref<25x80xi32, #tpu.memory_space<vmem>> -> memref<1x80xi32, #tpu.memory_space<vmem>>
      %dma_wait3A_502 = tpu.memref_squeeze %dma_wait3A_501 : memref<1x80xi32, #tpu.memory_space<vmem>> -> memref<80xi32, #tpu.memory_space<vmem>>
      %dma_wait3A_503 = arith.constant 0 : i32
      %dma_wait3A_504 = arith.constant 0 : i32
      %dma_wait3A_505 = tpu.memref_slice %arg14[%dma_wait3A_503, %dma_wait3A_504] : memref<10112x128xf32, #tpu.memory_space<vmem_shared>> -> memref<10112x128xf32, #tpu.memory_space<vmem_shared>>
      tpu.wait_indirect_dma semaphore(%run_scoped3A_493 : memref<!tpu.dma_semaphore, #tpu.memory_space<semaphore_mem>>) src(%arg11 : memref<80x128xf32, #tpu.memory_space<vmem>>) dst(%dma_wait3A_505 : memref<10112x128xf32, #tpu.memory_space<vmem_shared>>)
      tpu.yield
    }) : () -> ()
    %dma_wait3A_401 = arith.constant 0 : i32
    %dma_wait3A_402 = arith.constant 0 : i32
    %dma_wait3A_403 = arith.constant 0 : i32
    %dma_wait3A_404 = arith.constant 0 : i32
    %dma_wait3A_405 = tpu.memref_slice %arg3[%dma_wait3A_401, %dma_wait3A_402, %dma_wait3A_403, %dma_wait3A_404] : memref<32x5x25x80xi32, #tpu.memory_space<hbm>> -> memref<1x1x25x80xi32, #tpu.memory_space<hbm>>
    %dma_wait3A_406 = tpu.memref_squeeze %dma_wait3A_405 : memref<1x1x25x80xi32, #tpu.memory_space<hbm>> -> memref<25x80xi32, #tpu.memory_space<hbm>>
    %dma_wait3A_407 = arith.constant 0 : i32
    %dma_wait3A_408 = arith.constant 0 : i32
    %dma_wait3A_409 = tpu.memref_slice %arg3[%dma_wait3A_401, %dma_wait3A_402, %dma_wait3A_407, %dma_wait3A_408] : memref<32x5x25x80xi32, #tpu.memory_space<hbm>> -> memref<1x1x25x80xi32, #tpu.memory_space<hbm>>
    %dma_wait3A_410 = tpu.memref_squeeze %dma_wait3A_409 : memref<1x1x25x80xi32, #tpu.memory_space<hbm>> -> memref<25x80xi32, #tpu.memory_space<hbm>>
    tpu.wait_dma2 semaphore(%arg18 : memref<!tpu.dma_semaphore, #tpu.memory_space<semaphore_mem>>) src(%dma_wait3A_410 : memref<25x80xi32, #tpu.memory_space<hbm>>) dst(%arg7 : memref<25x80xi32, #tpu.memory_space<vmem>>)
    %dma_wait3A_411 = arith.constant 0 : i32
    %dma_wait3A_412 = arith.constant 0 : i32
    %dma_wait3A_413 = arith.constant 0 : i32
    %dma_wait3A_414 = arith.constant 0 : i32
    %dma_wait3A_415 = tpu.memref_slice %arg3[%dma_wait3A_411, %dma_wait3A_412, %dma_wait3A_413, %dma_wait3A_414] : memref<32x5x25x80xi32, #tpu.memory_space<hbm>> -> memref<1x1x25x80xi32, #tpu.memory_space<hbm>>
    %dma_wait3A_416 = tpu.memref_squeeze %dma_wait3A_415 : memref<1x1x25x80xi32, #tpu.memory_space<hbm>> -> memref<25x80xi32, #tpu.memory_space<hbm>>
    %dma_wait3A_417 = arith.constant 0 : i32
    %dma_wait3A_418 = arith.constant 0 : i32
    %dma_wait3A_419 = tpu.memref_slice %arg3[%dma_wait3A_411, %dma_wait3A_412, %dma_wait3A_417, %dma_wait3A_418] : memref<32x5x25x80xi32, #tpu.memory_space<hbm>> -> memref<1x1x25x80xi32, #tpu.memory_space<hbm>>
    %dma_wait3A_420 = tpu.memref_squeeze %dma_wait3A_419 : memref<1x1x25x80xi32, #tpu.memory_space<hbm>> -> memref<25x80xi32, #tpu.memory_space<hbm>>
    tpu.wait_dma2 semaphore(%arg18 : memref<!tpu.dma_semaphore, #tpu.memory_space<semaphore_mem>>) src(%dma_wait3A_420 : memref<25x80xi32, #tpu.memory_space<hbm>>) dst(%arg8 : memref<25x80xi32, #tpu.memory_space<vmem>>)
    %dma_start3A_421 = arith.constant 0 : i32
    %dma_start3A_422 = arith.constant 0 : i32
    %dma_start3A_423 = tpu.memref_slice %arg7[%dma_start3A_421, %dma_start3A_422] : memref<25x80xi32, #tpu.memory_space<vmem>> -> memref<1x80xi32, #tpu.memory_space<vmem>>
    %dma_start3A_424 = tpu.memref_squeeze %dma_start3A_423 : memref<1x80xi32, #tpu.memory_space<vmem>> -> memref<80xi32, #tpu.memory_space<vmem>>
    %dma_start3A_425 = arith.constant 0 : i32
    %dma_start3A_426 = arith.constant 0 : i32
    %dma_start3A_427 = tpu.memref_slice %arg2[%dma_start3A_425, %dma_start3A_426] : memref<10000x128xf32, #tpu.memory_space<hbm>> -> memref<10000x128xf32, #tpu.memory_space<hbm>>
    tpu.enqueue_indirect_dma source(%dma_start3A_427 : memref<10000x128xf32, #tpu.memory_space<hbm>>) target(%arg11 : memref<80x128xf32, #tpu.memory_space<vmem>>) offsets(%dma_start3A_424 : memref<80xi32, #tpu.memory_space<vmem>>) semaphore(%arg15 : memref<!tpu.dma_semaphore, #tpu.memory_space<semaphore_mem>>)
    %dma_start3A_428 = arith.constant 1 : i32
    %dma_start3A_429 = arith.constant 0 : i32
    %dma_start3A_430 = tpu.memref_slice %arg7[%dma_start3A_428, %dma_start3A_429] : memref<25x80xi32, #tpu.memory_space<vmem>> -> memref<1x80xi32, #tpu.memory_space<vmem>>
    %dma_start3A_431 = tpu.memref_squeeze %dma_start3A_430 : memref<1x80xi32, #tpu.memory_space<vmem>> -> memref<80xi32, #tpu.memory_space<vmem>>
    %dma_start3A_432 = arith.constant 0 : i32
    %dma_start3A_433 = arith.constant 0 : i32
    %dma_start3A_434 = tpu.memref_slice %arg2[%dma_start3A_432, %dma_start3A_433] : memref<10000x128xf32, #tpu.memory_space<hbm>> -> memref<10000x128xf32, #tpu.memory_space<hbm>>
    tpu.enqueue_indirect_dma source(%dma_start3A_434 : memref<10000x128xf32, #tpu.memory_space<hbm>>) target(%arg12 : memref<80x128xf32, #tpu.memory_space<vmem>>) offsets(%dma_start3A_431 : memref<80xi32, #tpu.memory_space<vmem>>) semaphore(%arg16 : memref<!tpu.dma_semaphore, #tpu.memory_space<semaphore_mem>>)
    %scan3A_435 = arith.constant 0 : i32
    %scan3A_436 = arith.constant 0 : i32
    %scan3A_437 = arith.constant 7 : i32
    %scan3A_438 = arith.addi %scan3A_436, %scan3A_437 : i32
    %scan3A_439 = arith.constant 1 : i32
    %scan3A_440 = scf.for %scan3A_493 = %scan3A_436 to %scan3A_438 step %scan3A_439 iter_args(%scan3A_494 = %scan3A_435) -> (i32)  : i32 {
      %add3A_495 = arith.constant 2 : i32
      %add3A_496 = arith.addi %scan3A_494, %add3A_495 : i32
      %dma_start3A_497 = arith.constant 0 : i32
      %dma_start3A_498 = tpu.memref_slice %arg7[%add3A_496, %dma_start3A_497] : memref<25x80xi32, #tpu.memory_space<vmem>> -> memref<1x80xi32, #tpu.memory_space<vmem>>
      %dma_start3A_499 = tpu.memref_squeeze %dma_start3A_498 : memref<1x80xi32, #tpu.memory_space<vmem>> -> memref<80xi32, #tpu.memory_space<vmem>>
      %dma_start3A_500 = arith.constant 0 : i32
      %dma_start3A_501 = arith.constant 0 : i32
      %dma_start3A_502 = tpu.memref_slice %arg2[%dma_start3A_500, %dma_start3A_501] : memref<10000x128xf32, #tpu.memory_space<hbm>> -> memref<10000x128xf32, #tpu.memory_space<hbm>>
      tpu.enqueue_indirect_dma source(%dma_start3A_502 : memref<10000x128xf32, #tpu.memory_space<hbm>>) target(%arg13 : memref<80x128xf32, #tpu.memory_space<vmem>>) offsets(%dma_start3A_499 : memref<80xi32, #tpu.memory_space<vmem>>) semaphore(%arg17 : memref<!tpu.dma_semaphore, #tpu.memory_space<semaphore_mem>>)
      %dma_wait3A_503 = arith.constant 0 : i32
      %dma_wait3A_504 = arith.constant 0 : i32
      %dma_wait3A_505 = tpu.memref_slice %arg2[%dma_wait3A_503, %dma_wait3A_504] : memref<10000x128xf32, #tpu.memory_space<hbm>> -> memref<80x128xf32, #tpu.memory_space<hbm>>
      %dma_wait3A_506 = arith.constant 0 : i32
      %dma_wait3A_507 = arith.constant 0 : i32
      %dma_wait3A_508 = tpu.memref_slice %arg2[%dma_wait3A_506, %dma_wait3A_507] : memref<10000x128xf32, #tpu.memory_space<hbm>> -> memref<80x128xf32, #tpu.memory_space<hbm>>
      tpu.wait_dma2 semaphore(%arg15 : memref<!tpu.dma_semaphore, #tpu.memory_space<semaphore_mem>>) src(%dma_wait3A_508 : memref<80x128xf32, #tpu.memory_space<hbm>>) dst(%arg11 : memref<80x128xf32, #tpu.memory_space<vmem>>)
      "tpu.region"() ({
        %run_scoped3A_543 = tpu.sem_alloc : memref<!tpu.dma_semaphore, #tpu.memory_space<semaphore_mem>>
        %dma_start3A_544 = arith.constant 0 : i32
        %dma_start3A_545 = tpu.memref_slice %arg8[%scan3A_494, %dma_start3A_544] : memref<25x80xi32, #tpu.memory_space<vmem>> -> memref<1x80xi32, #tpu.memory_space<vmem>>
        %dma_start3A_546 = tpu.memref_squeeze %dma_start3A_545 : memref<1x80xi32, #tpu.memory_space<vmem>> -> memref<80xi32, #tpu.memory_space<vmem>>
        %dma_start3A_547 = arith.constant 0 : i32
        %dma_start3A_548 = arith.constant 0 : i32
        %dma_start3A_549 = tpu.memref_slice %arg14[%dma_start3A_547, %dma_start3A_548] : memref<10112x128xf32, #tpu.memory_space<vmem_shared>> -> memref<10112x128xf32, #tpu.memory_space<vmem_shared>>
        tpu.enqueue_indirect_dma source(%arg11 : memref<80x128xf32, #tpu.memory_space<vmem>>) target(%dma_start3A_549 : memref<10112x128xf32, #tpu.memory_space<vmem_shared>>) offsets(%dma_start3A_546 : memref<80xi32, #tpu.memory_space<vmem>>) semaphore(%run_scoped3A_543 : memref<!tpu.dma_semaphore, #tpu.memory_space<semaphore_mem>>) {add = true}
        %dma_wait3A_550 = arith.constant 0 : i32
        %dma_wait3A_551 = tpu.memref_slice %arg8[%scan3A_494, %dma_wait3A_550] : memref<25x80xi32, #tpu.memory_space<vmem>> -> memref<1x80xi32, #tpu.memory_space<vmem>>
        %dma_wait3A_552 = tpu.memref_squeeze %dma_wait3A_551 : memref<1x80xi32, #tpu.memory_space<vmem>> -> memref<80xi32, #tpu.memory_space<vmem>>
        %dma_wait3A_553 = arith.constant 0 : i32
        %dma_wait3A_554 = arith.constant 0 : i32
        %dma_wait3A_555 = tpu.memref_slice %arg14[%dma_wait3A_553, %dma_wait3A_554] : memref<10112x128xf32, #tpu.memory_space<vmem_shared>> -> memref<10112x128xf32, #tpu.memory_space<vmem_shared>>
        tpu.wait_indirect_dma semaphore(%run_scoped3A_543 : memref<!tpu.dma_semaphore, #tpu.memory_space<semaphore_mem>>) src(%arg11 : memref<80x128xf32, #tpu.memory_space<vmem>>) dst(%dma_wait3A_555 : memref<10112x128xf32, #tpu.memory_space<vmem_shared>>)
        tpu.yield
      }) : () -> ()
      %add3A_509 = arith.constant 1 : i32
      %add3A_510 = arith.addi %scan3A_494, %add3A_509 : i32
      %add3A_511 = arith.constant 2 : i32
      %add3A_512 = arith.addi %add3A_510, %add3A_511 : i32
      %dma_start3A_513 = arith.constant 0 : i32
      %dma_start3A_514 = tpu.memref_slice %arg7[%add3A_512, %dma_start3A_513] : memref<25x80xi32, #tpu.memory_space<vmem>> -> memref<1x80xi32, #tpu.memory_space<vmem>>
      %dma_start3A_515 = tpu.memref_squeeze %dma_start3A_514 : memref<1x80xi32, #tpu.memory_space<vmem>> -> memref<80xi32, #tpu.memory_space<vmem>>
      %dma_start3A_516 = arith.constant 0 : i32
      %dma_start3A_517 = arith.constant 0 : i32
      %dma_start3A_518 = tpu.memref_slice %arg2[%dma_start3A_516, %dma_start3A_517] : memref<10000x128xf32, #tpu.memory_space<hbm>> -> memref<10000x128xf32, #tpu.memory_space<hbm>>
      tpu.enqueue_indirect_dma source(%dma_start3A_518 : memref<10000x128xf32, #tpu.memory_space<hbm>>) target(%arg11 : memref<80x128xf32, #tpu.memory_space<vmem>>) offsets(%dma_start3A_515 : memref<80xi32, #tpu.memory_space<vmem>>) semaphore(%arg15 : memref<!tpu.dma_semaphore, #tpu.memory_space<semaphore_mem>>)
      %dma_wait3A_519 = arith.constant 0 : i32
      %dma_wait3A_520 = arith.constant 0 : i32
      %dma_wait3A_521 = tpu.memref_slice %arg2[%dma_wait3A_519, %dma_wait3A_520] : memref<10000x128xf32, #tpu.memory_space<hbm>> -> memref<80x128xf32, #tpu.memory_space<hbm>>
      %dma_wait3A_522 = arith.constant 0 : i32
      %dma_wait3A_523 = arith.constant 0 : i32
      %dma_wait3A_524 = tpu.memref_slice %arg2[%dma_wait3A_522, %dma_wait3A_523] : memref<10000x128xf32, #tpu.memory_space<hbm>> -> memref<80x128xf32, #tpu.memory_space<hbm>>
      tpu.wait_dma2 semaphore(%arg16 : memref<!tpu.dma_semaphore, #tpu.memory_space<semaphore_mem>>) src(%dma_wait3A_524 : memref<80x128xf32, #tpu.memory_space<hbm>>) dst(%arg12 : memref<80x128xf32, #tpu.memory_space<vmem>>)
      "tpu.region"() ({
        %run_scoped3A_543 = tpu.sem_alloc : memref<!tpu.dma_semaphore, #tpu.memory_space<semaphore_mem>>
        %dma_start3A_544 = arith.constant 0 : i32
        %dma_start3A_545 = tpu.memref_slice %arg8[%add3A_510, %dma_start3A_544] : memref<25x80xi32, #tpu.memory_space<vmem>> -> memref<1x80xi32, #tpu.memory_space<vmem>>
        %dma_start3A_546 = tpu.memref_squeeze %dma_start3A_545 : memref<1x80xi32, #tpu.memory_space<vmem>> -> memref<80xi32, #tpu.memory_space<vmem>>
        %dma_start3A_547 = arith.constant 0 : i32
        %dma_start3A_548 = arith.constant 0 : i32
        %dma_start3A_549 = tpu.memref_slice %arg14[%dma_start3A_547, %dma_start3A_548] : memref<10112x128xf32, #tpu.memory_space<vmem_shared>> -> memref<10112x128xf32, #tpu.memory_space<vmem_shared>>
        tpu.enqueue_indirect_dma source(%arg12 : memref<80x128xf32, #tpu.memory_space<vmem>>) target(%dma_start3A_549 : memref<10112x128xf32, #tpu.memory_space<vmem_shared>>) offsets(%dma_start3A_546 : memref<80xi32, #tpu.memory_space<vmem>>) semaphore(%run_scoped3A_543 : memref<!tpu.dma_semaphore, #tpu.memory_space<semaphore_mem>>) {add = true}
        %dma_wait3A_550 = arith.constant 0 : i32
        %dma_wait3A_551 = tpu.memref_slice %arg8[%add3A_510, %dma_wait3A_550] : memref<25x80xi32, #tpu.memory_space<vmem>> -> memref<1x80xi32, #tpu.memory_space<vmem>>
        %dma_wait3A_552 = tpu.memref_squeeze %dma_wait3A_551 : memref<1x80xi32, #tpu.memory_space<vmem>> -> memref<80xi32, #tpu.memory_space<vmem>>
        %dma_wait3A_553 = arith.constant 0 : i32
        %dma_wait3A_554 = arith.constant 0 : i32
        %dma_wait3A_555 = tpu.memref_slice %arg14[%dma_wait3A_553, %dma_wait3A_554] : memref<10112x128xf32, #tpu.memory_space<vmem_shared>> -> memref<10112x128xf32, #tpu.memory_space<vmem_shared>>
        tpu.wait_indirect_dma semaphore(%run_scoped3A_543 : memref<!tpu.dma_semaphore, #tpu.memory_space<semaphore_mem>>) src(%arg12 : memref<80x128xf32, #tpu.memory_space<vmem>>) dst(%dma_wait3A_555 : memref<10112x128xf32, #tpu.memory_space<vmem_shared>>)
        tpu.yield
      }) : () -> ()
      %add3A_525 = arith.constant 2 : i32
      %add3A_526 = arith.addi %scan3A_494, %add3A_525 : i32
      %add3A_527 = arith.constant 2 : i32
      %add3A_528 = arith.addi %add3A_526, %add3A_527 : i32
      %dma_start3A_529 = arith.constant 0 : i32
      %dma_start3A_530 = tpu.memref_slice %arg7[%add3A_528, %dma_start3A_529] : memref<25x80xi32, #tpu.memory_space<vmem>> -> memref<1x80xi32, #tpu.memory_space<vmem>>
      %dma_start3A_531 = tpu.memref_squeeze %dma_start3A_530 : memref<1x80xi32, #tpu.memory_space<vmem>> -> memref<80xi32, #tpu.memory_space<vmem>>
      %dma_start3A_532 = arith.constant 0 : i32
      %dma_start3A_533 = arith.constant 0 : i32
      %dma_start3A_534 = tpu.memref_slice %arg2[%dma_start3A_532, %dma_start3A_533] : memref<10000x128xf32, #tpu.memory_space<hbm>> -> memref<10000x128xf32, #tpu.memory_space<hbm>>
      tpu.enqueue_indirect_dma source(%dma_start3A_534 : memref<10000x128xf32, #tpu.memory_space<hbm>>) target(%arg12 : memref<80x128xf32, #tpu.memory_space<vmem>>) offsets(%dma_start3A_531 : memref<80xi32, #tpu.memory_space<vmem>>) semaphore(%arg16 : memref<!tpu.dma_semaphore, #tpu.memory_space<semaphore_mem>>)
      %dma_wait3A_535 = arith.constant 0 : i32
      %dma_wait3A_536 = arith.constant 0 : i32
      %dma_wait3A_537 = tpu.memref_slice %arg2[%dma_wait3A_535, %dma_wait3A_536] : memref<10000x128xf32, #tpu.memory_space<hbm>> -> memref<80x128xf32, #tpu.memory_space<hbm>>
      %dma_wait3A_538 = arith.constant 0 : i32
      %dma_wait3A_539 = arith.constant 0 : i32
      %dma_wait3A_540 = tpu.memref_slice %arg2[%dma_wait3A_538, %dma_wait3A_539] : memref<10000x128xf32, #tpu.memory_space<hbm>> -> memref<80x128xf32, #tpu.memory_space<hbm>>
      tpu.wait_dma2 semaphore(%arg17 : memref<!tpu.dma_semaphore, #tpu.memory_space<semaphore_mem>>) src(%dma_wait3A_540 : memref<80x128xf32, #tpu.memory_space<hbm>>) dst(%arg13 : memref<80x128xf32, #tpu.memory_space<vmem>>)
      "tpu.region"() ({
        %run_scoped3A_543 = tpu.sem_alloc : memref<!tpu.dma_semaphore, #tpu.memory_space<semaphore_mem>>
        %dma_start3A_544 = arith.constant 0 : i32
        %dma_start3A_545 = tpu.memref_slice %arg8[%add3A_526, %dma_start3A_544] : memref<25x80xi32, #tpu.memory_space<vmem>> -> memref<1x80xi32, #tpu.memory_space<vmem>>
        %dma_start3A_546 = tpu.memref_squeeze %dma_start3A_545 : memref<1x80xi32, #tpu.memory_space<vmem>> -> memref<80xi32, #tpu.memory_space<vmem>>
        %dma_start3A_547 = arith.constant 0 : i32
        %dma_start3A_548 = arith.constant 0 : i32
        %dma_start3A_549 = tpu.memref_slice %arg14[%dma_start3A_547, %dma_start3A_548] : memref<10112x128xf32, #tpu.memory_space<vmem_shared>> -> memref<10112x128xf32, #tpu.memory_space<vmem_shared>>
        tpu.enqueue_indirect_dma source(%arg13 : memref<80x128xf32, #tpu.memory_space<vmem>>) target(%dma_start3A_549 : memref<10112x128xf32, #tpu.memory_space<vmem_shared>>) offsets(%dma_start3A_546 : memref<80xi32, #tpu.memory_space<vmem>>) semaphore(%run_scoped3A_543 : memref<!tpu.dma_semaphore, #tpu.memory_space<semaphore_mem>>) {add = true}
        %dma_wait3A_550 = arith.constant 0 : i32
        %dma_wait3A_551 = tpu.memref_slice %arg8[%add3A_526, %dma_wait3A_550] : memref<25x80xi32, #tpu.memory_space<vmem>> -> memref<1x80xi32, #tpu.memory_space<vmem>>
        %dma_wait3A_552 = tpu.memref_squeeze %dma_wait3A_551 : memref<1x80xi32, #tpu.memory_space<vmem>> -> memref<80xi32, #tpu.memory_space<vmem>>
        %dma_wait3A_553 = arith.constant 0 : i32
        %dma_wait3A_554 = arith.constant 0 : i32
        %dma_wait3A_555 = tpu.memref_slice %arg14[%dma_wait3A_553, %dma_wait3A_554] : memref<10112x128xf32, #tpu.memory_space<vmem_shared>> -> memref<10112x128xf32, #tpu.memory_space<vmem_shared>>
        tpu.wait_indirect_dma semaphore(%run_scoped3A_543 : memref<!tpu.dma_semaphore, #tpu.memory_space<semaphore_mem>>) src(%arg13 : memref<80x128xf32, #tpu.memory_space<vmem>>) dst(%dma_wait3A_555 : memref<10112x128xf32, #tpu.memory_space<vmem_shared>>)
        tpu.yield
      }) : () -> ()
      %add3A_541 = arith.constant 3 : i32
      %add3A_542 = arith.addi %scan3A_494, %add3A_541 : i32
      scf.yield %add3A_542 : i32
    }
    %scan3A_441 = arith.constant 7 : i32
    %add3A_442 = arith.constant 21 : i32
    %add3A_443 = arith.constant 2 : i32
    %add3A_444 = arith.addi %add3A_442, %add3A_443 : i32
    %dma_start3A_445 = arith.constant 0 : i32
    %dma_start3A_446 = tpu.memref_slice %arg7[%add3A_444, %dma_start3A_445] : memref<25x80xi32, #tpu.memory_space<vmem>> -> memref<1x80xi32, #tpu.memory_space<vmem>>
    %dma_start3A_447 = tpu.memref_squeeze %dma_start3A_446 : memref<1x80xi32, #tpu.memory_space<vmem>> -> memref<80xi32, #tpu.memory_space<vmem>>
    %dma_start3A_448 = arith.constant 0 : i32
    %dma_start3A_449 = arith.constant 0 : i32
    %dma_start3A_450 = tpu.memref_slice %arg2[%dma_start3A_448, %dma_start3A_449] : memref<10000x128xf32, #tpu.memory_space<hbm>> -> memref<10000x128xf32, #tpu.memory_space<hbm>>
    tpu.enqueue_indirect_dma source(%dma_start3A_450 : memref<10000x128xf32, #tpu.memory_space<hbm>>) target(%arg13 : memref<80x128xf32, #tpu.memory_space<vmem>>) offsets(%dma_start3A_447 : memref<80xi32, #tpu.memory_space<vmem>>) semaphore(%arg17 : memref<!tpu.dma_semaphore, #tpu.memory_space<semaphore_mem>>)
    %dma_wait3A_451 = arith.constant 0 : i32
    %dma_wait3A_452 = arith.constant 0 : i32
    %dma_wait3A_453 = tpu.memref_slice %arg2[%dma_wait3A_451, %dma_wait3A_452] : memref<10000x128xf32, #tpu.memory_space<hbm>> -> memref<80x128xf32, #tpu.memory_space<hbm>>
    %dma_wait3A_454 = arith.constant 0 : i32
    %dma_wait3A_455 = arith.constant 0 : i32
    %dma_wait3A_456 = tpu.memref_slice %arg2[%dma_wait3A_454, %dma_wait3A_455] : memref<10000x128xf32, #tpu.memory_space<hbm>> -> memref<80x128xf32, #tpu.memory_space<hbm>>
    tpu.wait_dma2 semaphore(%arg15 : memref<!tpu.dma_semaphore, #tpu.memory_space<semaphore_mem>>) src(%dma_wait3A_456 : memref<80x128xf32, #tpu.memory_space<hbm>>) dst(%arg11 : memref<80x128xf32, #tpu.memory_space<vmem>>)
    %run_scoped3A_457 = arith.constant 21 : i32
    "tpu.region"() ({
      %run_scoped3A_493 = tpu.sem_alloc : memref<!tpu.dma_semaphore, #tpu.memory_space<semaphore_mem>>
      %dma_start3A_494 = arith.constant 0 : i32
      %dma_start3A_495 = tpu.memref_slice %arg8[%run_scoped3A_457, %dma_start3A_494] : memref<25x80xi32, #tpu.memory_space<vmem>> -> memref<1x80xi32, #tpu.memory_space<vmem>>
      %dma_start3A_496 = tpu.memref_squeeze %dma_start3A_495 : memref<1x80xi32, #tpu.memory_space<vmem>> -> memref<80xi32, #tpu.memory_space<vmem>>
      %dma_start3A_497 = arith.constant 0 : i32
      %dma_start3A_498 = arith.constant 0 : i32
      %dma_start3A_499 = tpu.memref_slice %arg14[%dma_start3A_497, %dma_start3A_498] : memref<10112x128xf32, #tpu.memory_space<vmem_shared>> -> memref<10112x128xf32, #tpu.memory_space<vmem_shared>>
      tpu.enqueue_indirect_dma source(%arg11 : memref<80x128xf32, #tpu.memory_space<vmem>>) target(%dma_start3A_499 : memref<10112x128xf32, #tpu.memory_space<vmem_shared>>) offsets(%dma_start3A_496 : memref<80xi32, #tpu.memory_space<vmem>>) semaphore(%run_scoped3A_493 : memref<!tpu.dma_semaphore, #tpu.memory_space<semaphore_mem>>) {add = true}
      %dma_wait3A_500 = arith.constant 0 : i32
      %dma_wait3A_501 = tpu.memref_slice %arg8[%run_scoped3A_457, %dma_wait3A_500] : memref<25x80xi32, #tpu.memory_space<vmem>> -> memref<1x80xi32, #tpu.memory_space<vmem>>
      %dma_wait3A_502 = tpu.memref_squeeze %dma_wait3A_501 : memref<1x80xi32, #tpu.memory_space<vmem>> -> memref<80xi32, #tpu.memory_space<vmem>>
      %dma_wait3A_503 = arith.constant 0 : i32
      %dma_wait3A_504 = arith.constant 0 : i32
      %dma_wait3A_505 = tpu.memref_slice %arg14[%dma_wait3A_503, %dma_wait3A_504] : memref<10112x128xf32, #tpu.memory_space<vmem_shared>> -> memref<10112x128xf32, #tpu.memory_space<vmem_shared>>
      tpu.wait_indirect_dma semaphore(%run_scoped3A_493 : memref<!tpu.dma_semaphore, #tpu.memory_space<semaphore_mem>>) src(%arg11 : memref<80x128xf32, #tpu.memory_space<vmem>>) dst(%dma_wait3A_505 : memref<10112x128xf32, #tpu.memory_space<vmem_shared>>)
      tpu.yield
    }) : () -> ()
    %add3A_458 = arith.constant 22 : i32
    %add3A_459 = arith.constant 2 : i32
    %add3A_460 = arith.addi %add3A_458, %add3A_459 : i32
    %dma_start3A_461 = arith.constant 0 : i32
    %dma_start3A_462 = tpu.memref_slice %arg7[%add3A_460, %dma_start3A_461] : memref<25x80xi32, #tpu.memory_space<vmem>> -> memref<1x80xi32, #tpu.memory_space<vmem>>
    %dma_start3A_463 = tpu.memref_squeeze %dma_start3A_462 : memref<1x80xi32, #tpu.memory_space<vmem>> -> memref<80xi32, #tpu.memory_space<vmem>>
    %dma_start3A_464 = arith.constant 0 : i32
    %dma_start3A_465 = arith.constant 0 : i32
    %dma_start3A_466 = tpu.memref_slice %arg2[%dma_start3A_464, %dma_start3A_465] : memref<10000x128xf32, #tpu.memory_space<hbm>> -> memref<10000x128xf32, #tpu.memory_space<hbm>>
    tpu.enqueue_indirect_dma source(%dma_start3A_466 : memref<10000x128xf32, #tpu.memory_space<hbm>>) target(%arg11 : memref<80x128xf32, #tpu.memory_space<vmem>>) offsets(%dma_start3A_463 : memref<80xi32, #tpu.memory_space<vmem>>) semaphore(%arg15 : memref<!tpu.dma_semaphore, #tpu.memory_space<semaphore_mem>>)
    %dma_wait3A_467 = arith.constant 0 : i32
    %dma_wait3A_468 = arith.constant 0 : i32
    %dma_wait3A_469 = tpu.memref_slice %arg2[%dma_wait3A_467, %dma_wait3A_468] : memref<10000x128xf32, #tpu.memory_space<hbm>> -> memref<80x128xf32, #tpu.memory_space<hbm>>
    %dma_wait3A_470 = arith.constant 0 : i32
    %dma_wait3A_471 = arith.constant 0 : i32
    %dma_wait3A_472 = tpu.memref_slice %arg2[%dma_wait3A_470, %dma_wait3A_471] : memref<10000x128xf32, #tpu.memory_space<hbm>> -> memref<80x128xf32, #tpu.memory_space<hbm>>
    tpu.wait_dma2 semaphore(%arg16 : memref<!tpu.dma_semaphore, #tpu.memory_space<semaphore_mem>>) src(%dma_wait3A_472 : memref<80x128xf32, #tpu.memory_space<hbm>>) dst(%arg12 : memref<80x128xf32, #tpu.memory_space<vmem>>)
    %run_scoped3A_473 = arith.constant 22 : i32
    "tpu.region"() ({
      %run_scoped3A_493 = tpu.sem_alloc : memref<!tpu.dma_semaphore, #tpu.memory_space<semaphore_mem>>
      %dma_start3A_494 = arith.constant 0 : i32
      %dma_start3A_495 = tpu.memref_slice %arg8[%run_scoped3A_473, %dma_start3A_494] : memref<25x80xi32, #tpu.memory_space<vmem>> -> memref<1x80xi32, #tpu.memory_space<vmem>>
      %dma_start3A_496 = tpu.memref_squeeze %dma_start3A_495 : memref<1x80xi32, #tpu.memory_space<vmem>> -> memref<80xi32, #tpu.memory_space<vmem>>
      %dma_start3A_497 = arith.constant 0 : i32
      %dma_start3A_498 = arith.constant 0 : i32
      %dma_start3A_499 = tpu.memref_slice %arg14[%dma_start3A_497, %dma_start3A_498] : memref<10112x128xf32, #tpu.memory_space<vmem_shared>> -> memref<10112x128xf32, #tpu.memory_space<vmem_shared>>
      tpu.enqueue_indirect_dma source(%arg12 : memref<80x128xf32, #tpu.memory_space<vmem>>) target(%dma_start3A_499 : memref<10112x128xf32, #tpu.memory_space<vmem_shared>>) offsets(%dma_start3A_496 : memref<80xi32, #tpu.memory_space<vmem>>) semaphore(%run_scoped3A_493 : memref<!tpu.dma_semaphore, #tpu.memory_space<semaphore_mem>>) {add = true}
      %dma_wait3A_500 = arith.constant 0 : i32
      %dma_wait3A_501 = tpu.memref_slice %arg8[%run_scoped3A_473, %dma_wait3A_500] : memref<25x80xi32, #tpu.memory_space<vmem>> -> memref<1x80xi32, #tpu.memory_space<vmem>>
      %dma_wait3A_502 = tpu.memref_squeeze %dma_wait3A_501 : memref<1x80xi32, #tpu.memory_space<vmem>> -> memref<80xi32, #tpu.memory_space<vmem>>
      %dma_wait3A_503 = arith.constant 0 : i32
      %dma_wait3A_504 = arith.constant 0 : i32
      %dma_wait3A_505 = tpu.memref_slice %arg14[%dma_wait3A_503, %dma_wait3A_504] : memref<10112x128xf32, #tpu.memory_space<vmem_shared>> -> memref<10112x128xf32, #tpu.memory_space<vmem_shared>>
      tpu.wait_indirect_dma semaphore(%run_scoped3A_493 : memref<!tpu.dma_semaphore, #tpu.memory_space<semaphore_mem>>) src(%arg12 : memref<80x128xf32, #tpu.memory_space<vmem>>) dst(%dma_wait3A_505 : memref<10112x128xf32, #tpu.memory_space<vmem_shared>>)
      tpu.yield
    }) : () -> ()
    %dma_wait3A_474 = arith.constant 0 : i32
    %dma_wait3A_475 = arith.constant 0 : i32
    %dma_wait3A_476 = tpu.memref_slice %arg2[%dma_wait3A_474, %dma_wait3A_475] : memref<10000x128xf32, #tpu.memory_space<hbm>> -> memref<80x128xf32, #tpu.memory_space<hbm>>
    %dma_wait3A_477 = arith.constant 0 : i32
    %dma_wait3A_478 = arith.constant 0 : i32
    %dma_wait3A_479 = tpu.memref_slice %arg2[%dma_wait3A_477, %dma_wait3A_478] : memref<10000x128xf32, #tpu.memory_space<hbm>> -> memref<80x128xf32, #tpu.memory_space<hbm>>
    tpu.wait_dma2 semaphore(%arg17 : memref<!tpu.dma_semaphore, #tpu.memory_space<semaphore_mem>>) src(%dma_wait3A_479 : memref<80x128xf32, #tpu.memory_space<hbm>>) dst(%arg13 : memref<80x128xf32, #tpu.memory_space<vmem>>)
    %run_scoped3A_480 = arith.constant 23 : i32
    "tpu.region"() ({
      %run_scoped3A_493 = tpu.sem_alloc : memref<!tpu.dma_semaphore, #tpu.memory_space<semaphore_mem>>
      %dma_start3A_494 = arith.constant 0 : i32
      %dma_start3A_495 = tpu.memref_slice %arg8[%run_scoped3A_480, %dma_start3A_494] : memref<25x80xi32, #tpu.memory_space<vmem>> -> memref<1x80xi32, #tpu.memory_space<vmem>>
      %dma_start3A_496 = tpu.memref_squeeze %dma_start3A_495 : memref<1x80xi32, #tpu.memory_space<vmem>> -> memref<80xi32, #tpu.memory_space<vmem>>
      %dma_start3A_497 = arith.constant 0 : i32
      %dma_start3A_498 = arith.constant 0 : i32
      %dma_start3A_499 = tpu.memref_slice %arg14[%dma_start3A_497, %dma_start3A_498] : memref<10112x128xf32, #tpu.memory_space<vmem_shared>> -> memref<10112x128xf32, #tpu.memory_space<vmem_shared>>
      tpu.enqueue_indirect_dma source(%arg13 : memref<80x128xf32, #tpu.memory_space<vmem>>) target(%dma_start3A_499 : memref<10112x128xf32, #tpu.memory_space<vmem_shared>>) offsets(%dma_start3A_496 : memref<80xi32, #tpu.memory_space<vmem>>) semaphore(%run_scoped3A_493 : memref<!tpu.dma_semaphore, #tpu.memory_space<semaphore_mem>>) {add = true}
      %dma_wait3A_500 = arith.constant 0 : i32
      %dma_wait3A_501 = tpu.memref_slice %arg8[%run_scoped3A_480, %dma_wait3A_500] : memref<25x80xi32, #tpu.memory_space<vmem>> -> memref<1x80xi32, #tpu.memory_space<vmem>>
      %dma_wait3A_502 = tpu.memref_squeeze %dma_wait3A_501 : memref<1x80xi32, #tpu.memory_space<vmem>> -> memref<80xi32, #tpu.memory_space<vmem>>
      %dma_wait3A_503 = arith.constant 0 : i32
      %dma_wait3A_504 = arith.constant 0 : i32
      %dma_wait3A_505 = tpu.memref_slice %arg14[%dma_wait3A_503, %dma_wait3A_504] : memref<10112x128xf32, #tpu.memory_space<vmem_shared>> -> memref<10112x128xf32, #tpu.memory_space<vmem_shared>>
      tpu.wait_indirect_dma semaphore(%run_scoped3A_493 : memref<!tpu.dma_semaphore, #tpu.memory_space<semaphore_mem>>) src(%arg13 : memref<80x128xf32, #tpu.memory_space<vmem>>) dst(%dma_wait3A_505 : memref<10112x128xf32, #tpu.memory_space<vmem_shared>>)
      tpu.yield
    }) : () -> ()
    %dma_wait3A_481 = arith.constant 0 : i32
    %dma_wait3A_482 = arith.constant 0 : i32
    %dma_wait3A_483 = tpu.memref_slice %arg2[%dma_wait3A_481, %dma_wait3A_482] : memref<10000x128xf32, #tpu.memory_space<hbm>> -> memref<80x128xf32, #tpu.memory_space<hbm>>
    %dma_wait3A_484 = arith.constant 0 : i32
    %dma_wait3A_485 = arith.constant 0 : i32
    %dma_wait3A_486 = tpu.memref_slice %arg2[%dma_wait3A_484, %dma_wait3A_485] : memref<10000x128xf32, #tpu.memory_space<hbm>> -> memref<80x128xf32, #tpu.memory_space<hbm>>
    tpu.wait_dma2 semaphore(%arg15 : memref<!tpu.dma_semaphore, #tpu.memory_space<semaphore_mem>>) src(%dma_wait3A_486 : memref<80x128xf32, #tpu.memory_space<hbm>>) dst(%arg11 : memref<80x128xf32, #tpu.memory_space<vmem>>)
    %run_scoped3A_487 = arith.constant 24 : i32
    "tpu.region"() ({
      %run_scoped3A_493 = tpu.sem_alloc : memref<!tpu.dma_semaphore, #tpu.memory_space<semaphore_mem>>
      %dma_start3A_494 = arith.constant 0 : i32
      %dma_start3A_495 = tpu.memref_slice %arg8[%run_scoped3A_487, %dma_start3A_494] : memref<25x80xi32, #tpu.memory_space<vmem>> -> memref<1x80xi32, #tpu.memory_space<vmem>>
      %dma_start3A_496 = tpu.memref_squeeze %dma_start3A_495 : memref<1x80xi32, #tpu.memory_space<vmem>> -> memref<80xi32, #tpu.memory_space<vmem>>
      %dma_start3A_497 = arith.constant 0 : i32
      %dma_start3A_498 = arith.constant 0 : i32
      %dma_start3A_499 = tpu.memref_slice %arg14[%dma_start3A_497, %dma_start3A_498] : memref<10112x128xf32, #tpu.memory_space<vmem_shared>> -> memref<10112x128xf32, #tpu.memory_space<vmem_shared>>
      tpu.enqueue_indirect_dma source(%arg11 : memref<80x128xf32, #tpu.memory_space<vmem>>) target(%dma_start3A_499 : memref<10112x128xf32, #tpu.memory_space<vmem_shared>>) offsets(%dma_start3A_496 : memref<80xi32, #tpu.memory_space<vmem>>) semaphore(%run_scoped3A_493 : memref<!tpu.dma_semaphore, #tpu.memory_space<semaphore_mem>>) {add = true}
      %dma_wait3A_500 = arith.constant 0 : i32
      %dma_wait3A_501 = tpu.memref_slice %arg8[%run_scoped3A_487, %dma_wait3A_500] : memref<25x80xi32, #tpu.memory_space<vmem>> -> memref<1x80xi32, #tpu.memory_space<vmem>>
      %dma_wait3A_502 = tpu.memref_squeeze %dma_wait3A_501 : memref<1x80xi32, #tpu.memory_space<vmem>> -> memref<80xi32, #tpu.memory_space<vmem>>
      %dma_wait3A_503 = arith.constant 0 : i32
      %dma_wait3A_504 = arith.constant 0 : i32
      %dma_wait3A_505 = tpu.memref_slice %arg14[%dma_wait3A_503, %dma_wait3A_504] : memref<10112x128xf32, #tpu.memory_space<vmem_shared>> -> memref<10112x128xf32, #tpu.memory_space<vmem_shared>>
      tpu.wait_indirect_dma semaphore(%run_scoped3A_493 : memref<!tpu.dma_semaphore, #tpu.memory_space<semaphore_mem>>) src(%arg11 : memref<80x128xf32, #tpu.memory_space<vmem>>) dst(%dma_wait3A_505 : memref<10112x128xf32, #tpu.memory_space<vmem_shared>>)
      tpu.yield
    }) : () -> ()
    %barrier3A_488 = arith.constant 0 : index
    tpu.barrier barrier_id(%barrier3A_488)
    %mul3A_489 = arith.constant 632 : i32
    %mul3A_490 = arith.muli %arg1, %mul3A_489 : i32
    %mul3A_491 = arith.constant 632 : i32
    %mul3A_492 = arith.muli %arg1, %mul3A_491 : i32
    "tpu.region"() ({
      %run_scoped3A_493 = tpu.sem_alloc : memref<!tpu.dma_semaphore, #tpu.memory_space<semaphore_mem>>
      %dma_start3A_494 = arith.constant 0 : i32
      %dma_start3A_495 = tpu.memref_slice %arg6[%arg0, %mul3A_492, %dma_start3A_494] : memref<2x10112x128xf32, #tpu.memory_space<hbm>> -> memref<1x632x128xf32, #tpu.memory_space<hbm>>
      %dma_start3A_496 = tpu.memref_squeeze %dma_start3A_495 : memref<1x632x128xf32, #tpu.memory_space<hbm>> -> memref<632x128xf32, #tpu.memory_space<hbm>>
      %dma_start3A_497 = arith.constant 0 : i32
      %dma_start3A_498 = tpu.memref_slice %arg14[%mul3A_490, %dma_start3A_497] : memref<10112x128xf32, #tpu.memory_space<vmem_shared>> -> memref<632x128xf32, #tpu.memory_space<vmem_shared>>
      tpu.enqueue_dma source(%dma_start3A_498 : memref<632x128xf32, #tpu.memory_space<vmem_shared>>) target(%dma_start3A_496 : memref<632x128xf32, #tpu.memory_space<hbm>>) target_semaphore(%run_scoped3A_493 : memref<!tpu.dma_semaphore, #tpu.memory_space<semaphore_mem>>)
      %dma_wait3A_499 = arith.constant 0 : i32
      %dma_wait3A_500 = tpu.memref_slice %arg6[%arg0, %mul3A_492, %dma_wait3A_499] : memref<2x10112x128xf32, #tpu.memory_space<hbm>> -> memref<1x632x128xf32, #tpu.memory_space<hbm>>
      %dma_wait3A_501 = tpu.memref_squeeze %dma_wait3A_500 : memref<1x632x128xf32, #tpu.memory_space<hbm>> -> memref<632x128xf32, #tpu.memory_space<hbm>>
      %dma_wait3A_502 = arith.constant 0 : i32
      %dma_wait3A_503 = tpu.memref_slice %arg14[%mul3A_490, %dma_wait3A_502] : memref<10112x128xf32, #tpu.memory_space<vmem_shared>> -> memref<632x128xf32, #tpu.memory_space<vmem_shared>>
      tpu.wait_dma2 semaphore(%run_scoped3A_493 : memref<!tpu.dma_semaphore, #tpu.memory_space<semaphore_mem>>) src(%dma_wait3A_503 : memref<632x128xf32, #tpu.memory_space<vmem_shared>>) dst(%dma_wait3A_501 : memref<632x128xf32, #tpu.memory_space<hbm>>)
      tpu.yield
    }) : () -> ()
    return
  }
}

module attributes {stable_mosaic.version = 14 : i64} {
  func.func @_tc_combine_fn(%arg0: memref<2x10112x128xf32, #tpu.memory_space<vmem>>, %arg1: memref<128x128xf32, #tpu.memory_space<vmem>>, %arg2: memref<1x128xf32, #tpu.memory_space<vmem>>, %arg3: memref<10000x128xf32, #tpu.memory_space<vmem>>) attributes {dimension_semantics = [], scalar_prefetch = 0 : i64, scratch_operands = 0 : i64, tpu.core_type = #tpu.core_type<tc>} {
    %get3A = arith.constant 0 : index
    %get3A_0 = arith.constant 0 : index
    %get3A_1 = arith.constant 0 : index
    %get3A_2 = vector.load %arg0[%get3A, %get3A_0, %get3A_1] : memref<2x10112x128xf32, #tpu.memory_space<vmem>>, vector<1x10000x128xf32>
    %get3A_3 = vector.shape_cast %get3A_2 : vector<1x10000x128xf32> to vector<10000x128xf32>
    %get3A_4 = arith.constant 1 : index
    %get3A_5 = arith.constant 0 : index
    %get3A_6 = arith.constant 0 : index
    %get3A_7 = vector.load %arg0[%get3A_4, %get3A_5, %get3A_6] : memref<2x10112x128xf32, #tpu.memory_space<vmem>>, vector<1x10000x128xf32>
    %get3A_8 = vector.shape_cast %get3A_7 : vector<1x10000x128xf32> to vector<10000x128xf32>
    %add3A = arith.addf %get3A_3, %get3A_8 : vector<10000x128xf32>
    %get3A_9 = arith.constant 0 : index
    %get3A_10 = arith.constant 0 : index
    %get3A_11 = vector.load %arg1[%get3A_9, %get3A_10] : memref<128x128xf32, #tpu.memory_space<vmem>>, vector<128x128xf32>
    %dot_general3A = arith.constant dense<0.000000e+00> : vector<10000x128xf32>
    %dot_general3A_12 = tpu.matmul %add3A, %get3A_11, %dot_general3A {dimension_numbers = #tpu.dot_dimension_numbers<[1], [0], [0], [1], [0, 0, 1, 1], [], []>, transpose_lhs_hint = false} : vector<10000x128xf32>, vector<128x128xf32>, vector<10000x128xf32> -> vector<10000x128xf32>
    %get3A_13 = arith.constant 0 : index
    %get3A_14 = arith.constant 0 : index
    %get3A_15 = vector.load %arg2[%get3A_13, %get3A_14] : memref<1x128xf32, #tpu.memory_space<vmem>>, vector<1x128xf32>
    %add3A_16 = vector.broadcast %get3A_15 : vector<1x128xf32> to vector<10000x128xf32>
    %add3A_17 = arith.addf %dot_general3A_12, %add3A_16 : vector<10000x128xf32>
    %swap3A = arith.constant 0 : index
    %swap3A_18 = arith.constant 0 : index
    %swap3A_19 = vector.load %arg3[%swap3A, %swap3A_18] : memref<10000x128xf32, #tpu.memory_space<vmem>>, vector<10000x128xf32>
    tpu.vector_store %arg3[%swap3A, %swap3A_18], %add3A_17 {strides = array<i32>} : memref<10000x128xf32, #tpu.memory_space<vmem>>, vector<10000x128xf32>,
    return
  }
}

</mosaic_0001>

<sc_bundles>
// kernel: kernel.4.cloned.1.call-start
scs
__scs_entry_jumppad:
0x0: {  	(pc) =	sbr.rel $0x88, $3  }
0x1: {  	(tag) =	ssettag $0x0;
	lr =	simm.s32 $0x1  }
0x2: {  	[smem:$0x3F9D] =	sst lr;
	_ =	strace $0xD0000000  }
0x3: {  	_ = 	snop  }
0x4: {  	_ = 	snop  }
0x5: {  	_ = 	snop  }
0x6: {  	_ = 	snop  }
0x7: {  	_ = 	snop  }
__scs_overlays_trampoline_lowered:
0x8: {  	[smem:$0x3FAC] =	sst s0  }
0x9: {  	[smem:$0x3FAD] =	sst s1  }
0xa: {  	[smem:$0x3FAE] =	sst s2  }
0xb: {  	[smem:$0x3FAF] =	sst s3  }
0xc: {  	[smem:$0x3FB0] =	sst s4  }
0xd: {  	[smem:$0x3FB1] =	sst s5  }
0xe: {  	[smem:$0x3FB2] =	sst s6  }
0xf: {  	[smem:$0x3FB3] =	sst s7  }
0x10: {  	[smem:$0x3FB4] =	sst s8  }
0x11: {  	[smem:$0x3FB5] =	sst s9;
	s0 =	simm.s32 @!p0 $0x0  }
0x12: {  	s1 =	sld [smem:$0x3F9B];
	s0 =	simm.s32 @p0 $0x1  }
0x13: {  	[smem:$0x3FB6] =	sst s0;
	s0 =	simm.s32 @!p1 $0x0  }
0x14: {  	s2 =	sld [smem:$0x3F9A];
	s0 =	simm.s32 @p1 $0x1  }
0x15: {  	[smem:$0x3FB7] =	sst s0;
	s0 =	simm.s32 @!p2 $0x0  }
0x16: {  	s3 =	sld [smem:$0x3FDB];
	s0 =	simm.s32 @p2 $0x1  }
0x17: {  	s4 =	simm.s32 $0x1BF5;
	[smem:$0x3FB9] =	sst s0  }
0x18: {  	s0 =	sld [smem:$0x3F9C];
	_ =	swait.ge [sflag:s4], $0x0  }
0x19: {  	s7 =	sld [smem:$0x3F9D]  }
0x1a: {  	s8 =	sadd.s32 $0xFFFFE003, lr  }
0x1b: {  	s9 =	sadd.s32 $0xFFFFFEF7, lr;
	s5 =	simm.s32 $0xFFFFFFFF;
	p2 =	slt.u32 s8, $0xFFFFF086  }
0x1c: {  	p1 =	slt.u32 s9, $0xF7A;
	s5 =	simm.s32 @!p2 $0x0  }
0x1d: {  	s5 =	simm.s32 @p1 $0x1;
	p0 =	seq.s32 s7, s2  }
0x1e: {  	s7 =	smul.u32 @!p0 $0xF7A, s2;
	p2 =	seq.s32 @!p0 s5, $0x0  }
0x1f: {  	s9 =	smul.u32 $0xF7A, s1;
	s8 =	simm.s32 @!p0 $0x1BF5;
	p2 =	por !p2, p0  }
0x20: {  	[sflag:s8] =	ssyncset.s32 @!p0 $0xFFFFF086;
	s6 =	sadd.s32 @!p0 s3, s7;
	s7 =	simm.s32 @!p0 $0x108  }
0x21: {  	s3 =	sadd.s32 s3, s9;
	s6 =	sadd.s32 @!p0 $0x88, s6;
	s7 =	simm.s32 @p2 $0x1082  }
0x22: {  	[simem:s7], [sflag:s8] =	dma.local @!p0 [hbm:s6], $0xF7A  }
0x23: {  	s9 =	sor.u32 $0xD0000000, s2;
	s6 =	simm.s32 $0x108;
	_ =	swait.ge @!p0 [sflag:s8], $0x0  }
0x24: {  	s3 =	sadd.s32 $0x88, s3;
	s6 =	simm.s32 @!p1 $0x1082;
	[sflag:s4] =	ssyncset.s32 $0xFFFFF086  }
0x25: {  	[simem:s6], [sflag:s4] =	dma.local [hbm:s3], $0xF7A  }
0x26: {  	[smem:$0x3F9D] =	sst s1;
	(tag) =	ssettag s2;
	_ =	strace s9  }
0x27: {  	s1 =	sld [smem:$0x3FAD]  }
0x28: {  	s2 =	sld [smem:$0x3FAE]  }
0x29: {  	s4 =	sld [smem:$0x3FB0]  }
0x2a: {  	p0 =	seq.s32 s5, $0x0;
	s5 =	sld [smem:$0x3FB1]  }
0x2b: {  	s6 =	sld [smem:$0x3FB2]  }
0x2c: {  	s7 =	sld [smem:$0x3FB3]  }
0x2d: {  	s3 =	simm.s32 $0x108;
	s8 =	sld [smem:$0x3FB4]  }
0x2e: {  	s3 =	simm.s32 @!p0 $0x1082;
	s9 =	sld [smem:$0x3FB5]  }
0x2f: {  	lr =	sadd.s32 s0, s3;
	s0 =	sld [smem:$0x3FAC]  }
0x30: {  	s3 =	sld [smem:$0x3FAF]  }
0x31: {  	[smem:$0x3FB8] =	sst s10  }
0x32: {  	s10 =	sld [smem:$0x3FB6];
	_ =	sdelay $0x3  }
0x33: {  	p0 =	seq.s32 s10, $0x1;
	s10 =	sld [smem:$0x3FB8];
	_ =	sdelay $0x3  }
0x34: {  	[smem:$0x3FB8] =	sst s10  }
0x35: {  	s10 =	sld [smem:$0x3FB7];
	_ =	sdelay $0x3  }
0x36: {  	p1 =	seq.s32 s10, $0x1;
	s10 =	sld [smem:$0x3FB8];
	_ =	sdelay $0x3  }
0x37: {  	[smem:$0x3FB8] =	sst s10  }
0x38: {  	s10 =	sld [smem:$0x3FB9]  }
0x39: {  	_ = 	snop;
	(pc) =	sbr.ind lr, $3  }
0x3a: {  	_ = 	snop  }
0x3b: {  	_ = 	snop  }
0x3c: {  	p2 =	seq.s32 s10, $0x1;
	s10 =	sld [smem:$0x3FB8]  }
0x3d: {  	_ =	shalt  }
0x3e: {  	_ =	shalt  }
0x3f: {  	_ =	shalt  }
0x40: {  	_ =	shalt  }
0x41: {  	_ =	shalt  }
0x42: {  	_ =	shalt  }
0x43: {  	_ =	shalt  }
0x44: {  	_ =	shalt  }
0x45: {  	_ =	shalt  }
0x46: {  	_ =	shalt  }
0x47: {  	_ =	shalt  }
0x48: {  	_ =	shalt  }
0x49: {  	_ =	shalt  }
0x4a: {  	_ =	shalt  }
0x4b: {  	_ =	shalt  }
0x4c: {  	_ =	shalt  }
0x4d: {  	_ =	shalt  }
0x4e: {  	_ =	shalt  }
0x4f: {  	_ =	shalt  }
0x50: {  	_ =	shalt  }
0x51: {  	_ =	shalt  }
0x52: {  	_ =	shalt  }
0x53: {  	_ =	shalt  }
0x54: {  	_ =	shalt  }
0x55: {  	_ =	shalt  }
0x56: {  	_ =	shalt  }
0x57: {  	_ =	shalt  }
0x58: {  	_ =	shalt  }
0x59: {  	_ =	shalt  }
0x5a: {  	_ =	shalt  }
0x5b: {  	_ =	shalt  }
0x5c: {  	_ =	shalt  }
0x5d: {  	_ =	shalt  }
0x5e: {  	_ =	shalt  }
0x5f: {  	_ =	shalt  }
0x60: {  	_ =	shalt  }
0x61: {  	_ =	shalt  }
0x62: {  	_ =	shalt  }
0x63: {  	_ =	shalt  }
0x64: {  	_ =	shalt  }
0x65: {  	_ =	shalt  }
0x66: {  	_ =	shalt  }
0x67: {  	_ =	shalt  }
0x68: {  	_ =	shalt  }
0x69: {  	_ =	shalt  }
0x6a: {  	_ =	shalt  }
0x6b: {  	_ =	shalt  }
0x6c: {  	_ =	shalt  }
0x6d: {  	_ =	shalt  }
0x6e: {  	_ =	shalt  }
0x6f: {  	_ =	shalt  }
0x70: {  	_ =	shalt  }
0x71: {  	_ =	shalt  }
0x72: {  	_ =	shalt  }
0x73: {  	_ =	shalt  }
0x74: {  	_ =	shalt  }
0x75: {  	_ =	shalt  }
0x76: {  	_ =	shalt  }
0x77: {  	_ =	shalt  }
0x78: {  	_ =	shalt  }
0x79: {  	_ =	shalt  }
0x7a: {  	_ =	shalt  }
0x7b: {  	_ =	shalt  }
0x7c: {  	_ =	shalt  }
0x7d: {  	_ =	shalt  }
0x7e: {  	_ =	shalt  }
0x7f: {  	_ =	shalt  }
0x80: {  	_ =	shalt  }
0x81: {  	_ =	shalt  }
0x82: {  	_ =	shalt  }
0x83: {  	_ =	shalt  }
0x84: {  	_ =	shalt  }
0x85: {  	_ =	shalt  }
0x86: {  	_ =	shalt  }
0x87: {  	_ =	shalt  }
.Lfunc_end0:
.L_simem_size_0:
called_computation_lowered:
.L_overlay_start_0:
0x88: {  	s2 =	sld [smem:$0x3FD9]  }
0x89: {  	s3 =	sld [smem:$0x3FFE];
	_ =	sdelay $0x1  }
0x8a: {  	s1 =	srdreg.scid  }
0x8b: {  	s0 =	sand.u32 $0x1, s1  }
0x8c: {  	s17 =	sshll.u32 s0, $0xA;
	s2 =	sadd.s32 s3, s2  }
0x8d: {  	s2 =	sadd.s32 s2, s17  }
0x8e: {  	[smem:$0x3FC4] =	sst s2  }
0x8f: {  	_ = 	snop  }
0x90: {  	s2 =	sld [smem:$0x3FC9]  }
0x91: {  	s18 =	sld [smem:$0x3FD0];
	(tm) =	ssettm $0x1  }
0x92: {  	s4 =	sld [smem:$0x3FFB];
	_ =	sdelay $0x3  }
0x93: {  	_ =	strace s4  }
0x94: {  	s4 =	sld [smem:$0x3FFC];
	_ =	sdelay $0x3  }
0x95: {  	_ =	strace s4  }
0x96: {  	s4 =	sld [smem:$0x3FFD];
	_ =	sdelay $0x3  }
0x97: {  	_ =	strace s4  }
0x98: {  	_ =	strace $0x8FFFFFFF  }
0x99: {  	s19 =	sld [smem:$0x3FDB];
	_ =	sdelay $0x1  }
0x9a: {  	s5 =	simm.s32 $_scs_section_size  }
0x9b: {  	s6 =	simm.s32 $_size__tile_overlayer_lowered;
	s7 =	simm.s32 $_tile_overlayer_lowered  }
0x9c: {  	s22 =	simm.s32 $0x1BFF;
	s21 =	sshll.u32 s7, $0x1;
	s4 =	sadd.s32 s5, s19  }
0x9d: {  	s8 =	simm.s32 $0x0;
	s20 =	sshll.u32 s6, $0x1;
	s6 =	sadd.s32 s21, s4  }
0x9e: {  	[timem:s8], [sflag:s22] =	dma.local [hbm:s6], s20  }
0x9f: {  	_ =	swait.ge [sflag:s22], s20  }
0xa0: {  	s5 =	ssub.s32 $0x0, s20;
	[sflag:s22] =	ssyncset.done $0x0  }
0xa1: {  	[sflag:s22] =	ssyncadd.s32 s5;
	_ =	sdelay $0x1  }
0xa2: {  	s23 =	simm.s32 $0x1B8B  }
0xa3: {  	_ =	swait.ge [sflag:s23], $0x1  }
0xa4: {  	[sflag:s23] =	ssyncset.done $0x0  }
0xa5: {  	s25 =	simm.s32 $0x1B8E;
	s24 =	sld [smem:$0x3FFE];
	[sflag:s23] =	ssyncadd.s32 $0xFFFFFFFF  }
0xa6: {  	s26 =	simm.s32 $execute0_lowered;
	[smem:$0x3FD2] =	sst s25  }
0xa7: {  	s6 =	sshll.u32 s26, $0x1;
	_ =	strace $0x80000046;
	[dreg:$0x1] =	wrdreg $0xFFFFFFFF  }
0xa8: {  	s28 =	simm.s32 $_size_execute0_lowered;
	s4 =	sadd.s32 s4, s6;
	[dreg:$0x0] =	wrdreg $0x0  }
0xa9: {  	s6 =	sshll.u32 s28, $0x1;
	[dreg:$0x2] =	wrdreg s4  }
0xaa: {  	[dreg:$0x3] =	wrdreg s6  }
0xab: {  	[dreg:$0x4] =	wrdreg $0xC0  }
0xac: {  	_ =	task [dreg:s8], $0x5FFFF  }
0xad: {  	[dreg:$0x1] =	wrdreg $0xFFFFFFFF  }
0xae: {  	[dreg:$0x0] =	wrdreg $0x60  }
0xaf: {  	[dreg:$0x2] =	wrdreg s2  }
0xb0: {  	[dreg:$0x3] =	wrdreg s18  }
0xb1: {  	[dreg:$0x4] =	wrdreg s24  }
0xb2: {  	[dreg:$0x5] =	wrdreg $0xB8000  }
0xb3: {  	[dreg:$0x6] =	wrdreg $0x9  }
0xb4: {  	_ =	task.clear_ibuf [dreg:s8], $0x7FFFF;
	_ =	strace $0x90000046  }
0xb5: {  	s29 =	simm.s32 $0x9;
	_ =	strace $0x80000048  }
0xb6: {  	_ =	swait.ge [sflag:s29], $0x1  }
0xb7: {  	[sflag:s29] =	ssyncadd.s32 $0xFFFFFFFF  }
0xb8: {  	_ =	strace $0x90000048  }
0xb9: {  	_ =	sfence  }
0xba: {  	s30 =	sld [smem:$0x0];
	_ =	sdelay $0x2  }
0xbb: {  	s31 =	sshll.u32 s1, $0xD;
	s1 =	sshrl.u32 s1, $0x2  }
0xbc: {  	s3 =	sand.u32 $0x4000, s31;
	s1 =	sadd.s32 s1, s30  }
0xbd: {  	s0 =	sor.u32 s3, s0;
	s1 =	sshll.u32 s1, $0x11  }
0xbe: {  	s0 =	sor.u32 s1, s0  }
0xbf: {  	s0 =	sadd.s32 $0x8F2B, s0  }
0xc0: {  	[sflag:s0] =	ssyncadd.remote.s32 $0x1  }
0xc1: {  	_ =	sfence.sel $0xFFFF  }
0xc2: {  	[dreg:$0x0] =	wrdreg $0xFFFFFFFF;
	(pc) =	sbr.abs _section_cstart, $3  }
0xc3: {  	[dreg:$0x1] =	wrdreg $0xFFFFFFFF  }
0xc4: {  	_ =	task.clear_ibuf [dreg:s8], $0x2FFFF;
	_ =	strace $0x9FFFFFFF  }
0xc5: {  	(tm) =	ssettm $0x7FFFFFFF  }
tec
execute0_lowered:
.L_overlay_start_1:
0x0: {  	(tag) =	ssettag $0x1  }
0x1: {  	s1 =	rddreg [dreg:$0x0]  }
0x2: {  	s0 =	rddreg [dreg:$0x1]  }
0x3: {  	s2 =	rddreg [dreg:$0x2];
	s4 =	srdreg.scid  }
0x4: {  	s3 =	rddreg [dreg:$0x3];
	s11 =	stileid.u32  }
0x5: {  	s28 =	simm.s32 $0x3180;
	s29 =	simm.s32 $0x2300;
	s30 =	simm.s32 $0x3200  }
0x6: {  	s31 =	simm.s32 $0x2380;
	s5 =	sand.u32 $0x1, s4;
	s8 =	smul.u32 $0x13C00, s11  }
0x7: {  	s4 =	simm.s32 $0x0;
	s9 =	sadd.s32 $0x200, s2;
	s19 =	smul.u32 $0x4F000, s11  }
0x8: {  	s10 =	sadd.s32 $0x14200, s2;
	s6 =	sshll.u32 s5, $0x4;
	s7 =	smul.u32 $0x13C000, s5  }
0x9: {  	[smem:$0x7FF] =	sst s4;
	s5 =	ssub.s32 $0x2, s5;
	s6 =	sor.u32 s11, s6  }
0xa: {  	_ =	strace $0x80000047;
	[dreg:$0x5] =	wrdreg s10;
	s20 =	sshrl.u32 s5, $0x1  }
0xb: {  	s22 =	sshrl.u32 s19, $0x2;
	s11 =	simm.s32 $0x6800;
	s6 =	smul.u32 $0x5000, s6  }
0xc: {  	s19 =	simm.s32 $0x2;
	s10 =	simm.s32 $0x2180;
	s7 =	sadd.s32 s8, s7  }
0xd: {  	s8 =	simm.s32 $0x50;
	s7 =	sshrl.u32 s7, $0x3;
	s6 =	sshrl.u32 s6, $0x3  }
0xe: {  	s2 =	sadd.s32 s7, s2;
	s23 =	sadd.s32 s0, s6;
	s24 =	sadd.s32 s9, s6  }
0xf: {  	s25 =	sadd.s32 $0x200, s6;
	s13 =	sadd.s32 $0x400, s6;
	[dreg:$0x6] =	wrdreg s23  }
0x10: {  	s16 =	sadd.s32 $0x600, s6;
	[dreg:$0x7] =	wrdreg s24;
	s26 =	sadd.s32 s0, s25  }
0x11: {  	s6 =	sadd.s32 $0x800, s6;
	s12 =	sadd.s32 s9, s25;
	[dreg:$0x8] =	wrdreg s26  }
0x12: {  	s14 =	sadd.s32 s0, s13;
	s15 =	sadd.s32 s9, s13;
	[dreg:$0x9] =	wrdreg s12  }
0x13: {  	s17 =	sadd.s32 s0, s16;
	s18 =	sadd.s32 s9, s16;
	[dreg:$0xa] =	wrdreg s14  }
0x14: {  	s0 =	sadd.s32 s0, s6;
	s21 =	sadd.s32 s9, s6;
	[dreg:$0xb] =	wrdreg s15  }
0x15: {  	s23 =	sadd.s32 $0x16A00, s2;
	s24 =	ssub.s32 s5, s20;
	[dreg:$0xc] =	wrdreg s17  }
0x16: {  	s25 =	sadd.s32 s22, s3;
	s6 =	simm.s32 $0x6;
	[dreg:$0xd] =	wrdreg s18  }
0x17: {  	s9 =	simm.s32 $0x4000;
	s16 =	simm.s32 $0x9000;
	[dreg:$0xe] =	wrdreg s0  }
0x18: {  	s22 =	simm.s32 $0x3;
	s20 =	simm.s32 $0x5;
	[dreg:$0xf] =	wrdreg s21  }
0x19: {  	s13 =	simm.s32 $0x2000;
	[dreg:$0x10] =	wrdreg s23;
	s5 =	smax.u32 s24, $0x1  }
0x1a: {  	s26 =	sshrl.u32 s25, $0x3;
	s17 =	simm.s32 $0x1;
	s21 =	simm.s32 $0x4  }
0x1b: {  	s14 =	simm.s32 $0x3000;
	s12 =	simm.s32 $0x3080;
	s15 =	simm.s32 $0x2200  }
0x1c: {  	s18 =	simm.s32 $0x3100;
	[dreg:$0x11] =	wrdreg s26;
	s26 =	simm.s32 $0x2280  }
.LBB2_1:
0x1d: {  	s23 =	rddreg [dreg:$0x6]  }
0x1e: {  	[tilespmem:s4], [sflag:$0x6] =	stream.linear.gather [hbm4b:s23+s4], $0xC80, $0x38;
	[tilespmem:$0x1F400] =	vst v63  }
0x1f: {  	_ =	swait.ge [sflag:s6], $0xC80  }
0x20: {  	s0 =	simm.s32 $0x1000;
	s7 =	stileid.u32;
	[sflag:s6] =	ssyncset.done $0x0  }
0x21: {  	s23 =	sshll.u32 s7, $0x6;
	s24 =	rddreg [dreg:$0x7];
	[sflag:s6] =	ssyncadd.s32 $0xFFFFF380  }
0x22: {  	[tilespmem:s0], [sflag:$0x6] =	stream.linear.gather [hbm4b:s24+s4], $0xC80, $0x38;
	[tilespmem:$0x1F400] =	vst v63  }
0x23: {  	s23 =	sor.u32 $0x1C06, s23;
	_ =	swait.ge [sflag:s6], $0xC80  }
0x24: {  	[dreg:$0x12] =	wrdreg s23;
	[sflag:s6] =	ssyncset.done $0x0  }
0x25: {  	s25 =	rddreg [dreg:$0x8];
	[sflag:s6] =	ssyncadd.s32 $0xFFFFF380  }
0x26: {  	[tilespmem:s9], [sflag:$0x1] =	stream.indirect.gather [hbm4b:s1+s8], $0x80, s4, s8, $0xb8;
	[tilespmem:$0x1F400] =	vst v63  }
0x27: {  	s2 =	simm.s32 $0x80;
	s24 =	rddreg [dreg:$0x9]  }
0x28: {  	[tilespmem:s11], [sflag:$0x2] =	stream.indirect.gather [hbm4b:s1+s8], $0x80, s2, s8, $0xb8;
	[tilespmem:$0x1F400] =	vst v63  }
0x29: {  	s7 =	rddreg [dreg:$0x11]  }
0x2a: {  	[tilespmem:s13], [sflag:$0x5] =	stream.linear.gather [hbm4b:s25+s4], $0xC80, $0x38;
	[tilespmem:$0x1F400] =	vst v63  }
0x2b: {  	s2 =	rddreg [dreg:$0x5]  }
0x2c: {  	[tilespmem:s14], [sflag:$0x5] =	stream.linear.gather [hbm4b:s24+s4], $0xC80, $0x38;
	[tilespmem:$0x1F400] =	vst v63  }
0x2d: {  	[spmem:s7], [sflag:s23] =	dma.local [hbm:s2], $0x2780  }
0x2e: {  	_ =	swait.ge [sflag:s6], $0x2780  }
0x2f: {  	[sflag:s6] =	ssyncset.done $0x0  }
0x30: {  	[sflag:s6] =	ssyncadd.s32 $0xFFFFD880  }
0x31: {  	s24 =	simm.s32 $0x100;
	[bflag:$0x0] =	sbarrier.arrive $0xFFFF  }
0x32: {  	[tilespmem:s16], [sflag:$0x3] =	stream.indirect.gather [hbm4b:s1+s8], $0x80, s24, s8, $0xb8;
	[tilespmem:$0x1F400] =	vst v63  }
0x33: {  	_ =	swait.ge [sflag:s17], $0x2800  }
0x34: {  	[sflag:s17] =	ssyncset.done $0x0  }
0x35: {  	[sflag:s17] =	ssyncadd.s32 $0xFFFFD800  }
0x36: {  	[spmem:s3] =	stream.indirect.scatter.add.f32 [tilespmem:s9], [sflag:$0x6], $0x80, s0, s8, $0xb8;
	[tilespmem:$0x1F400] =	vst v63  }
0x37: {  	_ =	swait.ge [sflag:s6], $0x2800  }
0x38: {  	[sflag:s6] =	ssyncset.done $0x0  }
0x39: {  	s25 =	simm.s32 $0x180;
	[sflag:s6] =	ssyncadd.s32 $0xFFFFD800  }
0x3a: {  	[tilespmem:s9], [sflag:$0x1] =	stream.indirect.gather [hbm4b:s1+s8], $0x80, s25, s8, $0xb8;
	[tilespmem:$0x1F400] =	vst v63  }
0x3b: {  	_ =	swait.ge [sflag:s19], $0x2800  }
0x3c: {  	[sflag:s19] =	ssyncset.done $0x0  }
0x3d: {  	s7 =	simm.s32 $0x1080;
	[sflag:s19] =	ssyncadd.s32 $0xFFFFD800  }
0x3e: {  	[spmem:s3] =	stream.indirect.scatter.add.f32 [tilespmem:s11], [sflag:$0x6], $0x80, s7, s8, $0xb8;
	[tilespmem:$0x1F400] =	vst v63  }
0x3f: {  	_ =	swait.ge [sflag:s6], $0x2800  }
0x40: {  	[sflag:s6] =	ssyncset.done $0x0  }
0x41: {  	s23 =	simm.s32 $0x200;
	[sflag:s6] =	ssyncadd.s32 $0xFFFFD800  }
0x42: {  	[tilespmem:s11], [sflag:$0x2] =	stream.indirect.gather [hbm4b:s1+s8], $0x80, s23, s8, $0xb8;
	[tilespmem:$0x1F400] =	vst v63  }
0x43: {  	_ =	swait.ge [sflag:s22], $0x2800  }
0x44: {  	[sflag:s22] =	ssyncset.done $0x0  }
0x45: {  	s24 =	simm.s32 $0x1100;
	[sflag:s22] =	ssyncadd.s32 $0xFFFFD800  }
0x46: {  	[spmem:s3] =	stream.indirect.scatter.add.f32 [tilespmem:s16], [sflag:$0x6], $0x80, s24, s8, $0xb8;
	[tilespmem:$0x1F400] =	vst v63  }
0x47: {  	_ =	swait.ge [sflag:s6], $0x2800  }
0x48: {  	[sflag:s6] =	ssyncset.done $0x0  }
0x49: {  	s25 =	simm.s32 $0x280;
	[sflag:s6] =	ssyncadd.s32 $0xFFFFD800  }
0x4a: {  	[tilespmem:s16], [sflag:$0x3] =	stream.indirect.gather [hbm4b:s1+s8], $0x80, s25, s8, $0xb8;
	[tilespmem:$0x1F400] =	vst v63  }
0x4b: {  	_ =	swait.ge [sflag:s17], $0x2800  }
0x4c: {  	[sflag:s17] =	ssyncset.done $0x0  }
0x4d: {  	s7 =	simm.s32 $0x1180;
	[sflag:s17] =	ssyncadd.s32 $0xFFFFD800  }
0x4e: {  	[spmem:s3] =	stream.indirect.scatter.add.f32 [tilespmem:s9], [sflag:$0x6], $0x80, s7, s8, $0xb8;
	[tilespmem:$0x1F400] =	vst v63  }
0x4f: {  	_ =	swait.ge [sflag:s6], $0x2800  }
0x50: {  	[sflag:s6] =	ssyncset.done $0x0  }
0x51: {  	s23 =	simm.s32 $0x300;
	[sflag:s6] =	ssyncadd.s32 $0xFFFFD800  }
0x52: {  	[tilespmem:s9], [sflag:$0x1] =	stream.indirect.gather [hbm4b:s1+s8], $0x80, s23, s8, $0xb8;
	[tilespmem:$0x1F400] =	vst v63  }
0x53: {  	_ =	swait.ge [sflag:s19], $0x2800  }
0x54: {  	[sflag:s19] =	ssyncset.done $0x0  }
0x55: {  	s24 =	simm.s32 $0x1200;
	[sflag:s19] =	ssyncadd.s32 $0xFFFFD800  }
0x56: {  	[spmem:s3] =	stream.indirect.scatter.add.f32 [tilespmem:s11], [sflag:$0x6], $0x80, s24, s8, $0xb8;
	[tilespmem:$0x1F400] =	vst v63  }
0x57: {  	_ =	swait.ge [sflag:s6], $0x2800  }
0x58: {  	[sflag:s6] =	ssyncset.done $0x0  }
0x59: {  	s25 =	simm.s32 $0x380;
	[sflag:s6] =	ssyncadd.s32 $0xFFFFD800  }
0x5a: {  	[tilespmem:s11], [sflag:$0x2] =	stream.indirect.gather [hbm4b:s1+s8], $0x80, s25, s8, $0xb8;
	[tilespmem:$0x1F400] =	vst v63  }
0x5b: {  	_ =	swait.ge [sflag:s22], $0x2800  }
0x5c: {  	[sflag:s22] =	ssyncset.done $0x0  }
0x5d: {  	s7 =	simm.s32 $0x1280;
	[sflag:s22] =	ssyncadd.s32 $0xFFFFD800  }
0x5e: {  	[spmem:s3] =	stream.indirect.scatter.add.f32 [tilespmem:s16], [sflag:$0x6], $0x80, s7, s8, $0xb8;
	[tilespmem:$0x1F400] =	vst v63  }
0x5f: {  	_ =	swait.ge [sflag:s6], $0x2800  }
0x60: {  	[sflag:s6] =	ssyncset.done $0x0  }
0x61: {  	s23 =	simm.s32 $0x400;
	[sflag:s6] =	ssyncadd.s32 $0xFFFFD800  }
0x62: {  	[tilespmem:s16], [sflag:$0x3] =	stream.indirect.gather [hbm4b:s1+s8], $0x80, s23, s8, $0xb8;
	[tilespmem:$0x1F400] =	vst v63  }
0x63: {  	_ =	swait.ge [sflag:s17], $0x2800  }
0x64: {  	[sflag:s17] =	ssyncset.done $0x0  }
0x65: {  	s24 =	simm.s32 $0x1300;
	[sflag:s17] =	ssyncadd.s32 $0xFFFFD800  }
0x66: {  	[spmem:s3] =	stream.indirect.scatter.add.f32 [tilespmem:s9], [sflag:$0x6], $0x80, s24, s8, $0xb8;
	[tilespmem:$0x1F400] =	vst v63  }
0x67: {  	_ =	swait.ge [sflag:s6], $0x2800  }
0x68: {  	[sflag:s6] =	ssyncset.done $0x0  }
0x69: {  	s25 =	simm.s32 $0x480;
	[sflag:s6] =	ssyncadd.s32 $0xFFFFD800  }
0x6a: {  	[tilespmem:s9], [sflag:$0x1] =	stream.indirect.gather [hbm4b:s1+s8], $0x80, s25, s8, $0xb8;
	[tilespmem:$0x1F400] =	vst v63  }
0x6b: {  	_ =	swait.ge [sflag:s19], $0x2800  }
0x6c: {  	[sflag:s19] =	ssyncset.done $0x0  }
0x6d: {  	s7 =	simm.s32 $0x1380;
	[sflag:s19] =	ssyncadd.s32 $0xFFFFD800  }
0x6e: {  	[spmem:s3] =	stream.indirect.scatter.add.f32 [tilespmem:s11], [sflag:$0x6], $0x80, s7, s8, $0xb8;
	[tilespmem:$0x1F400] =	vst v63  }
0x6f: {  	_ =	swait.ge [sflag:s6], $0x2800  }
0x70: {  	[sflag:s6] =	ssyncset.done $0x0  }
0x71: {  	s23 =	simm.s32 $0x500;
	[sflag:s6] =	ssyncadd.s32 $0xFFFFD800  }
0x72: {  	[tilespmem:s11], [sflag:$0x2] =	stream.indirect.gather [hbm4b:s1+s8], $0x80, s23, s8, $0xb8;
	[tilespmem:$0x1F400] =	vst v63  }
0x73: {  	_ =	swait.ge [sflag:s22], $0x2800  }
0x74: {  	[sflag:s22] =	ssyncset.done $0x0  }
0x75: {  	s24 =	simm.s32 $0x1400;
	[sflag:s22] =	ssyncadd.s32 $0xFFFFD800  }
0x76: {  	[spmem:s3] =	stream.indirect.scatter.add.f32 [tilespmem:s16], [sflag:$0x6], $0x80, s24, s8, $0xb8;
	[tilespmem:$0x1F400] =	vst v63  }
0x77: {  	_ =	swait.ge [sflag:s6], $0x2800  }
0x78: {  	[sflag:s6] =	ssyncset.done $0x0  }
0x79: {  	s25 =	simm.s32 $0x580;
	[sflag:s6] =	ssyncadd.s32 $0xFFFFD800  }
0x7a: {  	[tilespmem:s16], [sflag:$0x3] =	stream.indirect.gather [hbm4b:s1+s8], $0x80, s25, s8, $0xb8;
	[tilespmem:$0x1F400] =	vst v63  }
0x7b: {  	_ =	swait.ge [sflag:s17], $0x2800  }
0x7c: {  	[sflag:s17] =	ssyncset.done $0x0  }
0x7d: {  	s7 =	simm.s32 $0x1480;
	[sflag:s17] =	ssyncadd.s32 $0xFFFFD800  }
0x7e: {  	[spmem:s3] =	stream.indirect.scatter.add.f32 [tilespmem:s9], [sflag:$0x6], $0x80, s7, s8, $0xb8;
	[tilespmem:$0x1F400] =	vst v63  }
0x7f: {  	_ =	swait.ge [sflag:s6], $0x2800  }
0x80: {  	[sflag:s6] =	ssyncset.done $0x0  }
0x81: {  	s23 =	simm.s32 $0x600;
	[sflag:s6] =	ssyncadd.s32 $0xFFFFD800  }
0x82: {  	[tilespmem:s9], [sflag:$0x1] =	stream.indirect.gather [hbm4b:s1+s8], $0x80, s23, s8, $0xb8;
	[tilespmem:$0x1F400] =	vst v63  }
0x83: {  	_ =	swait.ge [sflag:s19], $0x2800  }
0x84: {  	[sflag:s19] =	ssyncset.done $0x0  }
0x85: {  	s24 =	simm.s32 $0x1500;
	[sflag:s19] =	ssyncadd.s32 $0xFFFFD800  }
0x86: {  	[spmem:s3] =	stream.indirect.scatter.add.f32 [tilespmem:s11], [sflag:$0x6], $0x80, s24, s8, $0xb8;
	[tilespmem:$0x1F400] =	vst v63  }
0x87: {  	_ =	swait.ge [sflag:s6], $0x2800  }
0x88: {  	[sflag:s6] =	ssyncset.done $0x0  }
0x89: {  	s25 =	simm.s32 $0x680;
	[sflag:s6] =	ssyncadd.s32 $0xFFFFD800  }
0x8a: {  	[tilespmem:s11], [sflag:$0x2] =	stream.indirect.gather [hbm4b:s1+s8], $0x80, s25, s8, $0xb8;
	[tilespmem:$0x1F400] =	vst v63  }
0x8b: {  	_ =	swait.ge [sflag:s22], $0x2800  }
0x8c: {  	[sflag:s22] =	ssyncset.done $0x0  }
0x8d: {  	s7 =	simm.s32 $0x1580;
	[sflag:s22] =	ssyncadd.s32 $0xFFFFD800  }
0x8e: {  	[spmem:s3] =	stream.indirect.scatter.add.f32 [tilespmem:s16], [sflag:$0x6], $0x80, s7, s8, $0xb8;
	[tilespmem:$0x1F400] =	vst v63  }
0x8f: {  	_ =	swait.ge [sflag:s6], $0x2800  }
0x90: {  	[sflag:s6] =	ssyncset.done $0x0  }
0x91: {  	s23 =	simm.s32 $0x700;
	[sflag:s6] =	ssyncadd.s32 $0xFFFFD800  }
0x92: {  	[tilespmem:s16], [sflag:$0x3] =	stream.indirect.gather [hbm4b:s1+s8], $0x80, s23, s8, $0xb8;
	[tilespmem:$0x1F400] =	vst v63  }
0x93: {  	_ =	swait.ge [sflag:s17], $0x2800  }
0x94: {  	[sflag:s17] =	ssyncset.done $0x0  }
0x95: {  	s24 =	simm.s32 $0x1600;
	[sflag:s17] =	ssyncadd.s32 $0xFFFFD800  }
0x96: {  	[spmem:s3] =	stream.indirect.scatter.add.f32 [tilespmem:s9], [sflag:$0x6], $0x80, s24, s8, $0xb8;
	[tilespmem:$0x1F400] =	vst v63  }
0x97: {  	_ =	swait.ge [sflag:s6], $0x2800  }
0x98: {  	[sflag:s6] =	ssyncset.done $0x0  }
0x99: {  	s25 =	simm.s32 $0x780;
	[sflag:s6] =	ssyncadd.s32 $0xFFFFD800  }
0x9a: {  	[tilespmem:s9], [sflag:$0x1] =	stream.indirect.gather [hbm4b:s1+s8], $0x80, s25, s8, $0xb8;
	[tilespmem:$0x1F400] =	vst v63  }
0x9b: {  	_ =	swait.ge [sflag:s19], $0x2800  }
0x9c: {  	[sflag:s19] =	ssyncset.done $0x0  }
0x9d: {  	s7 =	simm.s32 $0x1680;
	[sflag:s19] =	ssyncadd.s32 $0xFFFFD800  }
0x9e: {  	[spmem:s3] =	stream.indirect.scatter.add.f32 [tilespmem:s11], [sflag:$0x6], $0x80, s7, s8, $0xb8;
	[tilespmem:$0x1F400] =	vst v63  }
0x9f: {  	_ =	swait.ge [sflag:s6], $0x2800  }
0xa0: {  	[sflag:s6] =	ssyncset.done $0x0  }
0xa1: {  	s23 =	simm.s32 $0x800;
	[sflag:s6] =	ssyncadd.s32 $0xFFFFD800  }
0xa2: {  	[tilespmem:s11], [sflag:$0x2] =	stream.indirect.gather [hbm4b:s1+s8], $0x80, s23, s8, $0xb8;
	[tilespmem:$0x1F400] =	vst v63  }
0xa3: {  	_ =	swait.ge [sflag:s22], $0x2800  }
0xa4: {  	[sflag:s22] =	ssyncset.done $0x0  }
0xa5: {  	s24 =	simm.s32 $0x1700;
	[sflag:s22] =	ssyncadd.s32 $0xFFFFD800  }
0xa6: {  	[spmem:s3] =	stream.indirect.scatter.add.f32 [tilespmem:s16], [sflag:$0x6], $0x80, s24, s8, $0xb8;
	[tilespmem:$0x1F400] =	vst v63  }
0xa7: {  	_ =	swait.ge [sflag:s6], $0x2800  }
0xa8: {  	[sflag:s6] =	ssyncset.done $0x0  }
0xa9: {  	s25 =	simm.s32 $0x880;
	[sflag:s6] =	ssyncadd.s32 $0xFFFFD800  }
0xaa: {  	[tilespmem:s16], [sflag:$0x3] =	stream.indirect.gather [hbm4b:s1+s8], $0x80, s25, s8, $0xb8;
	[tilespmem:$0x1F400] =	vst v63  }
0xab: {  	_ =	swait.ge [sflag:s17], $0x2800  }
0xac: {  	[sflag:s17] =	ssyncset.done $0x0  }
0xad: {  	s7 =	simm.s32 $0x1780;
	[sflag:s17] =	ssyncadd.s32 $0xFFFFD800  }
0xae: {  	[spmem:s3] =	stream.indirect.scatter.add.f32 [tilespmem:s9], [sflag:$0x6], $0x80, s7, s8, $0xb8;
	[tilespmem:$0x1F400] =	vst v63  }
0xaf: {  	_ =	swait.ge [sflag:s6], $0x2800  }
0xb0: {  	[sflag:s6] =	ssyncset.done $0x0  }
0xb1: {  	s23 =	simm.s32 $0x900;
	[sflag:s6] =	ssyncadd.s32 $0xFFFFD800  }
0xb2: {  	[tilespmem:s9], [sflag:$0x1] =	stream.indirect.gather [hbm4b:s1+s8], $0x80, s23, s8, $0xb8;
	[tilespmem:$0x1F400] =	vst v63  }
0xb3: {  	_ =	swait.ge [sflag:s19], $0x2800  }
0xb4: {  	[sflag:s19] =	ssyncset.done $0x0  }
0xb5: {  	s24 =	simm.s32 $0x1800;
	[sflag:s19] =	ssyncadd.s32 $0xFFFFD800  }
0xb6: {  	[spmem:s3] =	stream.indirect.scatter.add.f32 [tilespmem:s11], [sflag:$0x6], $0x80, s24, s8, $0xb8;
	[tilespmem:$0x1F400] =	vst v63  }
0xb7: {  	_ =	swait.ge [sflag:s6], $0x2800  }
0xb8: {  	[sflag:s6] =	ssyncset.done $0x0  }
0xb9: {  	s25 =	simm.s32 $0x980;
	[sflag:s6] =	ssyncadd.s32 $0xFFFFD800  }
0xba: {  	[tilespmem:s11], [sflag:$0x2] =	stream.indirect.gather [hbm4b:s1+s8], $0x80, s25, s8, $0xb8;
	[tilespmem:$0x1F400] =	vst v63  }
0xbb: {  	_ =	swait.ge [sflag:s22], $0x2800  }
0xbc: {  	[sflag:s22] =	ssyncset.done $0x0  }
0xbd: {  	s7 =	simm.s32 $0x1880;
	[sflag:s22] =	ssyncadd.s32 $0xFFFFD800  }
0xbe: {  	[spmem:s3] =	stream.indirect.scatter.add.f32 [tilespmem:s16], [sflag:$0x6], $0x80, s7, s8, $0xb8;
	[tilespmem:$0x1F400] =	vst v63  }
0xbf: {  	_ =	swait.ge [sflag:s6], $0x2800  }
0xc0: {  	[sflag:s6] =	ssyncset.done $0x0  }
0xc1: {  	s23 =	simm.s32 $0xA00;
	[sflag:s6] =	ssyncadd.s32 $0xFFFFD800  }
0xc2: {  	[tilespmem:s16], [sflag:$0x3] =	stream.indirect.gather [hbm4b:s1+s8], $0x80, s23, s8, $0xb8;
	[tilespmem:$0x1F400] =	vst v63  }
0xc3: {  	_ =	swait.ge [sflag:s17], $0x2800  }
0xc4: {  	[sflag:s17] =	ssyncset.done $0x0  }
0xc5: {  	s24 =	simm.s32 $0x1900;
	[sflag:s17] =	ssyncadd.s32 $0xFFFFD800  }
0xc6: {  	[spmem:s3] =	stream.indirect.scatter.add.f32 [tilespmem:s9], [sflag:$0x6], $0x80, s24, s8, $0xb8;
	[tilespmem:$0x1F400] =	vst v63  }
0xc7: {  	_ =	swait.ge [sflag:s6], $0x2800  }
0xc8: {  	[sflag:s6] =	ssyncset.done $0x0  }
0xc9: {  	s25 =	simm.s32 $0xA80;
	[sflag:s6] =	ssyncadd.s32 $0xFFFFD800  }
0xca: {  	[tilespmem:s9], [sflag:$0x1] =	stream.indirect.gather [hbm4b:s1+s8], $0x80, s25, s8, $0xb8;
	[tilespmem:$0x1F400] =	vst v63  }
0xcb: {  	_ =	swait.ge [sflag:s19], $0x2800  }
0xcc: {  	[sflag:s19] =	ssyncset.done $0x0  }
0xcd: {  	s7 =	simm.s32 $0x1980;
	[sflag:s19] =	ssyncadd.s32 $0xFFFFD800  }
0xce: {  	[spmem:s3] =	stream.indirect.scatter.add.f32 [tilespmem:s11], [sflag:$0x6], $0x80, s7, s8, $0xb8;
	[tilespmem:$0x1F400] =	vst v63  }
0xcf: {  	_ =	swait.ge [sflag:s6], $0x2800  }
0xd0: {  	[sflag:s6] =	ssyncset.done $0x0  }
0xd1: {  	s23 =	simm.s32 $0xB00;
	[sflag:s6] =	ssyncadd.s32 $0xFFFFD800  }
0xd2: {  	[tilespmem:s11], [sflag:$0x2] =	stream.indirect.gather [hbm4b:s1+s8], $0x80, s23, s8, $0xb8;
	[tilespmem:$0x1F400] =	vst v63  }
0xd3: {  	_ =	swait.ge [sflag:s22], $0x2800  }
0xd4: {  	[sflag:s22] =	ssyncset.done $0x0  }
0xd5: {  	s24 =	simm.s32 $0x1A00;
	[sflag:s22] =	ssyncadd.s32 $0xFFFFD800  }
0xd6: {  	[spmem:s3] =	stream.indirect.scatter.add.f32 [tilespmem:s16], [sflag:$0x6], $0x80, s24, s8, $0xb8;
	[tilespmem:$0x1F400] =	vst v63  }
0xd7: {  	_ =	swait.ge [sflag:s6], $0x2800  }
0xd8: {  	[sflag:s6] =	ssyncset.done $0x0  }
0xd9: {  	s25 =	simm.s32 $0xB80;
	[sflag:s6] =	ssyncadd.s32 $0xFFFFD800  }
0xda: {  	[tilespmem:s16], [sflag:$0x3] =	stream.indirect.gather [hbm4b:s1+s8], $0x80, s25, s8, $0xb8;
	[tilespmem:$0x1F400] =	vst v63  }
0xdb: {  	_ =	swait.ge [sflag:s17], $0x2800  }
0xdc: {  	[sflag:s17] =	ssyncset.done $0x0  }
0xdd: {  	s7 =	simm.s32 $0x1A80;
	[sflag:s17] =	ssyncadd.s32 $0xFFFFD800  }
0xde: {  	[spmem:s3] =	stream.indirect.scatter.add.f32 [tilespmem:s9], [sflag:$0x6], $0x80, s7, s8, $0xb8;
	[tilespmem:$0x1F400] =	vst v63  }
0xdf: {  	_ =	swait.ge [sflag:s6], $0x2800  }
0xe0: {  	[sflag:s6] =	ssyncset.done $0x0  }
0xe1: {  	s23 =	simm.s32 $0xC00;
	[sflag:s6] =	ssyncadd.s32 $0xFFFFD800  }
0xe2: {  	[tilespmem:s9], [sflag:$0x1] =	stream.indirect.gather [hbm4b:s1+s8], $0x80, s23, s8, $0xb8;
	[tilespmem:$0x1F400] =	vst v63  }
0xe3: {  	_ =	swait.ge [sflag:s19], $0x2800  }
0xe4: {  	[sflag:s19] =	ssyncset.done $0x0  }
0xe5: {  	s24 =	simm.s32 $0x1B00;
	[sflag:s19] =	ssyncadd.s32 $0xFFFFD800  }
0xe6: {  	[spmem:s3] =	stream.indirect.scatter.add.f32 [tilespmem:s11], [sflag:$0x6], $0x80, s24, s8, $0xb8;
	[tilespmem:$0x1F400] =	vst v63  }
0xe7: {  	_ =	swait.ge [sflag:s6], $0x2800  }
0xe8: {  	[sflag:s6] =	ssyncset.done $0x0  }
0xe9: {  	[sflag:s6] =	ssyncadd.s32 $0xFFFFD800  }
0xea: {  	_ =	swait.ge [sflag:s22], $0x2800  }
0xeb: {  	[sflag:s22] =	ssyncset.done $0x0  }
0xec: {  	s25 =	simm.s32 $0x1B80;
	[sflag:s22] =	ssyncadd.s32 $0xFFFFD800  }
0xed: {  	[spmem:s3] =	stream.indirect.scatter.add.f32 [tilespmem:s16], [sflag:$0x6], $0x80, s25, s8, $0xb8;
	[tilespmem:$0x1F400] =	vst v63  }
0xee: {  	_ =	swait.ge [sflag:s6], $0x2800  }
0xef: {  	[sflag:s6] =	ssyncset.done $0x0  }
0xf0: {  	[sflag:s6] =	ssyncadd.s32 $0xFFFFD800  }
0xf1: {  	_ =	swait.ge [sflag:s17], $0x2800  }
0xf2: {  	[sflag:s17] =	ssyncset.done $0x0  }
0xf3: {  	s7 =	simm.s32 $0x1C00;
	[sflag:s17] =	ssyncadd.s32 $0xFFFFD800  }
0xf4: {  	[spmem:s3] =	stream.indirect.scatter.add.f32 [tilespmem:s9], [sflag:$0x6], $0x80, s7, s8, $0xb8;
	[tilespmem:$0x1F400] =	vst v63  }
0xf5: {  	_ =	swait.ge [sflag:s6], $0x2800  }
0xf6: {  	[sflag:s6] =	ssyncset.done $0x0  }
0xf7: {  	s23 =	rddreg [dreg:$0xa];
	[sflag:s6] =	ssyncadd.s32 $0xFFFFD800  }
0xf8: {  	[tilespmem:s4], [sflag:$0x4] =	stream.linear.gather [hbm4b:s23+s4], $0xC80, $0x38;
	[tilespmem:$0x1F400] =	vst v63  }
0xf9: {  	s25 =	rddreg [dreg:$0xb]  }
0xfa: {  	[tilespmem:s0], [sflag:$0x4] =	stream.linear.gather [hbm4b:s25+s4], $0xC80, $0x38;
	[tilespmem:$0x1F400] =	vst v63  }
0xfb: {  	_ =	swait.ge [sflag:s20], $0xC80  }
0xfc: {  	[sflag:s20] =	ssyncset.done $0x0  }
0xfd: {  	[sflag:s20] =	ssyncadd.s32 $0xFFFFF380  }
0xfe: {  	_ =	swait.ge [sflag:s20], $0xC80  }
0xff: {  	[sflag:s20] =	ssyncset.done $0x0  }
0x100: {  	[sflag:s20] =	ssyncadd.s32 $0xFFFFF380  }
0x101: {  	[tilespmem:s9], [sflag:$0x1] =	stream.indirect.gather [hbm4b:s1+s8], $0x80, s13, s8, $0xb8;
	[tilespmem:$0x1F400] =	vst v63  }
0x102: {  	s7 =	simm.s32 $0x2080  }
0x103: {  	[tilespmem:s11], [sflag:$0x2] =	stream.indirect.gather [hbm4b:s1+s8], $0x80, s7, s8, $0xb8;
	[tilespmem:$0x1F400] =	vst v63  }
0x104: {  	s24 =	simm.s32 $0x2100  }
0x105: {  	[tilespmem:s16], [sflag:$0x3] =	stream.indirect.gather [hbm4b:s1+s8], $0x80, s24, s8, $0xb8;
	[tilespmem:$0x1F400] =	vst v63  }
0x106: {  	_ =	swait.ge [sflag:s17], $0x2800  }
0x107: {  	[sflag:s17] =	ssyncset.done $0x0  }
0x108: {  	[sflag:s17] =	ssyncadd.s32 $0xFFFFD800  }
0x109: {  	[spmem:s3] =	stream.indirect.scatter.add.f32 [tilespmem:s9], [sflag:$0x6], $0x80, s14, s8, $0xb8;
	[tilespmem:$0x1F400] =	vst v63  }
0x10a: {  	_ =	swait.ge [sflag:s6], $0x2800  }
0x10b: {  	[sflag:s6] =	ssyncset.done $0x0  }
0x10c: {  	[sflag:s6] =	ssyncadd.s32 $0xFFFFD800  }
0x10d: {  	[tilespmem:s9], [sflag:$0x1] =	stream.indirect.gather [hbm4b:s1+s8], $0x80, s10, s8, $0xb8;
	[tilespmem:$0x1F400] =	vst v63  }
0x10e: {  	_ =	swait.ge [sflag:s19], $0x2800  }
0x10f: {  	[sflag:s19] =	ssyncset.done $0x0  }
0x110: {  	[sflag:s19] =	ssyncadd.s32 $0xFFFFD800  }
0x111: {  	[spmem:s3] =	stream.indirect.scatter.add.f32 [tilespmem:s11], [sflag:$0x6], $0x80, s12, s8, $0xb8;
	[tilespmem:$0x1F400] =	vst v63  }
0x112: {  	_ =	swait.ge [sflag:s6], $0x2800  }
0x113: {  	[sflag:s6] =	ssyncset.done $0x0  }
0x114: {  	[sflag:s6] =	ssyncadd.s32 $0xFFFFD800  }
0x115: {  	[tilespmem:s11], [sflag:$0x2] =	stream.indirect.gather [hbm4b:s1+s8], $0x80, s15, s8, $0xb8;
	[tilespmem:$0x1F400] =	vst v63  }
0x116: {  	_ =	swait.ge [sflag:s22], $0x2800  }
0x117: {  	[sflag:s22] =	ssyncset.done $0x0  }
0x118: {  	[sflag:s22] =	ssyncadd.s32 $0xFFFFD800  }
0x119: {  	[spmem:s3] =	stream.indirect.scatter.add.f32 [tilespmem:s16], [sflag:$0x6], $0x80, s18, s8, $0xb8;
	[tilespmem:$0x1F400] =	vst v63  }
0x11a: {  	_ =	swait.ge [sflag:s6], $0x2800  }
0x11b: {  	[sflag:s6] =	ssyncset.done $0x0  }
0x11c: {  	[sflag:s6] =	ssyncadd.s32 $0xFFFFD800  }
0x11d: {  	[tilespmem:s16], [sflag:$0x3] =	stream.indirect.gather [hbm4b:s1+s8], $0x80, s26, s8, $0xb8;
	[tilespmem:$0x1F400] =	vst v63  }
0x11e: {  	_ =	swait.ge [sflag:s17], $0x2800  }
0x11f: {  	[sflag:s17] =	ssyncset.done $0x0  }
0x120: {  	[sflag:s17] =	ssyncadd.s32 $0xFFFFD800  }
0x121: {  	[spmem:s3] =	stream.indirect.scatter.add.f32 [tilespmem:s9], [sflag:$0x6], $0x80, s28, s8, $0xb8;
	[tilespmem:$0x1F400] =	vst v63  }
0x122: {  	_ =	swait.ge [sflag:s6], $0x2800  }
0x123: {  	[sflag:s6] =	ssyncset.done $0x0  }
0x124: {  	[sflag:s6] =	ssyncadd.s32 $0xFFFFD800  }
0x125: {  	[tilespmem:s9], [sflag:$0x1] =	stream.indirect.gather [hbm4b:s1+s8], $0x80, s29, s8, $0xb8;
	[tilespmem:$0x1F400] =	vst v63  }
0x126: {  	_ =	swait.ge [sflag:s19], $0x2800  }
0x127: {  	[sflag:s19] =	ssyncset.done $0x0  }
0x128: {  	[sflag:s19] =	ssyncadd.s32 $0xFFFFD800  }
0x129: {  	[spmem:s3] =	stream.indirect.scatter.add.f32 [tilespmem:s11], [sflag:$0x6], $0x80, s30, s8, $0xb8;
	[tilespmem:$0x1F400] =	vst v63  }
0x12a: {  	_ =	swait.ge [sflag:s6], $0x2800  }
0x12b: {  	[sflag:s6] =	ssyncset.done $0x0  }
0x12c: {  	[sflag:s6] =	ssyncadd.s32 $0xFFFFD800  }
0x12d: {  	[tilespmem:s11], [sflag:$0x2] =	stream.indirect.gather [hbm4b:s1+s8], $0x80, s31, s8, $0xb8;
	[tilespmem:$0x1F400] =	vst v63  }
0x12e: {  	_ =	swait.ge [sflag:s22], $0x2800  }
0x12f: {  	[sflag:s22] =	ssyncset.done $0x0  }
0x130: {  	s23 =	simm.s32 $0x3280;
	[sflag:s22] =	ssyncadd.s32 $0xFFFFD800  }
0x131: {  	[spmem:s3] =	stream.indirect.scatter.add.f32 [tilespmem:s16], [sflag:$0x6], $0x80, s23, s8, $0xb8;
	[tilespmem:$0x1F400] =	vst v63  }
0x132: {  	_ =	swait.ge [sflag:s6], $0x2800  }
0x133: {  	[sflag:s6] =	ssyncset.done $0x0  }
0x134: {  	s25 =	simm.s32 $0x2400;
	[sflag:s6] =	ssyncadd.s32 $0xFFFFD800  }
0x135: {  	[tilespmem:s16], [sflag:$0x3] =	stream.indirect.gather [hbm4b:s1+s8], $0x80, s25, s8, $0xb8;
	[tilespmem:$0x1F400] =	vst v63  }
0x136: {  	_ =	swait.ge [sflag:s17], $0x2800  }
0x137: {  	[sflag:s17] =	ssyncset.done $0x0  }
0x138: {  	s24 =	simm.s32 $0x3300;
	[sflag:s17] =	ssyncadd.s32 $0xFFFFD800  }
0x139: {  	[spmem:s3] =	stream.indirect.scatter.add.f32 [tilespmem:s9], [sflag:$0x6], $0x80, s24, s8, $0xb8;
	[tilespmem:$0x1F400] =	vst v63  }
0x13a: {  	_ =	swait.ge [sflag:s6], $0x2800  }
0x13b: {  	[sflag:s6] =	ssyncset.done $0x0  }
0x13c: {  	s25 =	simm.s32 $0x2480;
	[sflag:s6] =	ssyncadd.s32 $0xFFFFD800  }
0x13d: {  	[tilespmem:s9], [sflag:$0x1] =	stream.indirect.gather [hbm4b:s1+s8], $0x80, s25, s8, $0xb8;
	[tilespmem:$0x1F400] =	vst v63  }
0x13e: {  	_ =	swait.ge [sflag:s19], $0x2800  }
0x13f: {  	[sflag:s19] =	ssyncset.done $0x0  }
0x140: {  	s24 =	simm.s32 $0x3380;
	[sflag:s19] =	ssyncadd.s32 $0xFFFFD800  }
0x141: {  	[spmem:s3] =	stream.indirect.scatter.add.f32 [tilespmem:s11], [sflag:$0x6], $0x80, s24, s8, $0xb8;
	[tilespmem:$0x1F400] =	vst v63  }
0x142: {  	_ =	swait.ge [sflag:s6], $0x2800  }
0x143: {  	[sflag:s6] =	ssyncset.done $0x0  }
0x144: {  	s25 =	simm.s32 $0x2500;
	[sflag:s6] =	ssyncadd.s32 $0xFFFFD800  }
0x145: {  	[tilespmem:s11], [sflag:$0x2] =	stream.indirect.gather [hbm4b:s1+s8], $0x80, s25, s8, $0xb8;
	[tilespmem:$0x1F400] =	vst v63  }
0x146: {  	_ =	swait.ge [sflag:s22], $0x2800  }
0x147: {  	[sflag:s22] =	ssyncset.done $0x0  }
0x148: {  	s24 =	simm.s32 $0x3400;
	[sflag:s22] =	ssyncadd.s32 $0xFFFFD800  }
0x149: {  	[spmem:s3] =	stream.indirect.scatter.add.f32 [tilespmem:s16], [sflag:$0x6], $0x80, s24, s8, $0xb8;
	[tilespmem:$0x1F400] =	vst v63  }
0x14a: {  	_ =	swait.ge [sflag:s6], $0x2800  }
0x14b: {  	[sflag:s6] =	ssyncset.done $0x0  }
0x14c: {  	s25 =	simm.s32 $0x2580;
	[sflag:s6] =	ssyncadd.s32 $0xFFFFD800  }
0x14d: {  	[tilespmem:s16], [sflag:$0x3] =	stream.indirect.gather [hbm4b:s1+s8], $0x80, s25, s8, $0xb8;
	[tilespmem:$0x1F400] =	vst v63  }
0x14e: {  	_ =	swait.ge [sflag:s17], $0x2800  }
0x14f: {  	[sflag:s17] =	ssyncset.done $0x0  }
0x150: {  	s24 =	simm.s32 $0x3480;
	[sflag:s17] =	ssyncadd.s32 $0xFFFFD800  }
0x151: {  	[spmem:s3] =	stream.indirect.scatter.add.f32 [tilespmem:s9], [sflag:$0x6], $0x80, s24, s8, $0xb8;
	[tilespmem:$0x1F400] =	vst v63  }
0x152: {  	_ =	swait.ge [sflag:s6], $0x2800  }
0x153: {  	[sflag:s6] =	ssyncset.done $0x0  }
0x154: {  	s25 =	simm.s32 $0x2600;
	[sflag:s6] =	ssyncadd.s32 $0xFFFFD800  }
0x155: {  	[tilespmem:s9], [sflag:$0x1] =	stream.indirect.gather [hbm4b:s1+s8], $0x80, s25, s8, $0xb8;
	[tilespmem:$0x1F400] =	vst v63  }
0x156: {  	_ =	swait.ge [sflag:s19], $0x2800  }
0x157: {  	[sflag:s19] =	ssyncset.done $0x0  }
0x158: {  	s24 =	simm.s32 $0x3500;
	[sflag:s19] =	ssyncadd.s32 $0xFFFFD800  }
0x159: {  	[spmem:s3] =	stream.indirect.scatter.add.f32 [tilespmem:s11], [sflag:$0x6], $0x80, s24, s8, $0xb8;
	[tilespmem:$0x1F400] =	vst v63  }
0x15a: {  	_ =	swait.ge [sflag:s6], $0x2800  }
0x15b: {  	[sflag:s6] =	ssyncset.done $0x0  }
0x15c: {  	s25 =	simm.s32 $0x2680;
	[sflag:s6] =	ssyncadd.s32 $0xFFFFD800  }
0x15d: {  	[tilespmem:s11], [sflag:$0x2] =	stream.indirect.gather [hbm4b:s1+s8], $0x80, s25, s8, $0xb8;
	[tilespmem:$0x1F400] =	vst v63  }
0x15e: {  	_ =	swait.ge [sflag:s22], $0x2800  }
0x15f: {  	[sflag:s22] =	ssyncset.done $0x0  }
0x160: {  	s24 =	simm.s32 $0x3580;
	[sflag:s22] =	ssyncadd.s32 $0xFFFFD800  }
0x161: {  	[spmem:s3] =	stream.indirect.scatter.add.f32 [tilespmem:s16], [sflag:$0x6], $0x80, s24, s8, $0xb8;
	[tilespmem:$0x1F400] =	vst v63  }
0x162: {  	_ =	swait.ge [sflag:s6], $0x2800  }
0x163: {  	[sflag:s6] =	ssyncset.done $0x0  }
0x164: {  	s25 =	simm.s32 $0x2700;
	[sflag:s6] =	ssyncadd.s32 $0xFFFFD800  }
0x165: {  	[tilespmem:s16], [sflag:$0x3] =	stream.indirect.gather [hbm4b:s1+s8], $0x80, s25, s8, $0xb8;
	[tilespmem:$0x1F400] =	vst v63  }
0x166: {  	_ =	swait.ge [sflag:s17], $0x2800  }
0x167: {  	[sflag:s17] =	ssyncset.done $0x0  }
0x168: {  	s24 =	simm.s32 $0x3600;
	[sflag:s17] =	ssyncadd.s32 $0xFFFFD800  }
0x169: {  	[spmem:s3] =	stream.indirect.scatter.add.f32 [tilespmem:s9], [sflag:$0x6], $0x80, s24, s8, $0xb8;
	[tilespmem:$0x1F400] =	vst v63  }
0x16a: {  	_ =	swait.ge [sflag:s6], $0x2800  }
0x16b: {  	[sflag:s6] =	ssyncset.done $0x0  }
0x16c: {  	s25 =	simm.s32 $0x2780;
	[sflag:s6] =	ssyncadd.s32 $0xFFFFD800  }
0x16d: {  	[tilespmem:s9], [sflag:$0x1] =	stream.indirect.gather [hbm4b:s1+s8], $0x80, s25, s8, $0xb8;
	[tilespmem:$0x1F400] =	vst v63  }
0x16e: {  	_ =	swait.ge [sflag:s19], $0x2800  }
0x16f: {  	[sflag:s19] =	ssyncset.done $0x0  }
0x170: {  	s24 =	simm.s32 $0x3680;
	[sflag:s19] =	ssyncadd.s32 $0xFFFFD800  }
0x171: {  	[spmem:s3] =	stream.indirect.scatter.add.f32 [tilespmem:s11], [sflag:$0x6], $0x80, s24, s8, $0xb8;
	[tilespmem:$0x1F400] =	vst v63  }
0x172: {  	_ =	swait.ge [sflag:s6], $0x2800  }
0x173: {  	[sflag:s6] =	ssyncset.done $0x0  }
0x174: {  	s25 =	simm.s32 $0x2800;
	[sflag:s6] =	ssyncadd.s32 $0xFFFFD800  }
0x175: {  	[tilespmem:s11], [sflag:$0x2] =	stream.indirect.gather [hbm4b:s1+s8], $0x80, s25, s8, $0xb8;
	[tilespmem:$0x1F400] =	vst v63  }
0x176: {  	_ =	swait.ge [sflag:s22], $0x2800  }
0x177: {  	[sflag:s22] =	ssyncset.done $0x0  }
0x178: {  	s24 =	simm.s32 $0x3700;
	[sflag:s22] =	ssyncadd.s32 $0xFFFFD800  }
0x179: {  	[spmem:s3] =	stream.indirect.scatter.add.f32 [tilespmem:s16], [sflag:$0x6], $0x80, s24, s8, $0xb8;
	[tilespmem:$0x1F400] =	vst v63  }
0x17a: {  	_ =	swait.ge [sflag:s6], $0x2800  }
0x17b: {  	[sflag:s6] =	ssyncset.done $0x0  }
0x17c: {  	s25 =	simm.s32 $0x2880;
	[sflag:s6] =	ssyncadd.s32 $0xFFFFD800  }
0x17d: {  	[tilespmem:s16], [sflag:$0x3] =	stream.indirect.gather [hbm4b:s1+s8], $0x80, s25, s8, $0xb8;
	[tilespmem:$0x1F400] =	vst v63  }
0x17e: {  	_ =	swait.ge [sflag:s17], $0x2800  }
0x17f: {  	[sflag:s17] =	ssyncset.done $0x0  }
0x180: {  	s24 =	simm.s32 $0x3780;
	[sflag:s17] =	ssyncadd.s32 $0xFFFFD800  }
0x181: {  	[spmem:s3] =	stream.indirect.scatter.add.f32 [tilespmem:s9], [sflag:$0x6], $0x80, s24, s8, $0xb8;
	[tilespmem:$0x1F400] =	vst v63  }
0x182: {  	_ =	swait.ge [sflag:s6], $0x2800  }
0x183: {  	[sflag:s6] =	ssyncset.done $0x0  }
0x184: {  	s25 =	simm.s32 $0x2900;
	[sflag:s6] =	ssyncadd.s32 $0xFFFFD800  }
0x185: {  	[tilespmem:s9], [sflag:$0x1] =	stream.indirect.gather [hbm4b:s1+s8], $0x80, s25, s8, $0xb8;
	[tilespmem:$0x1F400] =	vst v63  }
0x186: {  	_ =	swait.ge [sflag:s19], $0x2800  }
0x187: {  	[sflag:s19] =	ssyncset.done $0x0  }
0x188: {  	s24 =	simm.s32 $0x3800;
	[sflag:s19] =	ssyncadd.s32 $0xFFFFD800  }
0x189: {  	[spmem:s3] =	stream.indirect.scatter.add.f32 [tilespmem:s11], [sflag:$0x6], $0x80, s24, s8, $0xb8;
	[tilespmem:$0x1F400] =	vst v63  }
0x18a: {  	_ =	swait.ge [sflag:s6], $0x2800  }
0x18b: {  	[sflag:s6] =	ssyncset.done $0x0  }
0x18c: {  	s25 =	simm.s32 $0x2980;
	[sflag:s6] =	ssyncadd.s32 $0xFFFFD800  }
0x18d: {  	[tilespmem:s11], [sflag:$0x2] =	stream.indirect.gather [hbm4b:s1+s8], $0x80, s25, s8, $0xb8;
	[tilespmem:$0x1F400] =	vst v63  }
0x18e: {  	_ =	swait.ge [sflag:s22], $0x2800  }
0x18f: {  	[sflag:s22] =	ssyncset.done $0x0  }
0x190: {  	s24 =	simm.s32 $0x3880;
	[sflag:s22] =	ssyncadd.s32 $0xFFFFD800  }
0x191: {  	[spmem:s3] =	stream.indirect.scatter.add.f32 [tilespmem:s16], [sflag:$0x6], $0x80, s24, s8, $0xb8;
	[tilespmem:$0x1F400] =	vst v63  }
0x192: {  	_ =	swait.ge [sflag:s6], $0x2800  }
0x193: {  	[sflag:s6] =	ssyncset.done $0x0  }
0x194: {  	s25 =	simm.s32 $0x2A00;
	[sflag:s6] =	ssyncadd.s32 $0xFFFFD800  }
0x195: {  	[tilespmem:s16], [sflag:$0x3] =	stream.indirect.gather [hbm4b:s1+s8], $0x80, s25, s8, $0xb8;
	[tilespmem:$0x1F400] =	vst v63  }
0x196: {  	_ =	swait.ge [sflag:s17], $0x2800  }
0x197: {  	[sflag:s17] =	ssyncset.done $0x0  }
0x198: {  	s24 =	simm.s32 $0x3900;
	[sflag:s17] =	ssyncadd.s32 $0xFFFFD800  }
0x199: {  	[spmem:s3] =	stream.indirect.scatter.add.f32 [tilespmem:s9], [sflag:$0x6], $0x80, s24, s8, $0xb8;
	[tilespmem:$0x1F400] =	vst v63  }
0x19a: {  	_ =	swait.ge [sflag:s6], $0x2800  }
0x19b: {  	[sflag:s6] =	ssyncset.done $0x0  }
0x19c: {  	s25 =	simm.s32 $0x2A80;
	[sflag:s6] =	ssyncadd.s32 $0xFFFFD800  }
0x19d: {  	[tilespmem:s9], [sflag:$0x1] =	stream.indirect.gather [hbm4b:s1+s8], $0x80, s25, s8, $0xb8;
	[tilespmem:$0x1F400] =	vst v63  }
0x19e: {  	_ =	swait.ge [sflag:s19], $0x2800  }
0x19f: {  	[sflag:s19] =	ssyncset.done $0x0  }
0x1a0: {  	s24 =	simm.s32 $0x3980;
	[sflag:s19] =	ssyncadd.s32 $0xFFFFD800  }
0x1a1: {  	[spmem:s3] =	stream.indirect.scatter.add.f32 [tilespmem:s11], [sflag:$0x6], $0x80, s24, s8, $0xb8;
	[tilespmem:$0x1F400] =	vst v63  }
0x1a2: {  	_ =	swait.ge [sflag:s6], $0x2800  }
0x1a3: {  	[sflag:s6] =	ssyncset.done $0x0  }
0x1a4: {  	s25 =	simm.s32 $0x2B00;
	[sflag:s6] =	ssyncadd.s32 $0xFFFFD800  }
0x1a5: {  	[tilespmem:s11], [sflag:$0x2] =	stream.indirect.gather [hbm4b:s1+s8], $0x80, s25, s8, $0xb8;
	[tilespmem:$0x1F400] =	vst v63  }
0x1a6: {  	_ =	swait.ge [sflag:s22], $0x2800  }
0x1a7: {  	[sflag:s22] =	ssyncset.done $0x0  }
0x1a8: {  	s24 =	simm.s32 $0x3A00;
	[sflag:s22] =	ssyncadd.s32 $0xFFFFD800  }
0x1a9: {  	[spmem:s3] =	stream.indirect.scatter.add.f32 [tilespmem:s16], [sflag:$0x6], $0x80, s24, s8, $0xb8;
	[tilespmem:$0x1F400] =	vst v63  }
0x1aa: {  	_ =	swait.ge [sflag:s6], $0x2800  }
0x1ab: {  	[sflag:s6] =	ssyncset.done $0x0  }
0x1ac: {  	s25 =	simm.s32 $0x2B80;
	[sflag:s6] =	ssyncadd.s32 $0xFFFFD800  }
0x1ad: {  	[tilespmem:s16], [sflag:$0x3] =	stream.indirect.gather [hbm4b:s1+s8], $0x80, s25, s8, $0xb8;
	[tilespmem:$0x1F400] =	vst v63  }
0x1ae: {  	_ =	swait.ge [sflag:s17], $0x2800  }
0x1af: {  	[sflag:s17] =	ssyncset.done $0x0  }
0x1b0: {  	s24 =	simm.s32 $0x3A80;
	[sflag:s17] =	ssyncadd.s32 $0xFFFFD800  }
0x1b1: {  	[spmem:s3] =	stream.indirect.scatter.add.f32 [tilespmem:s9], [sflag:$0x6], $0x80, s24, s8, $0xb8;
	[tilespmem:$0x1F400] =	vst v63  }
0x1b2: {  	_ =	swait.ge [sflag:s6], $0x2800  }
0x1b3: {  	[sflag:s6] =	ssyncset.done $0x0  }
0x1b4: {  	s25 =	simm.s32 $0x2C00;
	[sflag:s6] =	ssyncadd.s32 $0xFFFFD800  }
0x1b5: {  	[tilespmem:s9], [sflag:$0x1] =	stream.indirect.gather [hbm4b:s1+s8], $0x80, s25, s8, $0xb8;
	[tilespmem:$0x1F400] =	vst v63  }
0x1b6: {  	_ =	swait.ge [sflag:s19], $0x2800  }
0x1b7: {  	[sflag:s19] =	ssyncset.done $0x0  }
0x1b8: {  	s24 =	simm.s32 $0x3B00;
	[sflag:s19] =	ssyncadd.s32 $0xFFFFD800  }
0x1b9: {  	[spmem:s3] =	stream.indirect.scatter.add.f32 [tilespmem:s11], [sflag:$0x6], $0x80, s24, s8, $0xb8;
	[tilespmem:$0x1F400] =	vst v63  }
0x1ba: {  	_ =	swait.ge [sflag:s6], $0x2800  }
0x1bb: {  	[sflag:s6] =	ssyncset.done $0x0  }
0x1bc: {  	[sflag:s6] =	ssyncadd.s32 $0xFFFFD800  }
0x1bd: {  	_ =	swait.ge [sflag:s22], $0x2800  }
0x1be: {  	[sflag:s22] =	ssyncset.done $0x0  }
0x1bf: {  	s25 =	simm.s32 $0x3B80;
	[sflag:s22] =	ssyncadd.s32 $0xFFFFD800  }
0x1c0: {  	[spmem:s3] =	stream.indirect.scatter.add.f32 [tilespmem:s16], [sflag:$0x6], $0x80, s25, s8, $0xb8;
	[tilespmem:$0x1F400] =	vst v63  }
0x1c1: {  	_ =	swait.ge [sflag:s6], $0x2800  }
0x1c2: {  	[sflag:s6] =	ssyncset.done $0x0  }
0x1c3: {  	[sflag:s6] =	ssyncadd.s32 $0xFFFFD800  }
0x1c4: {  	_ =	swait.ge [sflag:s17], $0x2800  }
0x1c5: {  	[sflag:s17] =	ssyncset.done $0x0  }
0x1c6: {  	s24 =	simm.s32 $0x3C00;
	[sflag:s17] =	ssyncadd.s32 $0xFFFFD800  }
0x1c7: {  	[spmem:s3] =	stream.indirect.scatter.add.f32 [tilespmem:s9], [sflag:$0x6], $0x80, s24, s8, $0xb8;
	[tilespmem:$0x1F400] =	vst v63  }
0x1c8: {  	_ =	swait.ge [sflag:s6], $0x2800  }
0x1c9: {  	[sflag:s6] =	ssyncset.done $0x0  }
0x1ca: {  	s25 =	rddreg [dreg:$0xc];
	[sflag:s6] =	ssyncadd.s32 $0xFFFFD800  }
0x1cb: {  	[tilespmem:s13], [sflag:$0x5] =	stream.linear.gather [hbm4b:s25+s4], $0xC80, $0x38;
	[tilespmem:$0x1F400] =	vst v63  }
0x1cc: {  	s2 =	rddreg [dreg:$0xd]  }
0x1cd: {  	[tilespmem:s14], [sflag:$0x5] =	stream.linear.gather [hbm4b:s2+s4], $0xC80, $0x38;
	[tilespmem:$0x1F400] =	vst v63  }
0x1ce: {  	_ =	swait.ge [sflag:s21], $0xC80  }
0x1cf: {  	[sflag:s21] =	ssyncset.done $0x0  }
0x1d0: {  	[sflag:s21] =	ssyncadd.s32 $0xFFFFF380  }
0x1d1: {  	_ =	swait.ge [sflag:s21], $0xC80  }
0x1d2: {  	[sflag:s21] =	ssyncset.done $0x0  }
0x1d3: {  	[sflag:s21] =	ssyncadd.s32 $0xFFFFF380  }
0x1d4: {  	[tilespmem:s9], [sflag:$0x1] =	stream.indirect.gather [hbm4b:s1+s8], $0x80, s4, s8, $0xb8;
	[tilespmem:$0x1F400] =	vst v63  }
0x1d5: {  	s2 =	simm.s32 $0x80  }
0x1d6: {  	[tilespmem:s11], [sflag:$0x2] =	stream.indirect.gather [hbm4b:s1+s8], $0x80, s2, s8, $0xb8;
	[tilespmem:$0x1F400] =	vst v63  }
0x1d7: {  	s25 =	simm.s32 $0x100  }
0x1d8: {  	[tilespmem:s16], [sflag:$0x3] =	stream.indirect.gather [hbm4b:s1+s8], $0x80, s25, s8, $0xb8;
	[tilespmem:$0x1F400] =	vst v63  }
0x1d9: {  	_ =	swait.ge [sflag:s17], $0x2800  }
0x1da: {  	[sflag:s17] =	ssyncset.done $0x0  }
0x1db: {  	[sflag:s17] =	ssyncadd.s32 $0xFFFFD800  }
0x1dc: {  	[spmem:s3] =	stream.indirect.scatter.add.f32 [tilespmem:s9], [sflag:$0x6], $0x80, s0, s8, $0xb8;
	[tilespmem:$0x1F400] =	vst v63  }
0x1dd: {  	_ =	swait.ge [sflag:s6], $0x2800  }
0x1de: {  	[sflag:s6] =	ssyncset.done $0x0  }
0x1df: {  	s25 =	simm.s32 $0x180;
	[sflag:s6] =	ssyncadd.s32 $0xFFFFD800  }
0x1e0: {  	[tilespmem:s9], [sflag:$0x1] =	stream.indirect.gather [hbm4b:s1+s8], $0x80, s25, s8, $0xb8;
	[tilespmem:$0x1F400] =	vst v63  }
0x1e1: {  	_ =	swait.ge [sflag:s19], $0x2800  }
0x1e2: {  	[sflag:s19] =	ssyncset.done $0x0  }
0x1e3: {  	s25 =	simm.s32 $0x1080;
	[sflag:s19] =	ssyncadd.s32 $0xFFFFD800  }
0x1e4: {  	[spmem:s3] =	stream.indirect.scatter.add.f32 [tilespmem:s11], [sflag:$0x6], $0x80, s25, s8, $0xb8;
	[tilespmem:$0x1F400] =	vst v63  }
0x1e5: {  	_ =	swait.ge [sflag:s6], $0x2800  }
0x1e6: {  	[sflag:s6] =	ssyncset.done $0x0  }
0x1e7: {  	s25 =	simm.s32 $0x200;
	[sflag:s6] =	ssyncadd.s32 $0xFFFFD800  }
0x1e8: {  	[tilespmem:s11], [sflag:$0x2] =	stream.indirect.gather [hbm4b:s1+s8], $0x80, s25, s8, $0xb8;
	[tilespmem:$0x1F400] =	vst v63  }
0x1e9: {  	_ =	swait.ge [sflag:s22], $0x2800  }
0x1ea: {  	[sflag:s22] =	ssyncset.done $0x0  }
0x1eb: {  	s25 =	simm.s32 $0x1100;
	[sflag:s22] =	ssyncadd.s32 $0xFFFFD800  }
0x1ec: {  	[spmem:s3] =	stream.indirect.scatter.add.f32 [tilespmem:s16], [sflag:$0x6], $0x80, s25, s8, $0xb8;
	[tilespmem:$0x1F400] =	vst v63  }
0x1ed: {  	_ =	swait.ge [sflag:s6], $0x2800  }
0x1ee: {  	[sflag:s6] =	ssyncset.done $0x0  }
0x1ef: {  	s25 =	simm.s32 $0x280;
	[sflag:s6] =	ssyncadd.s32 $0xFFFFD800  }
0x1f0: {  	[tilespmem:s16], [sflag:$0x3] =	stream.indirect.gather [hbm4b:s1+s8], $0x80, s25, s8, $0xb8;
	[tilespmem:$0x1F400] =	vst v63  }
0x1f1: {  	_ =	swait.ge [sflag:s17], $0x2800  }
0x1f2: {  	[sflag:s17] =	ssyncset.done $0x0  }
0x1f3: {  	s25 =	simm.s32 $0x1180;
	[sflag:s17] =	ssyncadd.s32 $0xFFFFD800  }
0x1f4: {  	[spmem:s3] =	stream.indirect.scatter.add.f32 [tilespmem:s9], [sflag:$0x6], $0x80, s25, s8, $0xb8;
	[tilespmem:$0x1F400] =	vst v63  }
0x1f5: {  	_ =	swait.ge [sflag:s6], $0x2800  }
0x1f6: {  	[sflag:s6] =	ssyncset.done $0x0  }
0x1f7: {  	s25 =	simm.s32 $0x300;
	[sflag:s6] =	ssyncadd.s32 $0xFFFFD800  }
0x1f8: {  	[tilespmem:s9], [sflag:$0x1] =	stream.indirect.gather [hbm4b:s1+s8], $0x80, s25, s8, $0xb8;
	[tilespmem:$0x1F400] =	vst v63  }
0x1f9: {  	_ =	swait.ge [sflag:s19], $0x2800  }
0x1fa: {  	[sflag:s19] =	ssyncset.done $0x0  }
0x1fb: {  	s25 =	simm.s32 $0x1200;
	[sflag:s19] =	ssyncadd.s32 $0xFFFFD800  }
0x1fc: {  	[spmem:s3] =	stream.indirect.scatter.add.f32 [tilespmem:s11], [sflag:$0x6], $0x80, s25, s8, $0xb8;
	[tilespmem:$0x1F400] =	vst v63  }
0x1fd: {  	_ =	swait.ge [sflag:s6], $0x2800  }
0x1fe: {  	[sflag:s6] =	ssyncset.done $0x0  }
0x1ff: {  	s25 =	simm.s32 $0x380;
	[sflag:s6] =	ssyncadd.s32 $0xFFFFD800  }
0x200: {  	[tilespmem:s11], [sflag:$0x2] =	stream.indirect.gather [hbm4b:s1+s8], $0x80, s25, s8, $0xb8;
	[tilespmem:$0x1F400] =	vst v63  }
0x201: {  	_ =	swait.ge [sflag:s22], $0x2800  }
0x202: {  	[sflag:s22] =	ssyncset.done $0x0  }
0x203: {  	s25 =	simm.s32 $0x1280;
	[sflag:s22] =	ssyncadd.s32 $0xFFFFD800  }
0x204: {  	[spmem:s3] =	stream.indirect.scatter.add.f32 [tilespmem:s16], [sflag:$0x6], $0x80, s25, s8, $0xb8;
	[tilespmem:$0x1F400] =	vst v63  }
0x205: {  	_ =	swait.ge [sflag:s6], $0x2800  }
0x206: {  	[sflag:s6] =	ssyncset.done $0x0  }
0x207: {  	s25 =	simm.s32 $0x400;
	[sflag:s6] =	ssyncadd.s32 $0xFFFFD800  }
0x208: {  	[tilespmem:s16], [sflag:$0x3] =	stream.indirect.gather [hbm4b:s1+s8], $0x80, s25, s8, $0xb8;
	[tilespmem:$0x1F400] =	vst v63  }
0x209: {  	_ =	swait.ge [sflag:s17], $0x2800  }
0x20a: {  	[sflag:s17] =	ssyncset.done $0x0  }
0x20b: {  	s25 =	simm.s32 $0x1300;
	[sflag:s17] =	ssyncadd.s32 $0xFFFFD800  }
0x20c: {  	[spmem:s3] =	stream.indirect.scatter.add.f32 [tilespmem:s9], [sflag:$0x6], $0x80, s25, s8, $0xb8;
	[tilespmem:$0x1F400] =	vst v63  }
0x20d: {  	_ =	swait.ge [sflag:s6], $0x2800  }
0x20e: {  	[sflag:s6] =	ssyncset.done $0x0  }
0x20f: {  	s25 =	simm.s32 $0x480;
	[sflag:s6] =	ssyncadd.s32 $0xFFFFD800  }
0x210: {  	[tilespmem:s9], [sflag:$0x1] =	stream.indirect.gather [hbm4b:s1+s8], $0x80, s25, s8, $0xb8;
	[tilespmem:$0x1F400] =	vst v63  }
0x211: {  	_ =	swait.ge [sflag:s19], $0x2800  }
0x212: {  	[sflag:s19] =	ssyncset.done $0x0  }
0x213: {  	s25 =	simm.s32 $0x1380;
	[sflag:s19] =	ssyncadd.s32 $0xFFFFD800  }
0x214: {  	[spmem:s3] =	stream.indirect.scatter.add.f32 [tilespmem:s11], [sflag:$0x6], $0x80, s25, s8, $0xb8;
	[tilespmem:$0x1F400] =	vst v63  }
0x215: {  	_ =	swait.ge [sflag:s6], $0x2800  }
0x216: {  	[sflag:s6] =	ssyncset.done $0x0  }
0x217: {  	s25 =	simm.s32 $0x500;
	[sflag:s6] =	ssyncadd.s32 $0xFFFFD800  }
0x218: {  	[tilespmem:s11], [sflag:$0x2] =	stream.indirect.gather [hbm4b:s1+s8], $0x80, s25, s8, $0xb8;
	[tilespmem:$0x1F400] =	vst v63  }
0x219: {  	_ =	swait.ge [sflag:s22], $0x2800  }
0x21a: {  	[sflag:s22] =	ssyncset.done $0x0  }
0x21b: {  	s25 =	simm.s32 $0x1400;
	[sflag:s22] =	ssyncadd.s32 $0xFFFFD800  }
0x21c: {  	[spmem:s3] =	stream.indirect.scatter.add.f32 [tilespmem:s16], [sflag:$0x6], $0x80, s25, s8, $0xb8;
	[tilespmem:$0x1F400] =	vst v63  }
0x21d: {  	_ =	swait.ge [sflag:s6], $0x2800  }
0x21e: {  	[sflag:s6] =	ssyncset.done $0x0  }
0x21f: {  	s25 =	simm.s32 $0x580;
	[sflag:s6] =	ssyncadd.s32 $0xFFFFD800  }
0x220: {  	[tilespmem:s16], [sflag:$0x3] =	stream.indirect.gather [hbm4b:s1+s8], $0x80, s25, s8, $0xb8;
	[tilespmem:$0x1F400] =	vst v63  }
0x221: {  	_ =	swait.ge [sflag:s17], $0x2800  }
0x222: {  	[sflag:s17] =	ssyncset.done $0x0  }
0x223: {  	s25 =	simm.s32 $0x1480;
	[sflag:s17] =	ssyncadd.s32 $0xFFFFD800  }
0x224: {  	[spmem:s3] =	stream.indirect.scatter.add.f32 [tilespmem:s9], [sflag:$0x6], $0x80, s25, s8, $0xb8;
	[tilespmem:$0x1F400] =	vst v63  }
0x225: {  	_ =	swait.ge [sflag:s6], $0x2800  }
0x226: {  	[sflag:s6] =	ssyncset.done $0x0  }
0x227: {  	s25 =	simm.s32 $0x600;
	[sflag:s6] =	ssyncadd.s32 $0xFFFFD800  }
0x228: {  	[tilespmem:s9], [sflag:$0x1] =	stream.indirect.gather [hbm4b:s1+s8], $0x80, s25, s8, $0xb8;
	[tilespmem:$0x1F400] =	vst v63  }
0x229: {  	_ =	swait.ge [sflag:s19], $0x2800  }
0x22a: {  	[sflag:s19] =	ssyncset.done $0x0  }
0x22b: {  	s25 =	simm.s32 $0x1500;
	[sflag:s19] =	ssyncadd.s32 $0xFFFFD800  }
0x22c: {  	[spmem:s3] =	stream.indirect.scatter.add.f32 [tilespmem:s11], [sflag:$0x6], $0x80, s25, s8, $0xb8;
	[tilespmem:$0x1F400] =	vst v63  }
0x22d: {  	_ =	swait.ge [sflag:s6], $0x2800  }
0x22e: {  	[sflag:s6] =	ssyncset.done $0x0  }
0x22f: {  	s25 =	simm.s32 $0x680;
	[sflag:s6] =	ssyncadd.s32 $0xFFFFD800  }
0x230: {  	[tilespmem:s11], [sflag:$0x2] =	stream.indirect.gather [hbm4b:s1+s8], $0x80, s25, s8, $0xb8;
	[tilespmem:$0x1F400] =	vst v63  }
0x231: {  	_ =	swait.ge [sflag:s22], $0x2800  }
0x232: {  	[sflag:s22] =	ssyncset.done $0x0  }
0x233: {  	s25 =	simm.s32 $0x1580;
	[sflag:s22] =	ssyncadd.s32 $0xFFFFD800  }
0x234: {  	[spmem:s3] =	stream.indirect.scatter.add.f32 [tilespmem:s16], [sflag:$0x6], $0x80, s25, s8, $0xb8;
	[tilespmem:$0x1F400] =	vst v63  }
0x235: {  	_ =	swait.ge [sflag:s6], $0x2800  }
0x236: {  	[sflag:s6] =	ssyncset.done $0x0  }
0x237: {  	s25 =	simm.s32 $0x700;
	[sflag:s6] =	ssyncadd.s32 $0xFFFFD800  }
0x238: {  	[tilespmem:s16], [sflag:$0x3] =	stream.indirect.gather [hbm4b:s1+s8], $0x80, s25, s8, $0xb8;
	[tilespmem:$0x1F400] =	vst v63  }
0x239: {  	_ =	swait.ge [sflag:s17], $0x2800  }
0x23a: {  	[sflag:s17] =	ssyncset.done $0x0  }
0x23b: {  	s25 =	simm.s32 $0x1600;
	[sflag:s17] =	ssyncadd.s32 $0xFFFFD800  }
0x23c: {  	[spmem:s3] =	stream.indirect.scatter.add.f32 [tilespmem:s9], [sflag:$0x6], $0x80, s25, s8, $0xb8;
	[tilespmem:$0x1F400] =	vst v63  }
0x23d: {  	_ =	swait.ge [sflag:s6], $0x2800  }
0x23e: {  	[sflag:s6] =	ssyncset.done $0x0  }
0x23f: {  	s25 =	simm.s32 $0x780;
	[sflag:s6] =	ssyncadd.s32 $0xFFFFD800  }
0x240: {  	[tilespmem:s9], [sflag:$0x1] =	stream.indirect.gather [hbm4b:s1+s8], $0x80, s25, s8, $0xb8;
	[tilespmem:$0x1F400] =	vst v63  }
0x241: {  	_ =	swait.ge [sflag:s19], $0x2800  }
0x242: {  	[sflag:s19] =	ssyncset.done $0x0  }
0x243: {  	s25 =	simm.s32 $0x1680;
	[sflag:s19] =	ssyncadd.s32 $0xFFFFD800  }
0x244: {  	[spmem:s3] =	stream.indirect.scatter.add.f32 [tilespmem:s11], [sflag:$0x6], $0x80, s25, s8, $0xb8;
	[tilespmem:$0x1F400] =	vst v63  }
0x245: {  	_ =	swait.ge [sflag:s6], $0x2800  }
0x246: {  	[sflag:s6] =	ssyncset.done $0x0  }
0x247: {  	s25 =	simm.s32 $0x800;
	[sflag:s6] =	ssyncadd.s32 $0xFFFFD800  }
0x248: {  	[tilespmem:s11], [sflag:$0x2] =	stream.indirect.gather [hbm4b:s1+s8], $0x80, s25, s8, $0xb8;
	[tilespmem:$0x1F400] =	vst v63  }
0x249: {  	_ =	swait.ge [sflag:s22], $0x2800  }
0x24a: {  	[sflag:s22] =	ssyncset.done $0x0  }
0x24b: {  	s25 =	simm.s32 $0x1700;
	[sflag:s22] =	ssyncadd.s32 $0xFFFFD800  }
0x24c: {  	[spmem:s3] =	stream.indirect.scatter.add.f32 [tilespmem:s16], [sflag:$0x6], $0x80, s25, s8, $0xb8;
	[tilespmem:$0x1F400] =	vst v63  }
0x24d: {  	_ =	swait.ge [sflag:s6], $0x2800  }
0x24e: {  	[sflag:s6] =	ssyncset.done $0x0  }
0x24f: {  	s25 =	simm.s32 $0x880;
	[sflag:s6] =	ssyncadd.s32 $0xFFFFD800  }
0x250: {  	[tilespmem:s16], [sflag:$0x3] =	stream.indirect.gather [hbm4b:s1+s8], $0x80, s25, s8, $0xb8;
	[tilespmem:$0x1F400] =	vst v63  }
0x251: {  	_ =	swait.ge [sflag:s17], $0x2800  }
0x252: {  	[sflag:s17] =	ssyncset.done $0x0  }
0x253: {  	s25 =	simm.s32 $0x1780;
	[sflag:s17] =	ssyncadd.s32 $0xFFFFD800  }
0x254: {  	[spmem:s3] =	stream.indirect.scatter.add.f32 [tilespmem:s9], [sflag:$0x6], $0x80, s25, s8, $0xb8;
	[tilespmem:$0x1F400] =	vst v63  }
0x255: {  	_ =	swait.ge [sflag:s6], $0x2800  }
0x256: {  	[sflag:s6] =	ssyncset.done $0x0  }
0x257: {  	s25 =	simm.s32 $0x900;
	[sflag:s6] =	ssyncadd.s32 $0xFFFFD800  }
0x258: {  	[tilespmem:s9], [sflag:$0x1] =	stream.indirect.gather [hbm4b:s1+s8], $0x80, s25, s8, $0xb8;
	[tilespmem:$0x1F400] =	vst v63  }
0x259: {  	_ =	swait.ge [sflag:s19], $0x2800  }
0x25a: {  	[sflag:s19] =	ssyncset.done $0x0  }
0x25b: {  	s25 =	simm.s32 $0x1800;
	[sflag:s19] =	ssyncadd.s32 $0xFFFFD800  }
0x25c: {  	[spmem:s3] =	stream.indirect.scatter.add.f32 [tilespmem:s11], [sflag:$0x6], $0x80, s25, s8, $0xb8;
	[tilespmem:$0x1F400] =	vst v63  }
0x25d: {  	_ =	swait.ge [sflag:s6], $0x2800  }
0x25e: {  	[sflag:s6] =	ssyncset.done $0x0  }
0x25f: {  	s25 =	simm.s32 $0x980;
	[sflag:s6] =	ssyncadd.s32 $0xFFFFD800  }
0x260: {  	[tilespmem:s11], [sflag:$0x2] =	stream.indirect.gather [hbm4b:s1+s8], $0x80, s25, s8, $0xb8;
	[tilespmem:$0x1F400] =	vst v63  }
0x261: {  	_ =	swait.ge [sflag:s22], $0x2800  }
0x262: {  	[sflag:s22] =	ssyncset.done $0x0  }
0x263: {  	s25 =	simm.s32 $0x1880;
	[sflag:s22] =	ssyncadd.s32 $0xFFFFD800  }
0x264: {  	[spmem:s3] =	stream.indirect.scatter.add.f32 [tilespmem:s16], [sflag:$0x6], $0x80, s25, s8, $0xb8;
	[tilespmem:$0x1F400] =	vst v63  }
0x265: {  	_ =	swait.ge [sflag:s6], $0x2800  }
0x266: {  	[sflag:s6] =	ssyncset.done $0x0  }
0x267: {  	s25 =	simm.s32 $0xA00;
	[sflag:s6] =	ssyncadd.s32 $0xFFFFD800  }
0x268: {  	[tilespmem:s16], [sflag:$0x3] =	stream.indirect.gather [hbm4b:s1+s8], $0x80, s25, s8, $0xb8;
	[tilespmem:$0x1F400] =	vst v63  }
0x269: {  	_ =	swait.ge [sflag:s17], $0x2800  }
0x26a: {  	[sflag:s17] =	ssyncset.done $0x0  }
0x26b: {  	s25 =	simm.s32 $0x1900;
	[sflag:s17] =	ssyncadd.s32 $0xFFFFD800  }
0x26c: {  	[spmem:s3] =	stream.indirect.scatter.add.f32 [tilespmem:s9], [sflag:$0x6], $0x80, s25, s8, $0xb8;
	[tilespmem:$0x1F400] =	vst v63  }
0x26d: {  	_ =	swait.ge [sflag:s6], $0x2800  }
0x26e: {  	[sflag:s6] =	ssyncset.done $0x0  }
0x26f: {  	s25 =	simm.s32 $0xA80;
	[sflag:s6] =	ssyncadd.s32 $0xFFFFD800  }
0x270: {  	[tilespmem:s9], [sflag:$0x1] =	stream.indirect.gather [hbm4b:s1+s8], $0x80, s25, s8, $0xb8;
	[tilespmem:$0x1F400] =	vst v63  }
0x271: {  	_ =	swait.ge [sflag:s19], $0x2800  }
0x272: {  	[sflag:s19] =	ssyncset.done $0x0  }
0x273: {  	s25 =	simm.s32 $0x1980;
	[sflag:s19] =	ssyncadd.s32 $0xFFFFD800  }
0x274: {  	[spmem:s3] =	stream.indirect.scatter.add.f32 [tilespmem:s11], [sflag:$0x6], $0x80, s25, s8, $0xb8;
	[tilespmem:$0x1F400] =	vst v63  }
0x275: {  	_ =	swait.ge [sflag:s6], $0x2800  }
0x276: {  	[sflag:s6] =	ssyncset.done $0x0  }
0x277: {  	s25 =	simm.s32 $0xB00;
	[sflag:s6] =	ssyncadd.s32 $0xFFFFD800  }
0x278: {  	[tilespmem:s11], [sflag:$0x2] =	stream.indirect.gather [hbm4b:s1+s8], $0x80, s25, s8, $0xb8;
	[tilespmem:$0x1F400] =	vst v63  }
0x279: {  	_ =	swait.ge [sflag:s22], $0x2800  }
0x27a: {  	[sflag:s22] =	ssyncset.done $0x0  }
0x27b: {  	s25 =	simm.s32 $0x1A00;
	[sflag:s22] =	ssyncadd.s32 $0xFFFFD800  }
0x27c: {  	[spmem:s3] =	stream.indirect.scatter.add.f32 [tilespmem:s16], [sflag:$0x6], $0x80, s25, s8, $0xb8;
	[tilespmem:$0x1F400] =	vst v63  }
0x27d: {  	_ =	swait.ge [sflag:s6], $0x2800  }
0x27e: {  	[sflag:s6] =	ssyncset.done $0x0  }
0x27f: {  	s25 =	simm.s32 $0xB80;
	[sflag:s6] =	ssyncadd.s32 $0xFFFFD800  }
0x280: {  	[tilespmem:s16], [sflag:$0x3] =	stream.indirect.gather [hbm4b:s1+s8], $0x80, s25, s8, $0xb8;
	[tilespmem:$0x1F400] =	vst v63  }
0x281: {  	_ =	swait.ge [sflag:s17], $0x2800  }
0x282: {  	[sflag:s17] =	ssyncset.done $0x0  }
0x283: {  	s25 =	simm.s32 $0x1A80;
	[sflag:s17] =	ssyncadd.s32 $0xFFFFD800  }
0x284: {  	[spmem:s3] =	stream.indirect.scatter.add.f32 [tilespmem:s9], [sflag:$0x6], $0x80, s25, s8, $0xb8;
	[tilespmem:$0x1F400] =	vst v63  }
0x285: {  	_ =	swait.ge [sflag:s6], $0x2800  }
0x286: {  	[sflag:s6] =	ssyncset.done $0x0  }
0x287: {  	s25 =	simm.s32 $0xC00;
	[sflag:s6] =	ssyncadd.s32 $0xFFFFD800  }
0x288: {  	[tilespmem:s9], [sflag:$0x1] =	stream.indirect.gather [hbm4b:s1+s8], $0x80, s25, s8, $0xb8;
	[tilespmem:$0x1F400] =	vst v63  }
0x289: {  	_ =	swait.ge [sflag:s19], $0x2800  }
0x28a: {  	[sflag:s19] =	ssyncset.done $0x0  }
0x28b: {  	s25 =	simm.s32 $0x1B00;
	[sflag:s19] =	ssyncadd.s32 $0xFFFFD800  }
0x28c: {  	[spmem:s3] =	stream.indirect.scatter.add.f32 [tilespmem:s11], [sflag:$0x6], $0x80, s25, s8, $0xb8;
	[tilespmem:$0x1F400] =	vst v63  }
0x28d: {  	_ =	swait.ge [sflag:s6], $0x2800  }
0x28e: {  	[sflag:s6] =	ssyncset.done $0x0  }
0x28f: {  	[sflag:s6] =	ssyncadd.s32 $0xFFFFD800  }
0x290: {  	_ =	swait.ge [sflag:s22], $0x2800  }
0x291: {  	[sflag:s22] =	ssyncset.done $0x0  }
0x292: {  	s25 =	simm.s32 $0x1B80;
	[sflag:s22] =	ssyncadd.s32 $0xFFFFD800  }
0x293: {  	[spmem:s3] =	stream.indirect.scatter.add.f32 [tilespmem:s16], [sflag:$0x6], $0x80, s25, s8, $0xb8;
	[tilespmem:$0x1F400] =	vst v63  }
0x294: {  	_ =	swait.ge [sflag:s6], $0x2800  }
0x295: {  	[sflag:s6] =	ssyncset.done $0x0  }
0x296: {  	[sflag:s6] =	ssyncadd.s32 $0xFFFFD800  }
0x297: {  	_ =	swait.ge [sflag:s17], $0x2800  }
0x298: {  	[sflag:s17] =	ssyncset.done $0x0  }
0x299: {  	s25 =	simm.s32 $0x1C00;
	[sflag:s17] =	ssyncadd.s32 $0xFFFFD800  }
0x29a: {  	[spmem:s3] =	stream.indirect.scatter.add.f32 [tilespmem:s9], [sflag:$0x6], $0x80, s25, s8, $0xb8;
	[tilespmem:$0x1F400] =	vst v63  }
0x29b: {  	_ =	swait.ge [sflag:s6], $0x2800  }
0x29c: {  	[sflag:s6] =	ssyncset.done $0x0  }
0x29d: {  	s24 =	rddreg [dreg:$0xe];
	[sflag:s6] =	ssyncadd.s32 $0xFFFFD800  }
0x29e: {  	[tilespmem:s4], [sflag:$0x4] =	stream.linear.gather [hbm4b:s24+s4], $0xC80, $0x38;
	[tilespmem:$0x1F400] =	vst v63  }
0x29f: {  	s25 =	rddreg [dreg:$0xf]  }
0x2a0: {  	[tilespmem:s0], [sflag:$0x4] =	stream.linear.gather [hbm4b:s25+s4], $0xC80, $0x38;
	[tilespmem:$0x1F400] =	vst v63  }
0x2a1: {  	_ =	swait.ge [sflag:s20], $0xC80  }
0x2a2: {  	[sflag:s20] =	ssyncset.done $0x0  }
0x2a3: {  	[sflag:s20] =	ssyncadd.s32 $0xFFFFF380  }
0x2a4: {  	_ =	swait.ge [sflag:s20], $0xC80  }
0x2a5: {  	[sflag:s20] =	ssyncset.done $0x0  }
0x2a6: {  	[sflag:s20] =	ssyncadd.s32 $0xFFFFF380  }
0x2a7: {  	[tilespmem:s9], [sflag:$0x1] =	stream.indirect.gather [hbm4b:s1+s8], $0x80, s13, s8, $0xb8;
	[tilespmem:$0x1F400] =	vst v63  }
0x2a8: {  	_ = 	snop  }
0x2a9: {  	[tilespmem:s11], [sflag:$0x2] =	stream.indirect.gather [hbm4b:s1+s8], $0x80, s7, s8, $0xb8;
	[tilespmem:$0x1F400] =	vst v63  }
0x2aa: {  	s24 =	simm.s32 $0x2100  }
0x2ab: {  	[tilespmem:s16], [sflag:$0x3] =	stream.indirect.gather [hbm4b:s1+s8], $0x80, s24, s8, $0xb8;
	[tilespmem:$0x1F400] =	vst v63  }
0x2ac: {  	_ =	swait.ge [sflag:s17], $0x2800  }
0x2ad: {  	[sflag:s17] =	ssyncset.done $0x0  }
0x2ae: {  	[sflag:s17] =	ssyncadd.s32 $0xFFFFD800  }
0x2af: {  	[spmem:s3] =	stream.indirect.scatter.add.f32 [tilespmem:s9], [sflag:$0x6], $0x80, s14, s8, $0xb8;
	[tilespmem:$0x1F400] =	vst v63  }
0x2b0: {  	_ =	swait.ge [sflag:s6], $0x2800  }
0x2b1: {  	[sflag:s6] =	ssyncset.done $0x0  }
0x2b2: {  	[sflag:s6] =	ssyncadd.s32 $0xFFFFD800  }
0x2b3: {  	[tilespmem:s9], [sflag:$0x1] =	stream.indirect.gather [hbm4b:s1+s8], $0x80, s10, s8, $0xb8;
	[tilespmem:$0x1F400] =	vst v63  }
0x2b4: {  	_ =	swait.ge [sflag:s19], $0x2800  }
0x2b5: {  	[sflag:s19] =	ssyncset.done $0x0  }
0x2b6: {  	[sflag:s19] =	ssyncadd.s32 $0xFFFFD800  }
0x2b7: {  	[spmem:s3] =	stream.indirect.scatter.add.f32 [tilespmem:s11], [sflag:$0x6], $0x80, s12, s8, $0xb8;
	[tilespmem:$0x1F400] =	vst v63  }
0x2b8: {  	_ =	swait.ge [sflag:s6], $0x2800  }
0x2b9: {  	[sflag:s6] =	ssyncset.done $0x0  }
0x2ba: {  	[sflag:s6] =	ssyncadd.s32 $0xFFFFD800  }
0x2bb: {  	[tilespmem:s11], [sflag:$0x2] =	stream.indirect.gather [hbm4b:s1+s8], $0x80, s15, s8, $0xb8;
	[tilespmem:$0x1F400] =	vst v63  }
0x2bc: {  	_ =	swait.ge [sflag:s22], $0x2800  }
0x2bd: {  	[sflag:s22] =	ssyncset.done $0x0  }
0x2be: {  	[sflag:s22] =	ssyncadd.s32 $0xFFFFD800  }
0x2bf: {  	[spmem:s3] =	stream.indirect.scatter.add.f32 [tilespmem:s16], [sflag:$0x6], $0x80, s18, s8, $0xb8;
	[tilespmem:$0x1F400] =	vst v63  }
0x2c0: {  	_ =	swait.ge [sflag:s6], $0x2800  }
0x2c1: {  	[sflag:s6] =	ssyncset.done $0x0  }
0x2c2: {  	[sflag:s6] =	ssyncadd.s32 $0xFFFFD800  }
0x2c3: {  	[tilespmem:s16], [sflag:$0x3] =	stream.indirect.gather [hbm4b:s1+s8], $0x80, s26, s8, $0xb8;
	[tilespmem:$0x1F400] =	vst v63  }
0x2c4: {  	_ =	swait.ge [sflag:s17], $0x2800  }
0x2c5: {  	[sflag:s17] =	ssyncset.done $0x0  }
0x2c6: {  	[sflag:s17] =	ssyncadd.s32 $0xFFFFD800  }
0x2c7: {  	[spmem:s3] =	stream.indirect.scatter.add.f32 [tilespmem:s9], [sflag:$0x6], $0x80, s28, s8, $0xb8;
	[tilespmem:$0x1F400] =	vst v63  }
0x2c8: {  	_ =	swait.ge [sflag:s6], $0x2800  }
0x2c9: {  	[sflag:s6] =	ssyncset.done $0x0  }
0x2ca: {  	[sflag:s6] =	ssyncadd.s32 $0xFFFFD800  }
0x2cb: {  	[tilespmem:s9], [sflag:$0x1] =	stream.indirect.gather [hbm4b:s1+s8], $0x80, s29, s8, $0xb8;
	[tilespmem:$0x1F400] =	vst v63  }
0x2cc: {  	_ =	swait.ge [sflag:s19], $0x2800  }
0x2cd: {  	[sflag:s19] =	ssyncset.done $0x0  }
0x2ce: {  	[sflag:s19] =	ssyncadd.s32 $0xFFFFD800  }
0x2cf: {  	[spmem:s3] =	stream.indirect.scatter.add.f32 [tilespmem:s11], [sflag:$0x6], $0x80, s30, s8, $0xb8;
	[tilespmem:$0x1F400] =	vst v63  }
0x2d0: {  	_ =	swait.ge [sflag:s6], $0x2800  }
0x2d1: {  	[sflag:s6] =	ssyncset.done $0x0  }
0x2d2: {  	[sflag:s6] =	ssyncadd.s32 $0xFFFFD800  }
0x2d3: {  	[tilespmem:s11], [sflag:$0x2] =	stream.indirect.gather [hbm4b:s1+s8], $0x80, s31, s8, $0xb8;
	[tilespmem:$0x1F400] =	vst v63  }
0x2d4: {  	_ =	swait.ge [sflag:s22], $0x2800  }
0x2d5: {  	[sflag:s22] =	ssyncset.done $0x0  }
0x2d6: {  	[sflag:s22] =	ssyncadd.s32 $0xFFFFD800  }
0x2d7: {  	[spmem:s3] =	stream.indirect.scatter.add.f32 [tilespmem:s16], [sflag:$0x6], $0x80, s23, s8, $0xb8;
	[tilespmem:$0x1F400] =	vst v63  }
0x2d8: {  	_ =	swait.ge [sflag:s6], $0x2800  }
0x2d9: {  	[sflag:s6] =	ssyncset.done $0x0  }
0x2da: {  	s25 =	simm.s32 $0x2400;
	[sflag:s6] =	ssyncadd.s32 $0xFFFFD800  }
0x2db: {  	[tilespmem:s16], [sflag:$0x3] =	stream.indirect.gather [hbm4b:s1+s8], $0x80, s25, s8, $0xb8;
	[tilespmem:$0x1F400] =	vst v63  }
0x2dc: {  	_ =	swait.ge [sflag:s17], $0x2800  }
0x2dd: {  	[sflag:s17] =	ssyncset.done $0x0  }
0x2de: {  	s23 =	simm.s32 $0x3300;
	[sflag:s17] =	ssyncadd.s32 $0xFFFFD800  }
0x2df: {  	[spmem:s3] =	stream.indirect.scatter.add.f32 [tilespmem:s9], [sflag:$0x6], $0x80, s23, s8, $0xb8;
	[tilespmem:$0x1F400] =	vst v63  }
0x2e0: {  	_ =	swait.ge [sflag:s6], $0x2800  }
0x2e1: {  	[sflag:s6] =	ssyncset.done $0x0  }
0x2e2: {  	s24 =	simm.s32 $0x2480;
	[sflag:s6] =	ssyncadd.s32 $0xFFFFD800  }
0x2e3: {  	[tilespmem:s9], [sflag:$0x1] =	stream.indirect.gather [hbm4b:s1+s8], $0x80, s24, s8, $0xb8;
	[tilespmem:$0x1F400] =	vst v63  }
0x2e4: {  	_ =	swait.ge [sflag:s19], $0x2800  }
0x2e5: {  	[sflag:s19] =	ssyncset.done $0x0  }
0x2e6: {  	s25 =	simm.s32 $0x3380;
	[sflag:s19] =	ssyncadd.s32 $0xFFFFD800  }
0x2e7: {  	[spmem:s3] =	stream.indirect.scatter.add.f32 [tilespmem:s11], [sflag:$0x6], $0x80, s25, s8, $0xb8;
	[tilespmem:$0x1F400] =	vst v63  }
0x2e8: {  	_ =	swait.ge [sflag:s6], $0x2800  }
0x2e9: {  	[sflag:s6] =	ssyncset.done $0x0  }
0x2ea: {  	s23 =	simm.s32 $0x2500;
	[sflag:s6] =	ssyncadd.s32 $0xFFFFD800  }
0x2eb: {  	[tilespmem:s11], [sflag:$0x2] =	stream.indirect.gather [hbm4b:s1+s8], $0x80, s23, s8, $0xb8;
	[tilespmem:$0x1F400] =	vst v63  }
0x2ec: {  	_ =	swait.ge [sflag:s22], $0x2800  }
0x2ed: {  	[sflag:s22] =	ssyncset.done $0x0  }
0x2ee: {  	s24 =	simm.s32 $0x3400;
	[sflag:s22] =	ssyncadd.s32 $0xFFFFD800  }
0x2ef: {  	[spmem:s3] =	stream.indirect.scatter.add.f32 [tilespmem:s16], [sflag:$0x6], $0x80, s24, s8, $0xb8;
	[tilespmem:$0x1F400] =	vst v63  }
0x2f0: {  	_ =	swait.ge [sflag:s6], $0x2800  }
0x2f1: {  	[sflag:s6] =	ssyncset.done $0x0  }
0x2f2: {  	s25 =	simm.s32 $0x2580;
	[sflag:s6] =	ssyncadd.s32 $0xFFFFD800  }
0x2f3: {  	[tilespmem:s16], [sflag:$0x3] =	stream.indirect.gather [hbm4b:s1+s8], $0x80, s25, s8, $0xb8;
	[tilespmem:$0x1F400] =	vst v63  }
0x2f4: {  	_ =	swait.ge [sflag:s17], $0x2800  }
0x2f5: {  	[sflag:s17] =	ssyncset.done $0x0  }
0x2f6: {  	s23 =	simm.s32 $0x3480;
	[sflag:s17] =	ssyncadd.s32 $0xFFFFD800  }
0x2f7: {  	[spmem:s3] =	stream.indirect.scatter.add.f32 [tilespmem:s9], [sflag:$0x6], $0x80, s23, s8, $0xb8;
	[tilespmem:$0x1F400] =	vst v63  }
0x2f8: {  	_ =	swait.ge [sflag:s6], $0x2800  }
0x2f9: {  	[sflag:s6] =	ssyncset.done $0x0  }
0x2fa: {  	s24 =	simm.s32 $0x2600;
	[sflag:s6] =	ssyncadd.s32 $0xFFFFD800  }
0x2fb: {  	[tilespmem:s9], [sflag:$0x1] =	stream.indirect.gather [hbm4b:s1+s8], $0x80, s24, s8, $0xb8;
	[tilespmem:$0x1F400] =	vst v63  }
0x2fc: {  	_ =	swait.ge [sflag:s19], $0x2800  }
0x2fd: {  	[sflag:s19] =	ssyncset.done $0x0  }
0x2fe: {  	s25 =	simm.s32 $0x3500;
	[sflag:s19] =	ssyncadd.s32 $0xFFFFD800  }
0x2ff: {  	[spmem:s3] =	stream.indirect.scatter.add.f32 [tilespmem:s11], [sflag:$0x6], $0x80, s25, s8, $0xb8;
	[tilespmem:$0x1F400] =	vst v63  }
0x300: {  	_ =	swait.ge [sflag:s6], $0x2800  }
0x301: {  	[sflag:s6] =	ssyncset.done $0x0  }
0x302: {  	s23 =	simm.s32 $0x2680;
	[sflag:s6] =	ssyncadd.s32 $0xFFFFD800  }
0x303: {  	[tilespmem:s11], [sflag:$0x2] =	stream.indirect.gather [hbm4b:s1+s8], $0x80, s23, s8, $0xb8;
	[tilespmem:$0x1F400] =	vst v63  }
0x304: {  	_ =	swait.ge [sflag:s22], $0x2800  }
0x305: {  	[sflag:s22] =	ssyncset.done $0x0  }
0x306: {  	s24 =	simm.s32 $0x3580;
	[sflag:s22] =	ssyncadd.s32 $0xFFFFD800  }
0x307: {  	[spmem:s3] =	stream.indirect.scatter.add.f32 [tilespmem:s16], [sflag:$0x6], $0x80, s24, s8, $0xb8;
	[tilespmem:$0x1F400] =	vst v63  }
0x308: {  	_ =	swait.ge [sflag:s6], $0x2800  }
0x309: {  	[sflag:s6] =	ssyncset.done $0x0  }
0x30a: {  	s25 =	simm.s32 $0x2700;
	[sflag:s6] =	ssyncadd.s32 $0xFFFFD800  }
0x30b: {  	[tilespmem:s16], [sflag:$0x3] =	stream.indirect.gather [hbm4b:s1+s8], $0x80, s25, s8, $0xb8;
	[tilespmem:$0x1F400] =	vst v63  }
0x30c: {  	_ =	swait.ge [sflag:s17], $0x2800  }
0x30d: {  	[sflag:s17] =	ssyncset.done $0x0  }
0x30e: {  	s23 =	simm.s32 $0x3600;
	[sflag:s17] =	ssyncadd.s32 $0xFFFFD800  }
0x30f: {  	[spmem:s3] =	stream.indirect.scatter.add.f32 [tilespmem:s9], [sflag:$0x6], $0x80, s23, s8, $0xb8;
	[tilespmem:$0x1F400] =	vst v63  }
0x310: {  	_ =	swait.ge [sflag:s6], $0x2800  }
0x311: {  	[sflag:s6] =	ssyncset.done $0x0  }
0x312: {  	s24 =	simm.s32 $0x2780;
	[sflag:s6] =	ssyncadd.s32 $0xFFFFD800  }
0x313: {  	[tilespmem:s9], [sflag:$0x1] =	stream.indirect.gather [hbm4b:s1+s8], $0x80, s24, s8, $0xb8;
	[tilespmem:$0x1F400] =	vst v63  }
0x314: {  	_ =	swait.ge [sflag:s19], $0x2800  }
0x315: {  	[sflag:s19] =	ssyncset.done $0x0  }
0x316: {  	s25 =	simm.s32 $0x3680;
	[sflag:s19] =	ssyncadd.s32 $0xFFFFD800  }
0x317: {  	[spmem:s3] =	stream.indirect.scatter.add.f32 [tilespmem:s11], [sflag:$0x6], $0x80, s25, s8, $0xb8;
	[tilespmem:$0x1F400] =	vst v63  }
0x318: {  	_ =	swait.ge [sflag:s6], $0x2800  }
0x319: {  	[sflag:s6] =	ssyncset.done $0x0  }
0x31a: {  	s23 =	simm.s32 $0x2800;
	[sflag:s6] =	ssyncadd.s32 $0xFFFFD800  }
0x31b: {  	[tilespmem:s11], [sflag:$0x2] =	stream.indirect.gather [hbm4b:s1+s8], $0x80, s23, s8, $0xb8;
	[tilespmem:$0x1F400] =	vst v63  }
0x31c: {  	_ =	swait.ge [sflag:s22], $0x2800  }
0x31d: {  	[sflag:s22] =	ssyncset.done $0x0  }
0x31e: {  	s24 =	simm.s32 $0x3700;
	[sflag:s22] =	ssyncadd.s32 $0xFFFFD800  }
0x31f: {  	[spmem:s3] =	stream.indirect.scatter.add.f32 [tilespmem:s16], [sflag:$0x6], $0x80, s24, s8, $0xb8;
	[tilespmem:$0x1F400] =	vst v63  }
0x320: {  	_ =	swait.ge [sflag:s6], $0x2800  }
0x321: {  	[sflag:s6] =	ssyncset.done $0x0  }
0x322: {  	s25 =	simm.s32 $0x2880;
	[sflag:s6] =	ssyncadd.s32 $0xFFFFD800  }
0x323: {  	[tilespmem:s16], [sflag:$0x3] =	stream.indirect.gather [hbm4b:s1+s8], $0x80, s25, s8, $0xb8;
	[tilespmem:$0x1F400] =	vst v63  }
0x324: {  	_ =	swait.ge [sflag:s17], $0x2800  }
0x325: {  	[sflag:s17] =	ssyncset.done $0x0  }
0x326: {  	s23 =	simm.s32 $0x3780;
	[sflag:s17] =	ssyncadd.s32 $0xFFFFD800  }
0x327: {  	[spmem:s3] =	stream.indirect.scatter.add.f32 [tilespmem:s9], [sflag:$0x6], $0x80, s23, s8, $0xb8;
	[tilespmem:$0x1F400] =	vst v63  }
0x328: {  	_ =	swait.ge [sflag:s6], $0x2800  }
0x329: {  	[sflag:s6] =	ssyncset.done $0x0  }
0x32a: {  	s24 =	simm.s32 $0x2900;
	[sflag:s6] =	ssyncadd.s32 $0xFFFFD800  }
0x32b: {  	[tilespmem:s9], [sflag:$0x1] =	stream.indirect.gather [hbm4b:s1+s8], $0x80, s24, s8, $0xb8;
	[tilespmem:$0x1F400] =	vst v63  }
0x32c: {  	_ =	swait.ge [sflag:s19], $0x2800  }
0x32d: {  	[sflag:s19] =	ssyncset.done $0x0  }
0x32e: {  	s25 =	simm.s32 $0x3800;
	[sflag:s19] =	ssyncadd.s32 $0xFFFFD800  }
0x32f: {  	[spmem:s3] =	stream.indirect.scatter.add.f32 [tilespmem:s11], [sflag:$0x6], $0x80, s25, s8, $0xb8;
	[tilespmem:$0x1F400] =	vst v63  }
0x330: {  	_ =	swait.ge [sflag:s6], $0x2800  }
0x331: {  	[sflag:s6] =	ssyncset.done $0x0  }
0x332: {  	s23 =	simm.s32 $0x2980;
	[sflag:s6] =	ssyncadd.s32 $0xFFFFD800  }
0x333: {  	[tilespmem:s11], [sflag:$0x2] =	stream.indirect.gather [hbm4b:s1+s8], $0x80, s23, s8, $0xb8;
	[tilespmem:$0x1F400] =	vst v63  }
0x334: {  	_ =	swait.ge [sflag:s22], $0x2800  }
0x335: {  	[sflag:s22] =	ssyncset.done $0x0  }
0x336: {  	s24 =	simm.s32 $0x3880;
	[sflag:s22] =	ssyncadd.s32 $0xFFFFD800  }
0x337: {  	[spmem:s3] =	stream.indirect.scatter.add.f32 [tilespmem:s16], [sflag:$0x6], $0x80, s24, s8, $0xb8;
	[tilespmem:$0x1F400] =	vst v63  }
0x338: {  	_ =	swait.ge [sflag:s6], $0x2800  }
0x339: {  	[sflag:s6] =	ssyncset.done $0x0  }
0x33a: {  	s25 =	simm.s32 $0x2A00;
	[sflag:s6] =	ssyncadd.s32 $0xFFFFD800  }
0x33b: {  	[tilespmem:s16], [sflag:$0x3] =	stream.indirect.gather [hbm4b:s1+s8], $0x80, s25, s8, $0xb8;
	[tilespmem:$0x1F400] =	vst v63  }
0x33c: {  	_ =	swait.ge [sflag:s17], $0x2800  }
0x33d: {  	[sflag:s17] =	ssyncset.done $0x0  }
0x33e: {  	s23 =	simm.s32 $0x3900;
	[sflag:s17] =	ssyncadd.s32 $0xFFFFD800  }
0x33f: {  	[spmem:s3] =	stream.indirect.scatter.add.f32 [tilespmem:s9], [sflag:$0x6], $0x80, s23, s8, $0xb8;
	[tilespmem:$0x1F400] =	vst v63  }
0x340: {  	_ =	swait.ge [sflag:s6], $0x2800  }
0x341: {  	[sflag:s6] =	ssyncset.done $0x0  }
0x342: {  	s24 =	simm.s32 $0x2A80;
	[sflag:s6] =	ssyncadd.s32 $0xFFFFD800  }
0x343: {  	[tilespmem:s9], [sflag:$0x1] =	stream.indirect.gather [hbm4b:s1+s8], $0x80, s24, s8, $0xb8;
	[tilespmem:$0x1F400] =	vst v63  }
0x344: {  	_ =	swait.ge [sflag:s19], $0x2800  }
0x345: {  	[sflag:s19] =	ssyncset.done $0x0  }
0x346: {  	s25 =	simm.s32 $0x3980;
	[sflag:s19] =	ssyncadd.s32 $0xFFFFD800  }
0x347: {  	[spmem:s3] =	stream.indirect.scatter.add.f32 [tilespmem:s11], [sflag:$0x6], $0x80, s25, s8, $0xb8;
	[tilespmem:$0x1F400] =	vst v63  }
0x348: {  	_ =	swait.ge [sflag:s6], $0x2800  }
0x349: {  	[sflag:s6] =	ssyncset.done $0x0  }
0x34a: {  	s23 =	simm.s32 $0x2B00;
	[sflag:s6] =	ssyncadd.s32 $0xFFFFD800  }
0x34b: {  	[tilespmem:s11], [sflag:$0x2] =	stream.indirect.gather [hbm4b:s1+s8], $0x80, s23, s8, $0xb8;
	[tilespmem:$0x1F400] =	vst v63  }
0x34c: {  	_ =	swait.ge [sflag:s22], $0x2800  }
0x34d: {  	[sflag:s22] =	ssyncset.done $0x0  }
0x34e: {  	s24 =	simm.s32 $0x3A00;
	[sflag:s22] =	ssyncadd.s32 $0xFFFFD800  }
0x34f: {  	[spmem:s3] =	stream.indirect.scatter.add.f32 [tilespmem:s16], [sflag:$0x6], $0x80, s24, s8, $0xb8;
	[tilespmem:$0x1F400] =	vst v63  }
0x350: {  	_ =	swait.ge [sflag:s6], $0x2800  }
0x351: {  	[sflag:s6] =	ssyncset.done $0x0  }
0x352: {  	s25 =	simm.s32 $0x2B80;
	[sflag:s6] =	ssyncadd.s32 $0xFFFFD800  }
0x353: {  	[tilespmem:s16], [sflag:$0x3] =	stream.indirect.gather [hbm4b:s1+s8], $0x80, s25, s8, $0xb8;
	[tilespmem:$0x1F400] =	vst v63  }
0x354: {  	_ =	swait.ge [sflag:s17], $0x2800  }
0x355: {  	[sflag:s17] =	ssyncset.done $0x0  }
0x356: {  	s23 =	simm.s32 $0x3A80;
	[sflag:s17] =	ssyncadd.s32 $0xFFFFD800  }
0x357: {  	[spmem:s3] =	stream.indirect.scatter.add.f32 [tilespmem:s9], [sflag:$0x6], $0x80, s23, s8, $0xb8;
	[tilespmem:$0x1F400] =	vst v63  }
0x358: {  	_ =	swait.ge [sflag:s6], $0x2800  }
0x359: {  	[sflag:s6] =	ssyncset.done $0x0  }
0x35a: {  	s24 =	simm.s32 $0x2C00;
	[sflag:s6] =	ssyncadd.s32 $0xFFFFD800  }
0x35b: {  	[tilespmem:s9], [sflag:$0x1] =	stream.indirect.gather [hbm4b:s1+s8], $0x80, s24, s8, $0xb8;
	[tilespmem:$0x1F400] =	vst v63  }
0x35c: {  	_ =	swait.ge [sflag:s19], $0x2800  }
0x35d: {  	[sflag:s19] =	ssyncset.done $0x0  }
0x35e: {  	s25 =	simm.s32 $0x3B00;
	[sflag:s19] =	ssyncadd.s32 $0xFFFFD800  }
0x35f: {  	[spmem:s3] =	stream.indirect.scatter.add.f32 [tilespmem:s11], [sflag:$0x6], $0x80, s25, s8, $0xb8;
	[tilespmem:$0x1F400] =	vst v63  }
0x360: {  	_ =	swait.ge [sflag:s6], $0x2800  }
0x361: {  	[sflag:s6] =	ssyncset.done $0x0  }
0x362: {  	[sflag:s6] =	ssyncadd.s32 $0xFFFFD800  }
0x363: {  	_ =	swait.ge [sflag:s22], $0x2800  }
0x364: {  	[sflag:s22] =	ssyncset.done $0x0  }
0x365: {  	s23 =	simm.s32 $0x3B80;
	[sflag:s22] =	ssyncadd.s32 $0xFFFFD800  }
0x366: {  	[spmem:s3] =	stream.indirect.scatter.add.f32 [tilespmem:s16], [sflag:$0x6], $0x80, s23, s8, $0xb8;
	[tilespmem:$0x1F400] =	vst v63  }
0x367: {  	_ =	swait.ge [sflag:s6], $0x2800  }
0x368: {  	[sflag:s6] =	ssyncset.done $0x0  }
0x369: {  	[sflag:s6] =	ssyncadd.s32 $0xFFFFD800  }
0x36a: {  	_ =	swait.ge [sflag:s17], $0x2800  }
0x36b: {  	[sflag:s17] =	ssyncset.done $0x0  }
0x36c: {  	s24 =	simm.s32 $0x3C00;
	[sflag:s17] =	ssyncadd.s32 $0xFFFFD800  }
0x36d: {  	[spmem:s3] =	stream.indirect.scatter.add.f32 [tilespmem:s9], [sflag:$0x6], $0x80, s24, s8, $0xb8;
	[tilespmem:$0x1F400] =	vst v63  }
0x36e: {  	_ =	swait.ge [sflag:s6], $0x2800  }
0x36f: {  	[sflag:s6] =	ssyncset.done $0x0  }
0x370: {  	[sflag:s6] =	ssyncadd.s32 $0xFFFFD800  }
0x371: {  	_ =	swait.ge [sflag:s21], $0xC80  }
0x372: {  	[sflag:s21] =	ssyncset.done $0x0  }
0x373: {  	[sflag:s21] =	ssyncadd.s32 $0xFFFFF380  }
0x374: {  	_ =	swait.ge [sflag:s21], $0xC80  }
0x375: {  	[sflag:s21] =	ssyncset.done $0x0  }
0x376: {  	[sflag:s21] =	ssyncadd.s32 $0xFFFFF380  }
0x377: {  	[tilespmem:s9], [sflag:$0x1] =	stream.indirect.gather [hbm4b:s1+s8], $0x80, s4, s8, $0xb8;
	[tilespmem:$0x1F400] =	vst v63  }
0x378: {  	_ = 	snop  }
0x379: {  	[tilespmem:s11], [sflag:$0x2] =	stream.indirect.gather [hbm4b:s1+s8], $0x80, s2, s8, $0xb8;
	[tilespmem:$0x1F400] =	vst v63  }
0x37a: {  	s25 =	simm.s32 $0x100  }
0x37b: {  	[tilespmem:s16], [sflag:$0x3] =	stream.indirect.gather [hbm4b:s1+s8], $0x80, s25, s8, $0xb8;
	[tilespmem:$0x1F400] =	vst v63  }
0x37c: {  	_ =	swait.ge [sflag:s17], $0x2800  }
0x37d: {  	[sflag:s17] =	ssyncset.done $0x0  }
0x37e: {  	[sflag:s17] =	ssyncadd.s32 $0xFFFFD800  }
0x37f: {  	[spmem:s3] =	stream.indirect.scatter.add.f32 [tilespmem:s9], [sflag:$0x6], $0x80, s0, s8, $0xb8;
	[tilespmem:$0x1F400] =	vst v63  }
0x380: {  	_ =	swait.ge [sflag:s6], $0x2800  }
0x381: {  	[sflag:s6] =	ssyncset.done $0x0  }
0x382: {  	s2 =	simm.s32 $0x180;
	[sflag:s6] =	ssyncadd.s32 $0xFFFFD800  }
0x383: {  	[tilespmem:s9], [sflag:$0x1] =	stream.indirect.gather [hbm4b:s1+s8], $0x80, s2, s8, $0xb8;
	[tilespmem:$0x1F400] =	vst v63  }
0x384: {  	_ =	swait.ge [sflag:s19], $0x2800  }
0x385: {  	[sflag:s19] =	ssyncset.done $0x0  }
0x386: {  	s7 =	simm.s32 $0x1080;
	[sflag:s19] =	ssyncadd.s32 $0xFFFFD800  }
0x387: {  	[spmem:s3] =	stream.indirect.scatter.add.f32 [tilespmem:s11], [sflag:$0x6], $0x80, s7, s8, $0xb8;
	[tilespmem:$0x1F400] =	vst v63  }
0x388: {  	_ =	swait.ge [sflag:s6], $0x2800  }
0x389: {  	[sflag:s6] =	ssyncset.done $0x0  }
0x38a: {  	s23 =	simm.s32 $0x200;
	[sflag:s6] =	ssyncadd.s32 $0xFFFFD800  }
0x38b: {  	[tilespmem:s11], [sflag:$0x2] =	stream.indirect.gather [hbm4b:s1+s8], $0x80, s23, s8, $0xb8;
	[tilespmem:$0x1F400] =	vst v63  }
0x38c: {  	_ =	swait.ge [sflag:s22], $0x2800  }
0x38d: {  	[sflag:s22] =	ssyncset.done $0x0  }
0x38e: {  	s24 =	simm.s32 $0x1100;
	[sflag:s22] =	ssyncadd.s32 $0xFFFFD800  }
0x38f: {  	[spmem:s3] =	stream.indirect.scatter.add.f32 [tilespmem:s16], [sflag:$0x6], $0x80, s24, s8, $0xb8;
	[tilespmem:$0x1F400] =	vst v63  }
0x390: {  	_ =	swait.ge [sflag:s6], $0x2800  }
0x391: {  	[sflag:s6] =	ssyncset.done $0x0  }
0x392: {  	s25 =	simm.s32 $0x280;
	[sflag:s6] =	ssyncadd.s32 $0xFFFFD800  }
0x393: {  	[tilespmem:s16], [sflag:$0x3] =	stream.indirect.gather [hbm4b:s1+s8], $0x80, s25, s8, $0xb8;
	[tilespmem:$0x1F400] =	vst v63  }
0x394: {  	_ =	swait.ge [sflag:s17], $0x2800  }
0x395: {  	[sflag:s17] =	ssyncset.done $0x0  }
0x396: {  	s2 =	simm.s32 $0x1180;
	[sflag:s17] =	ssyncadd.s32 $0xFFFFD800  }
0x397: {  	[spmem:s3] =	stream.indirect.scatter.add.f32 [tilespmem:s9], [sflag:$0x6], $0x80, s2, s8, $0xb8;
	[tilespmem:$0x1F400] =	vst v63  }
0x398: {  	_ =	swait.ge [sflag:s6], $0x2800  }
0x399: {  	[sflag:s6] =	ssyncset.done $0x0  }
0x39a: {  	s7 =	simm.s32 $0x300;
	[sflag:s6] =	ssyncadd.s32 $0xFFFFD800  }
0x39b: {  	[tilespmem:s9], [sflag:$0x1] =	stream.indirect.gather [hbm4b:s1+s8], $0x80, s7, s8, $0xb8;
	[tilespmem:$0x1F400] =	vst v63  }
0x39c: {  	_ =	swait.ge [sflag:s19], $0x2800  }
0x39d: {  	[sflag:s19] =	ssyncset.done $0x0  }
0x39e: {  	s23 =	simm.s32 $0x1200;
	[sflag:s19] =	ssyncadd.s32 $0xFFFFD800  }
0x39f: {  	[spmem:s3] =	stream.indirect.scatter.add.f32 [tilespmem:s11], [sflag:$0x6], $0x80, s23, s8, $0xb8;
	[tilespmem:$0x1F400] =	vst v63  }
0x3a0: {  	_ =	swait.ge [sflag:s6], $0x2800  }
0x3a1: {  	[sflag:s6] =	ssyncset.done $0x0  }
0x3a2: {  	s24 =	simm.s32 $0x380;
	[sflag:s6] =	ssyncadd.s32 $0xFFFFD800  }
0x3a3: {  	[tilespmem:s11], [sflag:$0x2] =	stream.indirect.gather [hbm4b:s1+s8], $0x80, s24, s8, $0xb8;
	[tilespmem:$0x1F400] =	vst v63  }
0x3a4: {  	_ =	swait.ge [sflag:s22], $0x2800  }
0x3a5: {  	[sflag:s22] =	ssyncset.done $0x0  }
0x3a6: {  	s25 =	simm.s32 $0x1280;
	[sflag:s22] =	ssyncadd.s32 $0xFFFFD800  }
0x3a7: {  	[spmem:s3] =	stream.indirect.scatter.add.f32 [tilespmem:s16], [sflag:$0x6], $0x80, s25, s8, $0xb8;
	[tilespmem:$0x1F400] =	vst v63  }
0x3a8: {  	_ =	swait.ge [sflag:s6], $0x2800  }
0x3a9: {  	[sflag:s6] =	ssyncset.done $0x0  }
0x3aa: {  	s2 =	simm.s32 $0x400;
	[sflag:s6] =	ssyncadd.s32 $0xFFFFD800  }
0x3ab: {  	[tilespmem:s16], [sflag:$0x3] =	stream.indirect.gather [hbm4b:s1+s8], $0x80, s2, s8, $0xb8;
	[tilespmem:$0x1F400] =	vst v63  }
0x3ac: {  	_ =	swait.ge [sflag:s17], $0x2800  }
0x3ad: {  	[sflag:s17] =	ssyncset.done $0x0  }
0x3ae: {  	s7 =	simm.s32 $0x1300;
	[sflag:s17] =	ssyncadd.s32 $0xFFFFD800  }
0x3af: {  	[spmem:s3] =	stream.indirect.scatter.add.f32 [tilespmem:s9], [sflag:$0x6], $0x80, s7, s8, $0xb8;
	[tilespmem:$0x1F400] =	vst v63  }
0x3b0: {  	_ =	swait.ge [sflag:s6], $0x2800  }
0x3b1: {  	[sflag:s6] =	ssyncset.done $0x0  }
0x3b2: {  	s23 =	simm.s32 $0x480;
	[sflag:s6] =	ssyncadd.s32 $0xFFFFD800  }
0x3b3: {  	[tilespmem:s9], [sflag:$0x1] =	stream.indirect.gather [hbm4b:s1+s8], $0x80, s23, s8, $0xb8;
	[tilespmem:$0x1F400] =	vst v63  }
0x3b4: {  	_ =	swait.ge [sflag:s19], $0x2800  }
0x3b5: {  	[sflag:s19] =	ssyncset.done $0x0  }
0x3b6: {  	s24 =	simm.s32 $0x1380;
	[sflag:s19] =	ssyncadd.s32 $0xFFFFD800  }
0x3b7: {  	[spmem:s3] =	stream.indirect.scatter.add.f32 [tilespmem:s11], [sflag:$0x6], $0x80, s24, s8, $0xb8;
	[tilespmem:$0x1F400] =	vst v63  }
0x3b8: {  	_ =	swait.ge [sflag:s6], $0x2800  }
0x3b9: {  	[sflag:s6] =	ssyncset.done $0x0  }
0x3ba: {  	s25 =	simm.s32 $0x500;
	[sflag:s6] =	ssyncadd.s32 $0xFFFFD800  }
0x3bb: {  	[tilespmem:s11], [sflag:$0x2] =	stream.indirect.gather [hbm4b:s1+s8], $0x80, s25, s8, $0xb8;
	[tilespmem:$0x1F400] =	vst v63  }
0x3bc: {  	_ =	swait.ge [sflag:s22], $0x2800  }
0x3bd: {  	[sflag:s22] =	ssyncset.done $0x0  }
0x3be: {  	s2 =	simm.s32 $0x1400;
	[sflag:s22] =	ssyncadd.s32 $0xFFFFD800  }
0x3bf: {  	[spmem:s3] =	stream.indirect.scatter.add.f32 [tilespmem:s16], [sflag:$0x6], $0x80, s2, s8, $0xb8;
	[tilespmem:$0x1F400] =	vst v63  }
0x3c0: {  	_ =	swait.ge [sflag:s6], $0x2800  }
0x3c1: {  	[sflag:s6] =	ssyncset.done $0x0  }
0x3c2: {  	s7 =	simm.s32 $0x580;
	[sflag:s6] =	ssyncadd.s32 $0xFFFFD800  }
0x3c3: {  	[tilespmem:s16], [sflag:$0x3] =	stream.indirect.gather [hbm4b:s1+s8], $0x80, s7, s8, $0xb8;
	[tilespmem:$0x1F400] =	vst v63  }
0x3c4: {  	_ =	swait.ge [sflag:s17], $0x2800  }
0x3c5: {  	[sflag:s17] =	ssyncset.done $0x0  }
0x3c6: {  	s23 =	simm.s32 $0x1480;
	[sflag:s17] =	ssyncadd.s32 $0xFFFFD800  }
0x3c7: {  	[spmem:s3] =	stream.indirect.scatter.add.f32 [tilespmem:s9], [sflag:$0x6], $0x80, s23, s8, $0xb8;
	[tilespmem:$0x1F400] =	vst v63  }
0x3c8: {  	_ =	swait.ge [sflag:s6], $0x2800  }
0x3c9: {  	[sflag:s6] =	ssyncset.done $0x0  }
0x3ca: {  	s24 =	simm.s32 $0x600;
	[sflag:s6] =	ssyncadd.s32 $0xFFFFD800  }
0x3cb: {  	[tilespmem:s9], [sflag:$0x1] =	stream.indirect.gather [hbm4b:s1+s8], $0x80, s24, s8, $0xb8;
	[tilespmem:$0x1F400] =	vst v63  }
0x3cc: {  	_ =	swait.ge [sflag:s19], $0x2800  }
0x3cd: {  	[sflag:s19] =	ssyncset.done $0x0  }
0x3ce: {  	s25 =	simm.s32 $0x1500;
	[sflag:s19] =	ssyncadd.s32 $0xFFFFD800  }
0x3cf: {  	[spmem:s3] =	stream.indirect.scatter.add.f32 [tilespmem:s11], [sflag:$0x6], $0x80, s25, s8, $0xb8;
	[tilespmem:$0x1F400] =	vst v63  }
0x3d0: {  	_ =	swait.ge [sflag:s6], $0x2800  }
0x3d1: {  	[sflag:s6] =	ssyncset.done $0x0  }
0x3d2: {  	s2 =	simm.s32 $0x680;
	[sflag:s6] =	ssyncadd.s32 $0xFFFFD800  }
0x3d3: {  	[tilespmem:s11], [sflag:$0x2] =	stream.indirect.gather [hbm4b:s1+s8], $0x80, s2, s8, $0xb8;
	[tilespmem:$0x1F400] =	vst v63  }
0x3d4: {  	_ =	swait.ge [sflag:s22], $0x2800  }
0x3d5: {  	[sflag:s22] =	ssyncset.done $0x0  }
0x3d6: {  	s7 =	simm.s32 $0x1580;
	[sflag:s22] =	ssyncadd.s32 $0xFFFFD800  }
0x3d7: {  	[spmem:s3] =	stream.indirect.scatter.add.f32 [tilespmem:s16], [sflag:$0x6], $0x80, s7, s8, $0xb8;
	[tilespmem:$0x1F400] =	vst v63  }
0x3d8: {  	_ =	swait.ge [sflag:s6], $0x2800  }
0x3d9: {  	[sflag:s6] =	ssyncset.done $0x0  }
0x3da: {  	s23 =	simm.s32 $0x700;
	[sflag:s6] =	ssyncadd.s32 $0xFFFFD800  }
0x3db: {  	[tilespmem:s16], [sflag:$0x3] =	stream.indirect.gather [hbm4b:s1+s8], $0x80, s23, s8, $0xb8;
	[tilespmem:$0x1F400] =	vst v63  }
0x3dc: {  	_ =	swait.ge [sflag:s17], $0x2800  }
0x3dd: {  	[sflag:s17] =	ssyncset.done $0x0  }
0x3de: {  	s24 =	simm.s32 $0x1600;
	[sflag:s17] =	ssyncadd.s32 $0xFFFFD800  }
0x3df: {  	[spmem:s3] =	stream.indirect.scatter.add.f32 [tilespmem:s9], [sflag:$0x6], $0x80, s24, s8, $0xb8;
	[tilespmem:$0x1F400] =	vst v63  }
0x3e0: {  	_ =	swait.ge [sflag:s6], $0x2800  }
0x3e1: {  	[sflag:s6] =	ssyncset.done $0x0  }
0x3e2: {  	s25 =	simm.s32 $0x780;
	[sflag:s6] =	ssyncadd.s32 $0xFFFFD800  }
0x3e3: {  	[tilespmem:s9], [sflag:$0x1] =	stream.indirect.gather [hbm4b:s1+s8], $0x80, s25, s8, $0xb8;
	[tilespmem:$0x1F400] =	vst v63  }
0x3e4: {  	_ =	swait.ge [sflag:s19], $0x2800  }
0x3e5: {  	[sflag:s19] =	ssyncset.done $0x0  }
0x3e6: {  	s2 =	simm.s32 $0x1680;
	[sflag:s19] =	ssyncadd.s32 $0xFFFFD800  }
0x3e7: {  	[spmem:s3] =	stream.indirect.scatter.add.f32 [tilespmem:s11], [sflag:$0x6], $0x80, s2, s8, $0xb8;
	[tilespmem:$0x1F400] =	vst v63  }
0x3e8: {  	_ =	swait.ge [sflag:s6], $0x2800  }
0x3e9: {  	[sflag:s6] =	ssyncset.done $0x0  }
0x3ea: {  	s7 =	simm.s32 $0x800;
	[sflag:s6] =	ssyncadd.s32 $0xFFFFD800  }
0x3eb: {  	[tilespmem:s11], [sflag:$0x2] =	stream.indirect.gather [hbm4b:s1+s8], $0x80, s7, s8, $0xb8;
	[tilespmem:$0x1F400] =	vst v63  }
0x3ec: {  	_ =	swait.ge [sflag:s22], $0x2800  }
0x3ed: {  	[sflag:s22] =	ssyncset.done $0x0  }
0x3ee: {  	s23 =	simm.s32 $0x1700;
	[sflag:s22] =	ssyncadd.s32 $0xFFFFD800  }
0x3ef: {  	[spmem:s3] =	stream.indirect.scatter.add.f32 [tilespmem:s16], [sflag:$0x6], $0x80, s23, s8, $0xb8;
	[tilespmem:$0x1F400] =	vst v63  }
0x3f0: {  	_ =	swait.ge [sflag:s6], $0x2800  }
0x3f1: {  	[sflag:s6] =	ssyncset.done $0x0  }
0x3f2: {  	s24 =	simm.s32 $0x880;
	[sflag:s6] =	ssyncadd.s32 $0xFFFFD800  }
0x3f3: {  	[tilespmem:s16], [sflag:$0x3] =	stream.indirect.gather [hbm4b:s1+s8], $0x80, s24, s8, $0xb8;
	[tilespmem:$0x1F400] =	vst v63  }
0x3f4: {  	_ =	swait.ge [sflag:s17], $0x2800  }
0x3f5: {  	[sflag:s17] =	ssyncset.done $0x0  }
0x3f6: {  	s25 =	simm.s32 $0x1780;
	[sflag:s17] =	ssyncadd.s32 $0xFFFFD800  }
0x3f7: {  	[spmem:s3] =	stream.indirect.scatter.add.f32 [tilespmem:s9], [sflag:$0x6], $0x80, s25, s8, $0xb8;
	[tilespmem:$0x1F400] =	vst v63  }
0x3f8: {  	_ =	swait.ge [sflag:s6], $0x2800  }
0x3f9: {  	[sflag:s6] =	ssyncset.done $0x0  }
0x3fa: {  	s2 =	simm.s32 $0x900;
	[sflag:s6] =	ssyncadd.s32 $0xFFFFD800  }
0x3fb: {  	[tilespmem:s9], [sflag:$0x1] =	stream.indirect.gather [hbm4b:s1+s8], $0x80, s2, s8, $0xb8;
	[tilespmem:$0x1F400] =	vst v63  }
0x3fc: {  	_ =	swait.ge [sflag:s19], $0x2800  }
0x3fd: {  	[sflag:s19] =	ssyncset.done $0x0  }
0x3fe: {  	s7 =	simm.s32 $0x1800;
	[sflag:s19] =	ssyncadd.s32 $0xFFFFD800  }
0x3ff: {  	[spmem:s3] =	stream.indirect.scatter.add.f32 [tilespmem:s11], [sflag:$0x6], $0x80, s7, s8, $0xb8;
	[tilespmem:$0x1F400] =	vst v63  }
0x400: {  	_ =	swait.ge [sflag:s6], $0x2800  }
0x401: {  	[sflag:s6] =	ssyncset.done $0x0  }
0x402: {  	s23 =	simm.s32 $0x980;
	[sflag:s6] =	ssyncadd.s32 $0xFFFFD800  }
0x403: {  	[tilespmem:s11], [sflag:$0x2] =	stream.indirect.gather [hbm4b:s1+s8], $0x80, s23, s8, $0xb8;
	[tilespmem:$0x1F400] =	vst v63  }
0x404: {  	_ =	swait.ge [sflag:s22], $0x2800  }
0x405: {  	[sflag:s22] =	ssyncset.done $0x0  }
0x406: {  	s24 =	simm.s32 $0x1880;
	[sflag:s22] =	ssyncadd.s32 $0xFFFFD800  }
0x407: {  	[spmem:s3] =	stream.indirect.scatter.add.f32 [tilespmem:s16], [sflag:$0x6], $0x80, s24, s8, $0xb8;
	[tilespmem:$0x1F400] =	vst v63  }
0x408: {  	_ =	swait.ge [sflag:s6], $0x2800  }
0x409: {  	[sflag:s6] =	ssyncset.done $0x0  }
0x40a: {  	s25 =	simm.s32 $0xA00;
	[sflag:s6] =	ssyncadd.s32 $0xFFFFD800  }
0x40b: {  	[tilespmem:s16], [sflag:$0x3] =	stream.indirect.gather [hbm4b:s1+s8], $0x80, s25, s8, $0xb8;
	[tilespmem:$0x1F400] =	vst v63  }
0x40c: {  	_ =	swait.ge [sflag:s17], $0x2800  }
0x40d: {  	[sflag:s17] =	ssyncset.done $0x0  }
0x40e: {  	s2 =	simm.s32 $0x1900;
	[sflag:s17] =	ssyncadd.s32 $0xFFFFD800  }
0x40f: {  	[spmem:s3] =	stream.indirect.scatter.add.f32 [tilespmem:s9], [sflag:$0x6], $0x80, s2, s8, $0xb8;
	[tilespmem:$0x1F400] =	vst v63  }
0x410: {  	_ =	swait.ge [sflag:s6], $0x2800  }
0x411: {  	[sflag:s6] =	ssyncset.done $0x0  }
0x412: {  	s7 =	simm.s32 $0xA80;
	[sflag:s6] =	ssyncadd.s32 $0xFFFFD800  }
0x413: {  	[tilespmem:s9], [sflag:$0x1] =	stream.indirect.gather [hbm4b:s1+s8], $0x80, s7, s8, $0xb8;
	[tilespmem:$0x1F400] =	vst v63  }
0x414: {  	_ =	swait.ge [sflag:s19], $0x2800  }
0x415: {  	[sflag:s19] =	ssyncset.done $0x0  }
0x416: {  	s23 =	simm.s32 $0x1980;
	[sflag:s19] =	ssyncadd.s32 $0xFFFFD800  }
0x417: {  	[spmem:s3] =	stream.indirect.scatter.add.f32 [tilespmem:s11], [sflag:$0x6], $0x80, s23, s8, $0xb8;
	[tilespmem:$0x1F400] =	vst v63  }
0x418: {  	_ =	swait.ge [sflag:s6], $0x2800  }
0x419: {  	[sflag:s6] =	ssyncset.done $0x0  }
0x41a: {  	s24 =	simm.s32 $0xB00;
	[sflag:s6] =	ssyncadd.s32 $0xFFFFD800  }
0x41b: {  	[tilespmem:s11], [sflag:$0x2] =	stream.indirect.gather [hbm4b:s1+s8], $0x80, s24, s8, $0xb8;
	[tilespmem:$0x1F400] =	vst v63  }
0x41c: {  	_ =	swait.ge [sflag:s22], $0x2800  }
0x41d: {  	[sflag:s22] =	ssyncset.done $0x0  }
0x41e: {  	s25 =	simm.s32 $0x1A00;
	[sflag:s22] =	ssyncadd.s32 $0xFFFFD800  }
0x41f: {  	[spmem:s3] =	stream.indirect.scatter.add.f32 [tilespmem:s16], [sflag:$0x6], $0x80, s25, s8, $0xb8;
	[tilespmem:$0x1F400] =	vst v63  }
0x420: {  	_ =	swait.ge [sflag:s6], $0x2800  }
0x421: {  	[sflag:s6] =	ssyncset.done $0x0  }
0x422: {  	s2 =	simm.s32 $0xB80;
	[sflag:s6] =	ssyncadd.s32 $0xFFFFD800  }
0x423: {  	[tilespmem:s16], [sflag:$0x3] =	stream.indirect.gather [hbm4b:s1+s8], $0x80, s2, s8, $0xb8;
	[tilespmem:$0x1F400] =	vst v63  }
0x424: {  	_ =	swait.ge [sflag:s17], $0x2800  }
0x425: {  	[sflag:s17] =	ssyncset.done $0x0  }
0x426: {  	s7 =	simm.s32 $0x1A80;
	[sflag:s17] =	ssyncadd.s32 $0xFFFFD800  }
0x427: {  	[spmem:s3] =	stream.indirect.scatter.add.f32 [tilespmem:s9], [sflag:$0x6], $0x80, s7, s8, $0xb8;
	[tilespmem:$0x1F400] =	vst v63  }
0x428: {  	_ =	swait.ge [sflag:s6], $0x2800  }
0x429: {  	[sflag:s6] =	ssyncset.done $0x0  }
0x42a: {  	s23 =	simm.s32 $0xC00;
	[sflag:s6] =	ssyncadd.s32 $0xFFFFD800  }
0x42b: {  	[tilespmem:s9], [sflag:$0x1] =	stream.indirect.gather [hbm4b:s1+s8], $0x80, s23, s8, $0xb8;
	[tilespmem:$0x1F400] =	vst v63  }
0x42c: {  	_ =	swait.ge [sflag:s19], $0x2800  }
0x42d: {  	[sflag:s19] =	ssyncset.done $0x0  }
0x42e: {  	s24 =	simm.s32 $0x1B00;
	[sflag:s19] =	ssyncadd.s32 $0xFFFFD800  }
0x42f: {  	[spmem:s3] =	stream.indirect.scatter.add.f32 [tilespmem:s11], [sflag:$0x6], $0x80, s24, s8, $0xb8;
	[tilespmem:$0x1F400] =	vst v63  }
0x430: {  	_ =	swait.ge [sflag:s6], $0x2800  }
0x431: {  	[sflag:s6] =	ssyncset.done $0x0  }
0x432: {  	[sflag:s6] =	ssyncadd.s32 $0xFFFFD800  }
0x433: {  	_ =	swait.ge [sflag:s22], $0x2800  }
0x434: {  	[sflag:s22] =	ssyncset.done $0x0  }
0x435: {  	s25 =	simm.s32 $0x1B80;
	[sflag:s22] =	ssyncadd.s32 $0xFFFFD800  }
0x436: {  	[spmem:s3] =	stream.indirect.scatter.add.f32 [tilespmem:s16], [sflag:$0x6], $0x80, s25, s8, $0xb8;
	[tilespmem:$0x1F400] =	vst v63  }
0x437: {  	_ =	swait.ge [sflag:s6], $0x2800  }
0x438: {  	[sflag:s6] =	ssyncset.done $0x0  }
0x439: {  	[sflag:s6] =	ssyncadd.s32 $0xFFFFD800  }
0x43a: {  	_ =	swait.ge [sflag:s17], $0x2800  }
0x43b: {  	[sflag:s17] =	ssyncset.done $0x0  }
0x43c: {  	s2 =	simm.s32 $0x1C00;
	[sflag:s17] =	ssyncadd.s32 $0xFFFFD800  }
0x43d: {  	[spmem:s3] =	stream.indirect.scatter.add.f32 [tilespmem:s9], [sflag:$0x6], $0x80, s2, s8, $0xb8;
	[tilespmem:$0x1F400] =	vst v63  }
0x43e: {  	_ =	swait.ge [sflag:s6], $0x2800  }
0x43f: {  	[sflag:s6] =	ssyncset.done $0x0  }
0x440: {  	[sflag:s6] =	ssyncadd.s32 $0xFFFFD800  }
0x441: {  	[bflag:$0x0] =	sbarrier.arrive $0xFFFF  }
0x442: {  	s7 =	rddreg [dreg:$0x10]  }
0x443: {  	p0 =	sne.s32 s5, $0x1;
	s23 =	rddreg [dreg:$0x11]  }
.Ltmp0:
0x444: {  	s25 =	rddreg [dreg:$0x12];
	(pc) =	sbr.rel @p0 .LBB2_1-.Ltmp0, $4  }
0x445: {  	[hbm:s7], [sflag:s25] =	dma.local [spmem:s23], $0x2780  }
0x446: {  	_ =	swait.ge [sflag:s6], $0x2780  }
0x447: {  	[sflag:s6] =	ssyncset.done $0x0  }
0x448: {  	s5 =	sadd.s32 $0xFFFFFFFF, s5;
	[sflag:s6] =	ssyncadd.s32 $0xFFFFD880  }
0x449: {  	_ =	sfence.sel $0x180000  }
0x44a: {  	[bflag:$0x0] =	sbarrier.arrive $0xFFFF  }
0x44b: {  	_ =	strace $0x90000047  }
0x44c: {  	s0 =	stileid.u32;
	[bflag:$0x2] =	sbarrier.arrive $0xFFFF  }
0x44d: {  	p0 =	sne.s32 s0, $0x0;
	s0 =	rddreg [dreg:$0x4]  }
0x44e: {  	s0 =	sadd.s32 @!p0 $0x100000, s0  }
0x44f: {  	[sflag:s0] =	ssyncadd.tile.s32 @!p0 $0x1;
	_ =	shalt  }
.Lfunc_end2:
_tile_overlayer_lowered:
.L_overlay_start_2:
0x450: {  	(tag) =	ssettag $0x2  }
0x451: {  	s0 =	rddreg [dreg:$0x0];
	s2 =	stileid.u32  }
0x452: {  	s1 =	rddreg [dreg:$0x1];
	p0 =	sne.s32 s2, $0x0  }
0x453: {  	s3 =	rddreg [dreg:$0x2];
	[bflag:$0x3] =	sbarrier.arrive $0xFFFF;
	s2 =	simm.s32 @!p0 $0x1C06  }
0x454: {  	[timem:s3], [sflag:s2] =	dma.local @!p0 [hbm:s0], s1  }
0x455: {  	s0 =	simm.s32 @!p0 $0x6  }
0x456: {  	_ =	swait.ge @!p0 [sflag:s0], s1  }
0x457: {  	s1 =	ssub.s32 @!p0 $0x0, s1;
	[sflag:s0] =	ssyncset.done @!p0 $0x0  }
0x458: {  	[sflag:s0] =	ssyncadd.s32 @!p0 s1  }
0x459: {  	[bflag:$0x3] =	sbarrier.arrive $0xFFFF  }
0x45a: {  	_ =	shalt  }

</sc_bundles>
